<compile_context>
chip_gen: v7x
topology: tpu7x:2x2x1
jax: 0.10.2.dev20260603
libtpu: 0.0.44.dev20260713+nightly
codegen_flags: <defaults>
</compile_context>

<pallas_src>
import jax
import jax.numpy as jnp
from jax import lax
from jax.experimental import pallas as pl
from jax.experimental.pallas import tpu as pltpu
from jax.experimental.pallas import tpu_sc as plsc

PATHS = 16
N_TOKENS = 16384
D_MODEL = 2048

NC = 2
NS = 16
NW = NC * NS
B_PER_W = N_TOKENS // NW
CHUNK = 16
NCHUNK = B_PER_W // CHUNK
NBUF = 3


def _worker_id():
  return lax.axis_index("s") * NC + lax.axis_index("c")


def _route_body(score_hbm, route_hbm, hist_hbm, score_v, route_v, hist_v):
  wid = _worker_id()
  pltpu.sync_copy(score_hbm.at[pl.ds(wid * B_PER_W * PATHS, B_PER_W * PATHS)],
                  score_v)
  lane = lax.iota(jnp.int32, 16)

  @pl.loop(0, NCHUNK, init_carry=jnp.zeros(16, jnp.int32))
  def hist_loop(g, hist):
    flat = (g * CHUNK + lane) * PATHS
    best = plsc.load_gather(score_v, [flat])
    arg = jnp.zeros(16, jnp.int32)
    for p in range(1, PATHS):
      vals = plsc.load_gather(score_v, [flat + p])
      m = vals > best
      best = jnp.where(m, vals, best)
      arg = jnp.where(m, p, arg)
    route_v[g] = arg
    for p in range(PATHS):
      cnt = plsc.all_reduce_population_count(arg == p)
      hist = hist + jnp.where(lane == p, cnt, 0)
    return hist

  hist_v[...] = hist_loop
  pltpu.sync_copy(route_v, route_hbm.at[pl.ds(wid * NCHUNK, NCHUNK)])
  pltpu.sync_copy(hist_v, hist_hbm.at[wid])


def _dispatch_body(inputs_hbm, route_hbm, hist_hbm,
                   out_hbm, counts_hbm,
                   hist_all_v, route_v, carry_v, tot_v,
                   rows0, rows1, rows2, g0, g1, g2, s0, s1, s2):
  wid = _worker_id()
  row_base = wid * B_PER_W

  bufs = (rows0, rows1, rows2)
  gsems = (g0, g1, g2)
  ssems = (s0, s1, s2)

  def start_in(k, b):
    pltpu.async_copy(
        inputs_hbm.at[pl.ds(row_base + k * CHUNK, CHUNK)], bufs[b], gsems[b])

  for b in range(NBUF):
    start_in(b, b)

  pltpu.sync_copy(hist_hbm, hist_all_v)
  pltpu.sync_copy(route_hbm.at[pl.ds(wid * NCHUNK, NCHUNK)], route_v)
  lane = lax.iota(jnp.int32, 16)

  widv = jnp.full((16,), 0, jnp.int32) + wid
  total = jnp.zeros(16, jnp.int32)
  prior = jnp.zeros(16, jnp.int32)
  for w2 in range(NW):
    h = hist_all_v[w2]
    total = total + h
    prior = prior + jnp.where(jnp.full((16,), w2, jnp.int32) < widv, h, 0)
  path_base = plsc.cumsum(total) - total
  carry_v[...] = path_base + prior

  tot_v[...] = total

  @pl.when(wid == 0)
  def _():
    pltpu.sync_copy(tot_v, counts_hbm)

  @pl.loop(0, NCHUNK, step=NBUF)
  def _(j):
    for b in range(NBUF):
      k = j + b

      @pl.when(k < NCHUNK)
      def _():
        arg = route_v[k]
        dest_base = plsc.load_gather(carry_v, [arg])
        rank = jnp.zeros(16, jnp.int32)
        ghist = jnp.zeros(16, jnp.int32)
        for p in range(PATHS):
          m = arg == p
          cs = plsc.cumsum(m.astype(jnp.int32))
          rank = jnp.where(m, cs - 1, rank)
          ghist = ghist + jnp.where(lane == p,
                                    plsc.all_reduce_population_count(m), 0)
        dest = dest_base + rank
        carry_v[...] = carry_v[...] + ghist
        pltpu.make_async_copy(
            inputs_hbm.at[pl.ds(row_base + k * CHUNK, CHUNK)], bufs[b],
            gsems[b]).wait()
        store = pltpu.async_copy(bufs[b], out_hbm.at[dest], ssems[b])
        store.wait()

        @pl.when(k + NBUF < NCHUNK)
        def _():
          start_in(k + NBUF, b)


def _mesh():
  return plsc.VectorSubcoreMesh(
      core_axis_name="c", subcore_axis_name="s", num_cores=NC,
      num_subcores=NS)


@jax.jit
def _run(inputs, score):
  route2d, hist = pl.kernel(
      _route_body,
      out_type=(jax.ShapeDtypeStruct((N_TOKENS // CHUNK, CHUNK), jnp.int32),
                jax.ShapeDtypeStruct((NW, PATHS), jnp.int32)),
      mesh=_mesh(),
      compiler_params=pltpu.CompilerParams(needs_layout_passes=False),
      scratch_types=[
          pltpu.VMEM((B_PER_W * PATHS,), jnp.float32),
          pltpu.VMEM((NCHUNK, CHUNK), jnp.int32),
          pltpu.VMEM((PATHS,), jnp.int32),
      ],
  )(score)

  dispatched, counts = pl.kernel(
      _dispatch_body,
      out_type=(jax.ShapeDtypeStruct((N_TOKENS, D_MODEL), jnp.float32),
                jax.ShapeDtypeStruct((PATHS,), jnp.int32)),
      mesh=_mesh(),
      compiler_params=pltpu.CompilerParams(needs_layout_passes=False),
      scratch_types=[
          pltpu.VMEM((NW, PATHS), jnp.int32),
          pltpu.VMEM((NCHUNK, CHUNK), jnp.int32),
          pltpu.VMEM((PATHS,), jnp.int32),
          pltpu.VMEM((PATHS,), jnp.int32),
          pltpu.VMEM((CHUNK, D_MODEL), jnp.float32),
          pltpu.VMEM((CHUNK, D_MODEL), jnp.float32),
          pltpu.VMEM((CHUNK, D_MODEL), jnp.float32),
          pltpu.SemaphoreType.DMA,
          pltpu.SemaphoreType.DMA,
          pltpu.SemaphoreType.DMA,
          pltpu.SemaphoreType.DMA,
          pltpu.SemaphoreType.DMA,
          pltpu.SemaphoreType.DMA,
      ],
  )(inputs, route2d, hist)

  return dispatched, route2d.reshape(N_TOKENS), counts


def kernel(inputs):
  n = inputs.shape[0]
  gate_key = jax.random.fold_in(jax.random.key(42), 0)
  score = jax.random.normal(gate_key, (n * PATHS,), dtype=jnp.float32)
  return _run(inputs, score)

# --- scband reference (transcript-rebuilt; emitter-appended) ---
"""Pipeline reference for scband-rand-scatter-27797028339997 (READ-ONLY COPY).

The authoritative reference and input builder live on the scoring server;
editing this copy changes nothing except your own understanding.
"""

import jax, jax.numpy as jnp
import numpy as np

PATH_NUM = 16


def setup_inputs(seed: int = 0) -> dict:
    key = jax.random.key(seed)
    k1, _ = jax.random.split(key)
    inputs = jax.random.normal(k1, (16384, 2048), dtype=jnp.float32)
    return {"inputs": inputs}


def reference(inputs):
    # rand_gate: random gating scores [N, path_num] (deterministic key for reproducibility)
    N = inputs.shape[0]
    gate_key = jax.random.fold_in(jax.random.key(42), 0)
    score = jax.random.normal(gate_key, (N, PATH_NUM), dtype=jnp.float32)
    # ScatterRouter(protocol='topk', k=1): each token routed to argmax path
    route_idx = jnp.argmax(score, axis=1)
    # dispatch fabric: compact tokens per path. We realize this as a stable
    # sort-by-path permutation gather: tokens for path p occupy a contiguous
    # slice of length counts[p] in `dispatched` (the concatenation of the
    # per-path dispatched tensors, in path order).
    perm = jnp.argsort(route_idx, stable=True)
    dispatched = jnp.take(inputs, perm, axis=0)
    counts = jnp.bincount(route_idx, length=PATH_NUM)
    return dispatched, route_idx, counts

if __name__ == "__main__":
    import jax
    _d = setup_inputs()
    print(jax.jit(kernel)(*tuple(_d.values())))

</pallas_src>

<mosaic_0001>
#map = affine_map<(d0, d1) -> (0)>
#map1 = affine_map<(d0, d1) -> (0, 0)>
module attributes {stable_mosaic.version = 14 : i64} {
  func.func @_route_body(%arg0: i32, %arg1: i32, %arg2: memref<262144xf32, #tpu.memory_space<hbm>>, %arg3: memref<1024x16xi32, #tpu.memory_space<hbm>>, %arg4: memref<32x16xi32, #tpu.memory_space<hbm>>, %arg5: memref<8192xf32, #tpu.memory_space<vmem>>, %arg6: memref<32x16xi32, #tpu.memory_space<vmem>>, %arg7: memref<16xi32, #tpu.memory_space<vmem>>) attributes {dimension_semantics = [#tpu.dimension_semantics<core_parallel>, #tpu.dimension_semantics<subcore_parallel>], iteration_bounds = array<i64: 2, 16>, scalar_prefetch = 0 : i64, scratch_operands = 3 : i64, tpu.core_type = #tpu.core_type<sc_vector_subcore>, window_params = [{transform_indices = #map}, {transform_indices = #map1}, {transform_indices = #map1}]} {
    %mul3A = arith.constant 2 : i32
    %mul3A_0 = arith.muli %arg1, %mul3A : i32
    %add3A = arith.addi %mul3A_0, %arg0 : i32
    %mul3A_1 = arith.constant 512 : i32
    %mul3A_2 = arith.muli %add3A, %mul3A_1 : i32
    %mul3A_3 = arith.constant 16 : i32
    %mul3A_4 = arith.muli %mul3A_2, %mul3A_3 : i32
    "tpu.region"() ({
      %run_scoped3A = tpu.sem_alloc : memref<!tpu.dma_semaphore, #tpu.memory_space<semaphore_mem>>
      %dma_start3A = tpu.memref_slice %arg2[%mul3A_4] : memref<262144xf32, #tpu.memory_space<hbm>> -> memref<8192xf32, #tpu.memory_space<hbm>>
      %dma_start3A_14 = tpu.memref_slice %arg2[%mul3A_4] : memref<262144xf32, #tpu.memory_space<hbm>> -> memref<8192xf32, #tpu.memory_space<hbm>>
      tpu.enqueue_dma source(%dma_start3A_14 : memref<8192xf32, #tpu.memory_space<hbm>>) target(%arg5 : memref<8192xf32, #tpu.memory_space<vmem>>) target_semaphore(%run_scoped3A : memref<!tpu.dma_semaphore, #tpu.memory_space<semaphore_mem>>)
      %dma_wait3A = tpu.memref_slice %arg2[%mul3A_4] : memref<262144xf32, #tpu.memory_space<hbm>> -> memref<8192xf32, #tpu.memory_space<hbm>>
      %dma_wait3A_15 = tpu.memref_slice %arg2[%mul3A_4] : memref<262144xf32, #tpu.memory_space<hbm>> -> memref<8192xf32, #tpu.memory_space<hbm>>
      tpu.wait_dma2 semaphore(%run_scoped3A : memref<!tpu.dma_semaphore, #tpu.memory_space<semaphore_mem>>) src(%dma_wait3A_15 : memref<8192xf32, #tpu.memory_space<hbm>>) dst(%arg5 : memref<8192xf32, #tpu.memory_space<vmem>>)
      tpu.yield
    }) : () -> ()
    %iota3A = tpu.iota {dimensions = array<i32: 0>} : vector<16xi32>
    %broadcast_in_dim3A = arith.constant 0 : i32
    %broadcast_in_dim3A_5 = vector.broadcast %broadcast_in_dim3A : i32 to vector<16xi32>
    %scan3A = arith.constant 0 : i32
    %scan3A_6 = arith.constant 32 : i32
    %scan3A_7 = arith.addi %scan3A, %scan3A_6 : i32
    %scan3A_8 = arith.constant 1 : i32
    %scan3A_9 = scf.for %scan3A_14 = %scan3A to %scan3A_7 step %scan3A_8 iter_args(%scan3A_15 = %broadcast_in_dim3A_5) -> (vector<16xi32>)  : i32 {
      %mul3A_16 = arith.constant 1 : i32
      %mul3A_17 = arith.muli %scan3A_14, %mul3A_16 : i32
      %add3A_18 = arith.constant 0 : i32
      %add3A_19 = arith.addi %add3A_18, %mul3A_17 : i32
      %mul3A_20 = arith.constant 16 : i32
      %mul3A_21 = arith.muli %add3A_19, %mul3A_20 : i32
      %add3A_22 = vector.broadcast %mul3A_21 : i32 to vector<16xi32>
      %add3A_23 = arith.addi %add3A_22, %iota3A : vector<16xi32>
      %mul3A_24 = arith.constant 16 : i32
      %mul3A_25 = vector.broadcast %mul3A_24 : i32 to vector<16xi32>
      %mul3A_26 = arith.muli %add3A_23, %mul3A_25 : vector<16xi32>
      %gather3A = tpu.vector_load_idx %arg5[%mul3A_26] : memref<8192xf32, #tpu.memory_space<vmem>>[vector<16xi32>], vector<16xf32>,
      %broadcast_in_dim3A_27 = arith.constant 0 : i32
      %broadcast_in_dim3A_28 = vector.broadcast %broadcast_in_dim3A_27 : i32 to vector<16xi32>
      %add3A_29 = arith.constant 1 : i32
      %add3A_30 = vector.broadcast %add3A_29 : i32 to vector<16xi32>
      %add3A_31 = arith.addi %mul3A_26, %add3A_30 : vector<16xi32>
      %gather3A_32 = tpu.vector_load_idx %arg5[%add3A_31] : memref<8192xf32, #tpu.memory_space<vmem>>[vector<16xi32>], vector<16xf32>,
      %gt3A = arith.cmpf ogt, %gather3A_32, %gather3A : vector<16xf32>
      %select_n3A = arith.select %gt3A, %gather3A_32, %gather3A : vector<16xi1>, vector<16xf32>
      %jit3A = arith.constant 1 : i32
      %broadcast_in_dim3A_33 = vector.broadcast %jit3A : i32 to vector<16xi32>
      %select_n3A_34 = arith.select %gt3A, %broadcast_in_dim3A_33, %broadcast_in_dim3A_28 : vector<16xi1>, vector<16xi32>
      %add3A_35 = arith.constant 2 : i32
      %add3A_36 = vector.broadcast %add3A_35 : i32 to vector<16xi32>
      %add3A_37 = arith.addi %mul3A_26, %add3A_36 : vector<16xi32>
      %gather3A_38 = tpu.vector_load_idx %arg5[%add3A_37] : memref<8192xf32, #tpu.memory_space<vmem>>[vector<16xi32>], vector<16xf32>,
      %gt3A_39 = arith.cmpf ogt, %gather3A_38, %select_n3A : vector<16xf32>
      %select_n3A_40 = arith.select %gt3A_39, %gather3A_38, %select_n3A : vector<16xi1>, vector<16xf32>
      %jit3A_41 = arith.constant 2 : i32
      %broadcast_in_dim3A_42 = vector.broadcast %jit3A_41 : i32 to vector<16xi32>
      %select_n3A_43 = arith.select %gt3A_39, %broadcast_in_dim3A_42, %select_n3A_34 : vector<16xi1>, vector<16xi32>
      %add3A_44 = arith.constant 3 : i32
      %add3A_45 = vector.broadcast %add3A_44 : i32 to vector<16xi32>
      %add3A_46 = arith.addi %mul3A_26, %add3A_45 : vector<16xi32>
      %gather3A_47 = tpu.vector_load_idx %arg5[%add3A_46] : memref<8192xf32, #tpu.memory_space<vmem>>[vector<16xi32>], vector<16xf32>,
      %gt3A_48 = arith.cmpf ogt, %gather3A_47, %select_n3A_40 : vector<16xf32>
      %select_n3A_49 = arith.select %gt3A_48, %gather3A_47, %select_n3A_40 : vector<16xi1>, vector<16xf32>
      %jit3A_50 = arith.constant 3 : i32
      %broadcast_in_dim3A_51 = vector.broadcast %jit3A_50 : i32 to vector<16xi32>
      %select_n3A_52 = arith.select %gt3A_48, %broadcast_in_dim3A_51, %select_n3A_43 : vector<16xi1>, vector<16xi32>
      %add3A_53 = arith.constant 4 : i32
      %add3A_54 = vector.broadcast %add3A_53 : i32 to vector<16xi32>
      %add3A_55 = arith.addi %mul3A_26, %add3A_54 : vector<16xi32>
      %gather3A_56 = tpu.vector_load_idx %arg5[%add3A_55] : memref<8192xf32, #tpu.memory_space<vmem>>[vector<16xi32>], vector<16xf32>,
      %gt3A_57 = arith.cmpf ogt, %gather3A_56, %select_n3A_49 : vector<16xf32>
      %select_n3A_58 = arith.select %gt3A_57, %gather3A_56, %select_n3A_49 : vector<16xi1>, vector<16xf32>
      %jit3A_59 = arith.constant 4 : i32
      %broadcast_in_dim3A_60 = vector.broadcast %jit3A_59 : i32 to vector<16xi32>
      %select_n3A_61 = arith.select %gt3A_57, %broadcast_in_dim3A_60, %select_n3A_52 : vector<16xi1>, vector<16xi32>
      %add3A_62 = arith.constant 5 : i32
      %add3A_63 = vector.broadcast %add3A_62 : i32 to vector<16xi32>
      %add3A_64 = arith.addi %mul3A_26, %add3A_63 : vector<16xi32>
      %gather3A_65 = tpu.vector_load_idx %arg5[%add3A_64] : memref<8192xf32, #tpu.memory_space<vmem>>[vector<16xi32>], vector<16xf32>,
      %gt3A_66 = arith.cmpf ogt, %gather3A_65, %select_n3A_58 : vector<16xf32>
      %select_n3A_67 = arith.select %gt3A_66, %gather3A_65, %select_n3A_58 : vector<16xi1>, vector<16xf32>
      %jit3A_68 = arith.constant 5 : i32
      %broadcast_in_dim3A_69 = vector.broadcast %jit3A_68 : i32 to vector<16xi32>
      %select_n3A_70 = arith.select %gt3A_66, %broadcast_in_dim3A_69, %select_n3A_61 : vector<16xi1>, vector<16xi32>
      %add3A_71 = arith.constant 6 : i32
      %add3A_72 = vector.broadcast %add3A_71 : i32 to vector<16xi32>
      %add3A_73 = arith.addi %mul3A_26, %add3A_72 : vector<16xi32>
      %gather3A_74 = tpu.vector_load_idx %arg5[%add3A_73] : memref<8192xf32, #tpu.memory_space<vmem>>[vector<16xi32>], vector<16xf32>,
      %gt3A_75 = arith.cmpf ogt, %gather3A_74, %select_n3A_67 : vector<16xf32>
      %select_n3A_76 = arith.select %gt3A_75, %gather3A_74, %select_n3A_67 : vector<16xi1>, vector<16xf32>
      %jit3A_77 = arith.constant 6 : i32
      %broadcast_in_dim3A_78 = vector.broadcast %jit3A_77 : i32 to vector<16xi32>
      %select_n3A_79 = arith.select %gt3A_75, %broadcast_in_dim3A_78, %select_n3A_70 : vector<16xi1>, vector<16xi32>
      %add3A_80 = arith.constant 7 : i32
      %add3A_81 = vector.broadcast %add3A_80 : i32 to vector<16xi32>
      %add3A_82 = arith.addi %mul3A_26, %add3A_81 : vector<16xi32>
      %gather3A_83 = tpu.vector_load_idx %arg5[%add3A_82] : memref<8192xf32, #tpu.memory_space<vmem>>[vector<16xi32>], vector<16xf32>,
      %gt3A_84 = arith.cmpf ogt, %gather3A_83, %select_n3A_76 : vector<16xf32>
      %select_n3A_85 = arith.select %gt3A_84, %gather3A_83, %select_n3A_76 : vector<16xi1>, vector<16xf32>
      %jit3A_86 = arith.constant 7 : i32
      %broadcast_in_dim3A_87 = vector.broadcast %jit3A_86 : i32 to vector<16xi32>
      %select_n3A_88 = arith.select %gt3A_84, %broadcast_in_dim3A_87, %select_n3A_79 : vector<16xi1>, vector<16xi32>
      %add3A_89 = arith.constant 8 : i32
      %add3A_90 = vector.broadcast %add3A_89 : i32 to vector<16xi32>
      %add3A_91 = arith.addi %mul3A_26, %add3A_90 : vector<16xi32>
      %gather3A_92 = tpu.vector_load_idx %arg5[%add3A_91] : memref<8192xf32, #tpu.memory_space<vmem>>[vector<16xi32>], vector<16xf32>,
      %gt3A_93 = arith.cmpf ogt, %gather3A_92, %select_n3A_85 : vector<16xf32>
      %select_n3A_94 = arith.select %gt3A_93, %gather3A_92, %select_n3A_85 : vector<16xi1>, vector<16xf32>
      %jit3A_95 = arith.constant 8 : i32
      %broadcast_in_dim3A_96 = vector.broadcast %jit3A_95 : i32 to vector<16xi32>
      %select_n3A_97 = arith.select %gt3A_93, %broadcast_in_dim3A_96, %select_n3A_88 : vector<16xi1>, vector<16xi32>
      %add3A_98 = arith.constant 9 : i32
      %add3A_99 = vector.broadcast %add3A_98 : i32 to vector<16xi32>
      %add3A_100 = arith.addi %mul3A_26, %add3A_99 : vector<16xi32>
      %gather3A_101 = tpu.vector_load_idx %arg5[%add3A_100] : memref<8192xf32, #tpu.memory_space<vmem>>[vector<16xi32>], vector<16xf32>,
      %gt3A_102 = arith.cmpf ogt, %gather3A_101, %select_n3A_94 : vector<16xf32>
      %select_n3A_103 = arith.select %gt3A_102, %gather3A_101, %select_n3A_94 : vector<16xi1>, vector<16xf32>
      %jit3A_104 = arith.constant 9 : i32
      %broadcast_in_dim3A_105 = vector.broadcast %jit3A_104 : i32 to vector<16xi32>
      %select_n3A_106 = arith.select %gt3A_102, %broadcast_in_dim3A_105, %select_n3A_97 : vector<16xi1>, vector<16xi32>
      %add3A_107 = arith.constant 10 : i32
      %add3A_108 = vector.broadcast %add3A_107 : i32 to vector<16xi32>
      %add3A_109 = arith.addi %mul3A_26, %add3A_108 : vector<16xi32>
      %gather3A_110 = tpu.vector_load_idx %arg5[%add3A_109] : memref<8192xf32, #tpu.memory_space<vmem>>[vector<16xi32>], vector<16xf32>,
      %gt3A_111 = arith.cmpf ogt, %gather3A_110, %select_n3A_103 : vector<16xf32>
      %select_n3A_112 = arith.select %gt3A_111, %gather3A_110, %select_n3A_103 : vector<16xi1>, vector<16xf32>
      %jit3A_113 = arith.constant 10 : i32
      %broadcast_in_dim3A_114 = vector.broadcast %jit3A_113 : i32 to vector<16xi32>
      %select_n3A_115 = arith.select %gt3A_111, %broadcast_in_dim3A_114, %select_n3A_106 : vector<16xi1>, vector<16xi32>
      %add3A_116 = arith.constant 11 : i32
      %add3A_117 = vector.broadcast %add3A_116 : i32 to vector<16xi32>
      %add3A_118 = arith.addi %mul3A_26, %add3A_117 : vector<16xi32>
      %gather3A_119 = tpu.vector_load_idx %arg5[%add3A_118] : memref<8192xf32, #tpu.memory_space<vmem>>[vector<16xi32>], vector<16xf32>,
      %gt3A_120 = arith.cmpf ogt, %gather3A_119, %select_n3A_112 : vector<16xf32>
      %select_n3A_121 = arith.select %gt3A_120, %gather3A_119, %select_n3A_112 : vector<16xi1>, vector<16xf32>
      %jit3A_122 = arith.constant 11 : i32
      %broadcast_in_dim3A_123 = vector.broadcast %jit3A_122 : i32 to vector<16xi32>
      %select_n3A_124 = arith.select %gt3A_120, %broadcast_in_dim3A_123, %select_n3A_115 : vector<16xi1>, vector<16xi32>
      %add3A_125 = arith.constant 12 : i32
      %add3A_126 = vector.broadcast %add3A_125 : i32 to vector<16xi32>
      %add3A_127 = arith.addi %mul3A_26, %add3A_126 : vector<16xi32>
      %gather3A_128 = tpu.vector_load_idx %arg5[%add3A_127] : memref<8192xf32, #tpu.memory_space<vmem>>[vector<16xi32>], vector<16xf32>,
      %gt3A_129 = arith.cmpf ogt, %gather3A_128, %select_n3A_121 : vector<16xf32>
      %select_n3A_130 = arith.select %gt3A_129, %gather3A_128, %select_n3A_121 : vector<16xi1>, vector<16xf32>
      %jit3A_131 = arith.constant 12 : i32
      %broadcast_in_dim3A_132 = vector.broadcast %jit3A_131 : i32 to vector<16xi32>
      %select_n3A_133 = arith.select %gt3A_129, %broadcast_in_dim3A_132, %select_n3A_124 : vector<16xi1>, vector<16xi32>
      %add3A_134 = arith.constant 13 : i32
      %add3A_135 = vector.broadcast %add3A_134 : i32 to vector<16xi32>
      %add3A_136 = arith.addi %mul3A_26, %add3A_135 : vector<16xi32>
      %gather3A_137 = tpu.vector_load_idx %arg5[%add3A_136] : memref<8192xf32, #tpu.memory_space<vmem>>[vector<16xi32>], vector<16xf32>,
      %gt3A_138 = arith.cmpf ogt, %gather3A_137, %select_n3A_130 : vector<16xf32>
      %select_n3A_139 = arith.select %gt3A_138, %gather3A_137, %select_n3A_130 : vector<16xi1>, vector<16xf32>
      %jit3A_140 = arith.constant 13 : i32
      %broadcast_in_dim3A_141 = vector.broadcast %jit3A_140 : i32 to vector<16xi32>
      %select_n3A_142 = arith.select %gt3A_138, %broadcast_in_dim3A_141, %select_n3A_133 : vector<16xi1>, vector<16xi32>
      %add3A_143 = arith.constant 14 : i32
      %add3A_144 = vector.broadcast %add3A_143 : i32 to vector<16xi32>
      %add3A_145 = arith.addi %mul3A_26, %add3A_144 : vector<16xi32>
      %gather3A_146 = tpu.vector_load_idx %arg5[%add3A_145] : memref<8192xf32, #tpu.memory_space<vmem>>[vector<16xi32>], vector<16xf32>,
      %gt3A_147 = arith.cmpf ogt, %gather3A_146, %select_n3A_139 : vector<16xf32>
      %select_n3A_148 = arith.select %gt3A_147, %gather3A_146, %select_n3A_139 : vector<16xi1>, vector<16xf32>
      %jit3A_149 = arith.constant 14 : i32
      %broadcast_in_dim3A_150 = vector.broadcast %jit3A_149 : i32 to vector<16xi32>
      %select_n3A_151 = arith.select %gt3A_147, %broadcast_in_dim3A_150, %select_n3A_142 : vector<16xi1>, vector<16xi32>
      %add3A_152 = arith.constant 15 : i32
      %add3A_153 = vector.broadcast %add3A_152 : i32 to vector<16xi32>
      %add3A_154 = arith.addi %mul3A_26, %add3A_153 : vector<16xi32>
      %gather3A_155 = tpu.vector_load_idx %arg5[%add3A_154] : memref<8192xf32, #tpu.memory_space<vmem>>[vector<16xi32>], vector<16xf32>,
      %gt3A_156 = arith.cmpf ogt, %gather3A_155, %select_n3A_148 : vector<16xf32>
      %select_n3A_157 = arith.select %gt3A_156, %gather3A_155, %select_n3A_148 : vector<16xi1>, vector<16xf32>
      %jit3A_158 = arith.constant 15 : i32
      %broadcast_in_dim3A_159 = vector.broadcast %jit3A_158 : i32 to vector<16xi32>
      %select_n3A_160 = arith.select %gt3A_156, %broadcast_in_dim3A_159, %select_n3A_151 : vector<16xi1>, vector<16xi32>
      %swap3A_161 = arith.index_cast %add3A_19 : i32 to index
      %swap3A_162 = arith.constant 0 : index
      %swap3A_163 = tpu.vector_load %arg6[%swap3A_161, %swap3A_162] {strides = array<i32>} : memref<32x16xi32, #tpu.memory_space<vmem>>, vector<16xi32>,
      tpu.vector_store %arg6[%swap3A_161, %swap3A_162], %select_n3A_160 {strides = array<i32>} : memref<32x16xi32, #tpu.memory_space<vmem>>, vector<16xi32>,
      %eq3A = arith.constant 0 : i32
      %eq3A_164 = vector.broadcast %eq3A : i32 to vector<16xi32>
      %eq3A_165 = arith.cmpi eq, %select_n3A_160, %eq3A_164 : vector<16xi32>
      %all_reduce_population_count3A = tpu.all_reduce %eq3A_165 {dim = 0 : i64, kind = #tpu.reduction_kind<sum>} : vector<16xi1> -> vector<16xi32>
      %eq3A_166 = arith.constant 0 : i32
      %eq3A_167 = vector.broadcast %eq3A_166 : i32 to vector<16xi32>
      %eq3A_168 = arith.cmpi eq, %iota3A, %eq3A_167 : vector<16xi32>
      %jit3A_169 = arith.constant 0 : i32
      %broadcast_in_dim3A_170 = vector.broadcast %jit3A_169 : i32 to vector<16xi32>
      %select_n3A_171 = arith.select %eq3A_168, %all_reduce_population_count3A, %broadcast_in_dim3A_170 : vector<16xi1>, vector<16xi32>
      %add3A_172 = arith.addi %scan3A_15, %select_n3A_171 : vector<16xi32>
      %eq3A_173 = arith.constant 1 : i32
      %eq3A_174 = vector.broadcast %eq3A_173 : i32 to vector<16xi32>
      %eq3A_175 = arith.cmpi eq, %select_n3A_160, %eq3A_174 : vector<16xi32>
      %all_reduce_population_count3A_176 = tpu.all_reduce %eq3A_175 {dim = 0 : i64, kind = #tpu.reduction_kind<sum>} : vector<16xi1> -> vector<16xi32>
      %eq3A_177 = arith.constant 1 : i32
      %eq3A_178 = vector.broadcast %eq3A_177 : i32 to vector<16xi32>
      %eq3A_179 = arith.cmpi eq, %iota3A, %eq3A_178 : vector<16xi32>
      %jit3A_180 = arith.constant 0 : i32
      %broadcast_in_dim3A_181 = vector.broadcast %jit3A_180 : i32 to vector<16xi32>
      %select_n3A_182 = arith.select %eq3A_179, %all_reduce_population_count3A_176, %broadcast_in_dim3A_181 : vector<16xi1>, vector<16xi32>
      %add3A_183 = arith.addi %add3A_172, %select_n3A_182 : vector<16xi32>
      %eq3A_184 = arith.constant 2 : i32
      %eq3A_185 = vector.broadcast %eq3A_184 : i32 to vector<16xi32>
      %eq3A_186 = arith.cmpi eq, %select_n3A_160, %eq3A_185 : vector<16xi32>
      %all_reduce_population_count3A_187 = tpu.all_reduce %eq3A_186 {dim = 0 : i64, kind = #tpu.reduction_kind<sum>} : vector<16xi1> -> vector<16xi32>
      %eq3A_188 = arith.constant 2 : i32
      %eq3A_189 = vector.broadcast %eq3A_188 : i32 to vector<16xi32>
      %eq3A_190 = arith.cmpi eq, %iota3A, %eq3A_189 : vector<16xi32>
      %jit3A_191 = arith.constant 0 : i32
      %broadcast_in_dim3A_192 = vector.broadcast %jit3A_191 : i32 to vector<16xi32>
      %select_n3A_193 = arith.select %eq3A_190, %all_reduce_population_count3A_187, %broadcast_in_dim3A_192 : vector<16xi1>, vector<16xi32>
      %add3A_194 = arith.addi %add3A_183, %select_n3A_193 : vector<16xi32>
      %eq3A_195 = arith.constant 3 : i32
      %eq3A_196 = vector.broadcast %eq3A_195 : i32 to vector<16xi32>
      %eq3A_197 = arith.cmpi eq, %select_n3A_160, %eq3A_196 : vector<16xi32>
      %all_reduce_population_count3A_198 = tpu.all_reduce %eq3A_197 {dim = 0 : i64, kind = #tpu.reduction_kind<sum>} : vector<16xi1> -> vector<16xi32>
      %eq3A_199 = arith.constant 3 : i32
      %eq3A_200 = vector.broadcast %eq3A_199 : i32 to vector<16xi32>
      %eq3A_201 = arith.cmpi eq, %iota3A, %eq3A_200 : vector<16xi32>
      %jit3A_202 = arith.constant 0 : i32
      %broadcast_in_dim3A_203 = vector.broadcast %jit3A_202 : i32 to vector<16xi32>
      %select_n3A_204 = arith.select %eq3A_201, %all_reduce_population_count3A_198, %broadcast_in_dim3A_203 : vector<16xi1>, vector<16xi32>
      %add3A_205 = arith.addi %add3A_194, %select_n3A_204 : vector<16xi32>
      %eq3A_206 = arith.constant 4 : i32
      %eq3A_207 = vector.broadcast %eq3A_206 : i32 to vector<16xi32>
      %eq3A_208 = arith.cmpi eq, %select_n3A_160, %eq3A_207 : vector<16xi32>
      %all_reduce_population_count3A_209 = tpu.all_reduce %eq3A_208 {dim = 0 : i64, kind = #tpu.reduction_kind<sum>} : vector<16xi1> -> vector<16xi32>
      %eq3A_210 = arith.constant 4 : i32
      %eq3A_211 = vector.broadcast %eq3A_210 : i32 to vector<16xi32>
      %eq3A_212 = arith.cmpi eq, %iota3A, %eq3A_211 : vector<16xi32>
      %jit3A_213 = arith.constant 0 : i32
      %broadcast_in_dim3A_214 = vector.broadcast %jit3A_213 : i32 to vector<16xi32>
      %select_n3A_215 = arith.select %eq3A_212, %all_reduce_population_count3A_209, %broadcast_in_dim3A_214 : vector<16xi1>, vector<16xi32>
      %add3A_216 = arith.addi %add3A_205, %select_n3A_215 : vector<16xi32>
      %eq3A_217 = arith.constant 5 : i32
      %eq3A_218 = vector.broadcast %eq3A_217 : i32 to vector<16xi32>
      %eq3A_219 = arith.cmpi eq, %select_n3A_160, %eq3A_218 : vector<16xi32>
      %all_reduce_population_count3A_220 = tpu.all_reduce %eq3A_219 {dim = 0 : i64, kind = #tpu.reduction_kind<sum>} : vector<16xi1> -> vector<16xi32>
      %eq3A_221 = arith.constant 5 : i32
      %eq3A_222 = vector.broadcast %eq3A_221 : i32 to vector<16xi32>
      %eq3A_223 = arith.cmpi eq, %iota3A, %eq3A_222 : vector<16xi32>
      %jit3A_224 = arith.constant 0 : i32
      %broadcast_in_dim3A_225 = vector.broadcast %jit3A_224 : i32 to vector<16xi32>
      %select_n3A_226 = arith.select %eq3A_223, %all_reduce_population_count3A_220, %broadcast_in_dim3A_225 : vector<16xi1>, vector<16xi32>
      %add3A_227 = arith.addi %add3A_216, %select_n3A_226 : vector<16xi32>
      %eq3A_228 = arith.constant 6 : i32
      %eq3A_229 = vector.broadcast %eq3A_228 : i32 to vector<16xi32>
      %eq3A_230 = arith.cmpi eq, %select_n3A_160, %eq3A_229 : vector<16xi32>
      %all_reduce_population_count3A_231 = tpu.all_reduce %eq3A_230 {dim = 0 : i64, kind = #tpu.reduction_kind<sum>} : vector<16xi1> -> vector<16xi32>
      %eq3A_232 = arith.constant 6 : i32
      %eq3A_233 = vector.broadcast %eq3A_232 : i32 to vector<16xi32>
      %eq3A_234 = arith.cmpi eq, %iota3A, %eq3A_233 : vector<16xi32>
      %jit3A_235 = arith.constant 0 : i32
      %broadcast_in_dim3A_236 = vector.broadcast %jit3A_235 : i32 to vector<16xi32>
      %select_n3A_237 = arith.select %eq3A_234, %all_reduce_population_count3A_231, %broadcast_in_dim3A_236 : vector<16xi1>, vector<16xi32>
      %add3A_238 = arith.addi %add3A_227, %select_n3A_237 : vector<16xi32>
      %eq3A_239 = arith.constant 7 : i32
      %eq3A_240 = vector.broadcast %eq3A_239 : i32 to vector<16xi32>
      %eq3A_241 = arith.cmpi eq, %select_n3A_160, %eq3A_240 : vector<16xi32>
      %all_reduce_population_count3A_242 = tpu.all_reduce %eq3A_241 {dim = 0 : i64, kind = #tpu.reduction_kind<sum>} : vector<16xi1> -> vector<16xi32>
      %eq3A_243 = arith.constant 7 : i32
      %eq3A_244 = vector.broadcast %eq3A_243 : i32 to vector<16xi32>
      %eq3A_245 = arith.cmpi eq, %iota3A, %eq3A_244 : vector<16xi32>
      %jit3A_246 = arith.constant 0 : i32
      %broadcast_in_dim3A_247 = vector.broadcast %jit3A_246 : i32 to vector<16xi32>
      %select_n3A_248 = arith.select %eq3A_245, %all_reduce_population_count3A_242, %broadcast_in_dim3A_247 : vector<16xi1>, vector<16xi32>
      %add3A_249 = arith.addi %add3A_238, %select_n3A_248 : vector<16xi32>
      %eq3A_250 = arith.constant 8 : i32
      %eq3A_251 = vector.broadcast %eq3A_250 : i32 to vector<16xi32>
      %eq3A_252 = arith.cmpi eq, %select_n3A_160, %eq3A_251 : vector<16xi32>
      %all_reduce_population_count3A_253 = tpu.all_reduce %eq3A_252 {dim = 0 : i64, kind = #tpu.reduction_kind<sum>} : vector<16xi1> -> vector<16xi32>
      %eq3A_254 = arith.constant 8 : i32
      %eq3A_255 = vector.broadcast %eq3A_254 : i32 to vector<16xi32>
      %eq3A_256 = arith.cmpi eq, %iota3A, %eq3A_255 : vector<16xi32>
      %jit3A_257 = arith.constant 0 : i32
      %broadcast_in_dim3A_258 = vector.broadcast %jit3A_257 : i32 to vector<16xi32>
      %select_n3A_259 = arith.select %eq3A_256, %all_reduce_population_count3A_253, %broadcast_in_dim3A_258 : vector<16xi1>, vector<16xi32>
      %add3A_260 = arith.addi %add3A_249, %select_n3A_259 : vector<16xi32>
      %eq3A_261 = arith.constant 9 : i32
      %eq3A_262 = vector.broadcast %eq3A_261 : i32 to vector<16xi32>
      %eq3A_263 = arith.cmpi eq, %select_n3A_160, %eq3A_262 : vector<16xi32>
      %all_reduce_population_count3A_264 = tpu.all_reduce %eq3A_263 {dim = 0 : i64, kind = #tpu.reduction_kind<sum>} : vector<16xi1> -> vector<16xi32>
      %eq3A_265 = arith.constant 9 : i32
      %eq3A_266 = vector.broadcast %eq3A_265 : i32 to vector<16xi32>
      %eq3A_267 = arith.cmpi eq, %iota3A, %eq3A_266 : vector<16xi32>
      %jit3A_268 = arith.constant 0 : i32
      %broadcast_in_dim3A_269 = vector.broadcast %jit3A_268 : i32 to vector<16xi32>
      %select_n3A_270 = arith.select %eq3A_267, %all_reduce_population_count3A_264, %broadcast_in_dim3A_269 : vector<16xi1>, vector<16xi32>
      %add3A_271 = arith.addi %add3A_260, %select_n3A_270 : vector<16xi32>
      %eq3A_272 = arith.constant 10 : i32
      %eq3A_273 = vector.broadcast %eq3A_272 : i32 to vector<16xi32>
      %eq3A_274 = arith.cmpi eq, %select_n3A_160, %eq3A_273 : vector<16xi32>
      %all_reduce_population_count3A_275 = tpu.all_reduce %eq3A_274 {dim = 0 : i64, kind = #tpu.reduction_kind<sum>} : vector<16xi1> -> vector<16xi32>
      %eq3A_276 = arith.constant 10 : i32
      %eq3A_277 = vector.broadcast %eq3A_276 : i32 to vector<16xi32>
      %eq3A_278 = arith.cmpi eq, %iota3A, %eq3A_277 : vector<16xi32>
      %jit3A_279 = arith.constant 0 : i32
      %broadcast_in_dim3A_280 = vector.broadcast %jit3A_279 : i32 to vector<16xi32>
      %select_n3A_281 = arith.select %eq3A_278, %all_reduce_population_count3A_275, %broadcast_in_dim3A_280 : vector<16xi1>, vector<16xi32>
      %add3A_282 = arith.addi %add3A_271, %select_n3A_281 : vector<16xi32>
      %eq3A_283 = arith.constant 11 : i32
      %eq3A_284 = vector.broadcast %eq3A_283 : i32 to vector<16xi32>
      %eq3A_285 = arith.cmpi eq, %select_n3A_160, %eq3A_284 : vector<16xi32>
      %all_reduce_population_count3A_286 = tpu.all_reduce %eq3A_285 {dim = 0 : i64, kind = #tpu.reduction_kind<sum>} : vector<16xi1> -> vector<16xi32>
      %eq3A_287 = arith.constant 11 : i32
      %eq3A_288 = vector.broadcast %eq3A_287 : i32 to vector<16xi32>
      %eq3A_289 = arith.cmpi eq, %iota3A, %eq3A_288 : vector<16xi32>
      %jit3A_290 = arith.constant 0 : i32
      %broadcast_in_dim3A_291 = vector.broadcast %jit3A_290 : i32 to vector<16xi32>
      %select_n3A_292 = arith.select %eq3A_289, %all_reduce_population_count3A_286, %broadcast_in_dim3A_291 : vector<16xi1>, vector<16xi32>
      %add3A_293 = arith.addi %add3A_282, %select_n3A_292 : vector<16xi32>
      %eq3A_294 = arith.constant 12 : i32
      %eq3A_295 = vector.broadcast %eq3A_294 : i32 to vector<16xi32>
      %eq3A_296 = arith.cmpi eq, %select_n3A_160, %eq3A_295 : vector<16xi32>
      %all_reduce_population_count3A_297 = tpu.all_reduce %eq3A_296 {dim = 0 : i64, kind = #tpu.reduction_kind<sum>} : vector<16xi1> -> vector<16xi32>
      %eq3A_298 = arith.constant 12 : i32
      %eq3A_299 = vector.broadcast %eq3A_298 : i32 to vector<16xi32>
      %eq3A_300 = arith.cmpi eq, %iota3A, %eq3A_299 : vector<16xi32>
      %jit3A_301 = arith.constant 0 : i32
      %broadcast_in_dim3A_302 = vector.broadcast %jit3A_301 : i32 to vector<16xi32>
      %select_n3A_303 = arith.select %eq3A_300, %all_reduce_population_count3A_297, %broadcast_in_dim3A_302 : vector<16xi1>, vector<16xi32>
      %add3A_304 = arith.addi %add3A_293, %select_n3A_303 : vector<16xi32>
      %eq3A_305 = arith.constant 13 : i32
      %eq3A_306 = vector.broadcast %eq3A_305 : i32 to vector<16xi32>
      %eq3A_307 = arith.cmpi eq, %select_n3A_160, %eq3A_306 : vector<16xi32>
      %all_reduce_population_count3A_308 = tpu.all_reduce %eq3A_307 {dim = 0 : i64, kind = #tpu.reduction_kind<sum>} : vector<16xi1> -> vector<16xi32>
      %eq3A_309 = arith.constant 13 : i32
      %eq3A_310 = vector.broadcast %eq3A_309 : i32 to vector<16xi32>
      %eq3A_311 = arith.cmpi eq, %iota3A, %eq3A_310 : vector<16xi32>
      %jit3A_312 = arith.constant 0 : i32
      %broadcast_in_dim3A_313 = vector.broadcast %jit3A_312 : i32 to vector<16xi32>
      %select_n3A_314 = arith.select %eq3A_311, %all_reduce_population_count3A_308, %broadcast_in_dim3A_313 : vector<16xi1>, vector<16xi32>
      %add3A_315 = arith.addi %add3A_304, %select_n3A_314 : vector<16xi32>
      %eq3A_316 = arith.constant 14 : i32
      %eq3A_317 = vector.broadcast %eq3A_316 : i32 to vector<16xi32>
      %eq3A_318 = arith.cmpi eq, %select_n3A_160, %eq3A_317 : vector<16xi32>
      %all_reduce_population_count3A_319 = tpu.all_reduce %eq3A_318 {dim = 0 : i64, kind = #tpu.reduction_kind<sum>} : vector<16xi1> -> vector<16xi32>
      %eq3A_320 = arith.constant 14 : i32
      %eq3A_321 = vector.broadcast %eq3A_320 : i32 to vector<16xi32>
      %eq3A_322 = arith.cmpi eq, %iota3A, %eq3A_321 : vector<16xi32>
      %jit3A_323 = arith.constant 0 : i32
      %broadcast_in_dim3A_324 = vector.broadcast %jit3A_323 : i32 to vector<16xi32>
      %select_n3A_325 = arith.select %eq3A_322, %all_reduce_population_count3A_319, %broadcast_in_dim3A_324 : vector<16xi1>, vector<16xi32>
      %add3A_326 = arith.addi %add3A_315, %select_n3A_325 : vector<16xi32>
      %eq3A_327 = arith.constant 15 : i32
      %eq3A_328 = vector.broadcast %eq3A_327 : i32 to vector<16xi32>
      %eq3A_329 = arith.cmpi eq, %select_n3A_160, %eq3A_328 : vector<16xi32>
      %all_reduce_population_count3A_330 = tpu.all_reduce %eq3A_329 {dim = 0 : i64, kind = #tpu.reduction_kind<sum>} : vector<16xi1> -> vector<16xi32>
      %eq3A_331 = arith.constant 15 : i32
      %eq3A_332 = vector.broadcast %eq3A_331 : i32 to vector<16xi32>
      %eq3A_333 = arith.cmpi eq, %iota3A, %eq3A_332 : vector<16xi32>
      %jit3A_334 = arith.constant 0 : i32
      %broadcast_in_dim3A_335 = vector.broadcast %jit3A_334 : i32 to vector<16xi32>
      %select_n3A_336 = arith.select %eq3A_333, %all_reduce_population_count3A_330, %broadcast_in_dim3A_335 : vector<16xi1>, vector<16xi32>
      %add3A_337 = arith.addi %add3A_326, %select_n3A_336 : vector<16xi32>
      scf.yield %add3A_337 : vector<16xi32>
    }
    %scan3A_10 = arith.constant 32 : i32
    %swap3A = arith.constant 0 : index
    %swap3A_11 = tpu.vector_load %arg7[%swap3A] {strides = array<i32>} : memref<16xi32, #tpu.memory_space<vmem>>, vector<16xi32>,
    tpu.vector_store %arg7[%swap3A], %scan3A_9 {strides = array<i32>} : memref<16xi32, #tpu.memory_space<vmem>>, vector<16xi32>,
    %mul3A_12 = arith.constant 32 : i32
    %mul3A_13 = arith.muli %add3A, %mul3A_12 : i32
    "tpu.region"() ({
      %run_scoped3A = tpu.sem_alloc : memref<!tpu.dma_semaphore, #tpu.memory_space<semaphore_mem>>
      %dma_start3A = arith.constant 0 : i32
      %dma_start3A_14 = tpu.memref_slice %arg3[%mul3A_13, %dma_start3A] : memref<1024x16xi32, #tpu.memory_space<hbm>> -> memref<32x16xi32, #tpu.memory_space<hbm>>
      %dma_start3A_15 = arith.constant 0 : i32
      %dma_start3A_16 = tpu.memref_slice %arg3[%mul3A_13, %dma_start3A_15] : memref<1024x16xi32, #tpu.memory_space<hbm>> -> memref<32x16xi32, #tpu.memory_space<hbm>>
      tpu.enqueue_dma source(%arg6 : memref<32x16xi32, #tpu.memory_space<vmem>>) target(%dma_start3A_16 : memref<32x16xi32, #tpu.memory_space<hbm>>) target_semaphore(%run_scoped3A : memref<!tpu.dma_semaphore, #tpu.memory_space<semaphore_mem>>)
      %dma_wait3A = arith.constant 0 : i32
      %dma_wait3A_17 = tpu.memref_slice %arg3[%mul3A_13, %dma_wait3A] : memref<1024x16xi32, #tpu.memory_space<hbm>> -> memref<32x16xi32, #tpu.memory_space<hbm>>
      %dma_wait3A_18 = arith.constant 0 : i32
      %dma_wait3A_19 = tpu.memref_slice %arg3[%mul3A_13, %dma_wait3A_18] : memref<1024x16xi32, #tpu.memory_space<hbm>> -> memref<32x16xi32, #tpu.memory_space<hbm>>
      tpu.wait_dma2 semaphore(%run_scoped3A : memref<!tpu.dma_semaphore, #tpu.memory_space<semaphore_mem>>) src(%arg6 : memref<32x16xi32, #tpu.memory_space<vmem>>) dst(%dma_wait3A_19 : memref<32x16xi32, #tpu.memory_space<hbm>>)
      tpu.yield
    }) : () -> ()
    "tpu.region"() ({
      %run_scoped3A = tpu.sem_alloc : memref<!tpu.dma_semaphore, #tpu.memory_space<semaphore_mem>>
      %dma_start3A = arith.constant 0 : i32
      %dma_start3A_14 = tpu.memref_slice %arg4[%add3A, %dma_start3A] : memref<32x16xi32, #tpu.memory_space<hbm>> -> memref<1x16xi32, #tpu.memory_space<hbm>>
      %dma_start3A_15 = tpu.memref_squeeze %dma_start3A_14 : memref<1x16xi32, #tpu.memory_space<hbm>> -> memref<16xi32, #tpu.memory_space<hbm>>
      %dma_start3A_16 = arith.constant 0 : i32
      %dma_start3A_17 = tpu.memref_slice %arg4[%add3A, %dma_start3A_16] : memref<32x16xi32, #tpu.memory_space<hbm>> -> memref<1x16xi32, #tpu.memory_space<hbm>>
      %dma_start3A_18 = tpu.memref_squeeze %dma_start3A_17 : memref<1x16xi32, #tpu.memory_space<hbm>> -> memref<16xi32, #tpu.memory_space<hbm>>
      tpu.enqueue_dma source(%arg7 : memref<16xi32, #tpu.memory_space<vmem>>) target(%dma_start3A_18 : memref<16xi32, #tpu.memory_space<hbm>>) target_semaphore(%run_scoped3A : memref<!tpu.dma_semaphore, #tpu.memory_space<semaphore_mem>>)
      %dma_wait3A = arith.constant 0 : i32
      %dma_wait3A_19 = tpu.memref_slice %arg4[%add3A, %dma_wait3A] : memref<32x16xi32, #tpu.memory_space<hbm>> -> memref<1x16xi32, #tpu.memory_space<hbm>>
      %dma_wait3A_20 = tpu.memref_squeeze %dma_wait3A_19 : memref<1x16xi32, #tpu.memory_space<hbm>> -> memref<16xi32, #tpu.memory_space<hbm>>
      %dma_wait3A_21 = arith.constant 0 : i32
      %dma_wait3A_22 = tpu.memref_slice %arg4[%add3A, %dma_wait3A_21] : memref<32x16xi32, #tpu.memory_space<hbm>> -> memref<1x16xi32, #tpu.memory_space<hbm>>
      %dma_wait3A_23 = tpu.memref_squeeze %dma_wait3A_22 : memref<1x16xi32, #tpu.memory_space<hbm>> -> memref<16xi32, #tpu.memory_space<hbm>>
      tpu.wait_dma2 semaphore(%run_scoped3A : memref<!tpu.dma_semaphore, #tpu.memory_space<semaphore_mem>>) src(%arg7 : memref<16xi32, #tpu.memory_space<vmem>>) dst(%dma_wait3A_23 : memref<16xi32, #tpu.memory_space<hbm>>)
      tpu.yield
    }) : () -> ()
    return
  }
}

#map = affine_map<(d0, d1) -> (0, 0)>
#map1 = affine_map<(d0, d1) -> (0)>
module attributes {stable_mosaic.version = 14 : i64} {
  func.func @_dispatch_body(%arg0: i32, %arg1: i32, %arg2: memref<16384x2048xf32, #tpu.memory_space<hbm>>, %arg3: memref<1024x16xi32, #tpu.memory_space<hbm>>, %arg4: memref<32x16xi32, #tpu.memory_space<hbm>>, %arg5: memref<16384x2048xf32, #tpu.memory_space<hbm>>, %arg6: memref<16xi32, #tpu.memory_space<hbm>>, %arg7: memref<32x16xi32, #tpu.memory_space<vmem>>, %arg8: memref<32x16xi32, #tpu.memory_space<vmem>>, %arg9: memref<16xi32, #tpu.memory_space<vmem>>, %arg10: memref<16xi32, #tpu.memory_space<vmem>>, %arg11: memref<16x2048xf32, #tpu.memory_space<vmem>>, %arg12: memref<16x2048xf32, #tpu.memory_space<vmem>>, %arg13: memref<16x2048xf32, #tpu.memory_space<vmem>>, %arg14: memref<!tpu.dma_semaphore, #tpu.memory_space<semaphore_mem>>, %arg15: memref<!tpu.dma_semaphore, #tpu.memory_space<semaphore_mem>>, %arg16: memref<!tpu.dma_semaphore, #tpu.memory_space<semaphore_mem>>, %arg17: memref<!tpu.dma_semaphore, #tpu.memory_space<semaphore_mem>>, %arg18: memref<!tpu.dma_semaphore, #tpu.memory_space<semaphore_mem>>, %arg19: memref<!tpu.dma_semaphore, #tpu.memory_space<semaphore_mem>>) attributes {dimension_semantics = [#tpu.dimension_semantics<core_parallel>, #tpu.dimension_semantics<subcore_parallel>], iteration_bounds = array<i64: 2, 16>, scalar_prefetch = 0 : i64, scratch_operands = 13 : i64, tpu.core_type = #tpu.core_type<sc_vector_subcore>, window_params = [{transform_indices = #map}, {transform_indices = #map}, {transform_indices = #map}, {transform_indices = #map}, {transform_indices = #map1}]} {
    %mul3A = arith.constant 2 : i32
    %mul3A_0 = arith.muli %arg1, %mul3A : i32
    %add3A = arith.addi %mul3A_0, %arg0 : i32
    %mul3A_1 = arith.constant 512 : i32
    %mul3A_2 = arith.muli %add3A, %mul3A_1 : i32
    %add3A_3 = arith.constant 0 : i32
    %add3A_4 = arith.addi %mul3A_2, %add3A_3 : i32
    %dma_start3A = arith.constant 0 : i32
    %dma_start3A_5 = tpu.memref_slice %arg2[%add3A_4, %dma_start3A] : memref<16384x2048xf32, #tpu.memory_space<hbm>> -> memref<16x2048xf32, #tpu.memory_space<hbm>>
    %dma_start3A_6 = arith.constant 0 : i32
    %dma_start3A_7 = tpu.memref_slice %arg2[%add3A_4, %dma_start3A_6] : memref<16384x2048xf32, #tpu.memory_space<hbm>> -> memref<16x2048xf32, #tpu.memory_space<hbm>>
    tpu.enqueue_dma source(%dma_start3A_7 : memref<16x2048xf32, #tpu.memory_space<hbm>>) target(%arg11 : memref<16x2048xf32, #tpu.memory_space<vmem>>) target_semaphore(%arg14 : memref<!tpu.dma_semaphore, #tpu.memory_space<semaphore_mem>>)
    %add3A_8 = arith.constant 16 : i32
    %add3A_9 = arith.addi %mul3A_2, %add3A_8 : i32
    %dma_start3A_10 = arith.constant 0 : i32
    %dma_start3A_11 = tpu.memref_slice %arg2[%add3A_9, %dma_start3A_10] : memref<16384x2048xf32, #tpu.memory_space<hbm>> -> memref<16x2048xf32, #tpu.memory_space<hbm>>
    %dma_start3A_12 = arith.constant 0 : i32
    %dma_start3A_13 = tpu.memref_slice %arg2[%add3A_9, %dma_start3A_12] : memref<16384x2048xf32, #tpu.memory_space<hbm>> -> memref<16x2048xf32, #tpu.memory_space<hbm>>
    tpu.enqueue_dma source(%dma_start3A_13 : memref<16x2048xf32, #tpu.memory_space<hbm>>) target(%arg12 : memref<16x2048xf32, #tpu.memory_space<vmem>>) target_semaphore(%arg15 : memref<!tpu.dma_semaphore, #tpu.memory_space<semaphore_mem>>)
    %add3A_14 = arith.constant 32 : i32
    %add3A_15 = arith.addi %mul3A_2, %add3A_14 : i32
    %dma_start3A_16 = arith.constant 0 : i32
    %dma_start3A_17 = tpu.memref_slice %arg2[%add3A_15, %dma_start3A_16] : memref<16384x2048xf32, #tpu.memory_space<hbm>> -> memref<16x2048xf32, #tpu.memory_space<hbm>>
    %dma_start3A_18 = arith.constant 0 : i32
    %dma_start3A_19 = tpu.memref_slice %arg2[%add3A_15, %dma_start3A_18] : memref<16384x2048xf32, #tpu.memory_space<hbm>> -> memref<16x2048xf32, #tpu.memory_space<hbm>>
    tpu.enqueue_dma source(%dma_start3A_19 : memref<16x2048xf32, #tpu.memory_space<hbm>>) target(%arg13 : memref<16x2048xf32, #tpu.memory_space<vmem>>) target_semaphore(%arg16 : memref<!tpu.dma_semaphore, #tpu.memory_space<semaphore_mem>>)
    "tpu.region"() ({
      %run_scoped3A = tpu.sem_alloc : memref<!tpu.dma_semaphore, #tpu.memory_space<semaphore_mem>>
      tpu.enqueue_dma source(%arg4 : memref<32x16xi32, #tpu.memory_space<hbm>>) target(%arg7 : memref<32x16xi32, #tpu.memory_space<vmem>>) target_semaphore(%run_scoped3A : memref<!tpu.dma_semaphore, #tpu.memory_space<semaphore_mem>>)
      tpu.wait_dma2 semaphore(%run_scoped3A : memref<!tpu.dma_semaphore, #tpu.memory_space<semaphore_mem>>) src(%arg4 : memref<32x16xi32, #tpu.memory_space<hbm>>) dst(%arg7 : memref<32x16xi32, #tpu.memory_space<vmem>>)
      tpu.yield
    }) : () -> ()
    %mul3A_20 = arith.constant 32 : i32
    %mul3A_21 = arith.muli %add3A, %mul3A_20 : i32
    "tpu.region"() ({
      %run_scoped3A = tpu.sem_alloc : memref<!tpu.dma_semaphore, #tpu.memory_space<semaphore_mem>>
      %dma_start3A_421 = arith.constant 0 : i32
      %dma_start3A_422 = tpu.memref_slice %arg3[%mul3A_21, %dma_start3A_421] : memref<1024x16xi32, #tpu.memory_space<hbm>> -> memref<32x16xi32, #tpu.memory_space<hbm>>
      %dma_start3A_423 = arith.constant 0 : i32
      %dma_start3A_424 = tpu.memref_slice %arg3[%mul3A_21, %dma_start3A_423] : memref<1024x16xi32, #tpu.memory_space<hbm>> -> memref<32x16xi32, #tpu.memory_space<hbm>>
      tpu.enqueue_dma source(%dma_start3A_424 : memref<32x16xi32, #tpu.memory_space<hbm>>) target(%arg8 : memref<32x16xi32, #tpu.memory_space<vmem>>) target_semaphore(%run_scoped3A : memref<!tpu.dma_semaphore, #tpu.memory_space<semaphore_mem>>)
      %dma_wait3A = arith.constant 0 : i32
      %dma_wait3A_425 = tpu.memref_slice %arg3[%mul3A_21, %dma_wait3A] : memref<1024x16xi32, #tpu.memory_space<hbm>> -> memref<32x16xi32, #tpu.memory_space<hbm>>
      %dma_wait3A_426 = arith.constant 0 : i32
      %dma_wait3A_427 = tpu.memref_slice %arg3[%mul3A_21, %dma_wait3A_426] : memref<1024x16xi32, #tpu.memory_space<hbm>> -> memref<32x16xi32, #tpu.memory_space<hbm>>
      tpu.wait_dma2 semaphore(%run_scoped3A : memref<!tpu.dma_semaphore, #tpu.memory_space<semaphore_mem>>) src(%dma_wait3A_427 : memref<32x16xi32, #tpu.memory_space<hbm>>) dst(%arg8 : memref<32x16xi32, #tpu.memory_space<vmem>>)
      tpu.yield
    }) : () -> ()
    %iota3A = tpu.iota {dimensions = array<i32: 0>} : vector<16xi32>
    %broadcast_in_dim3A = arith.constant 0 : i32
    %broadcast_in_dim3A_22 = vector.broadcast %broadcast_in_dim3A : i32 to vector<16xi32>
    %add3A_23 = vector.broadcast %add3A : i32 to vector<16xi32>
    %add3A_24 = arith.addi %broadcast_in_dim3A_22, %add3A_23 : vector<16xi32>
    %broadcast_in_dim3A_25 = arith.constant 0 : i32
    %broadcast_in_dim3A_26 = vector.broadcast %broadcast_in_dim3A_25 : i32 to vector<16xi32>
    %broadcast_in_dim3A_27 = arith.constant 0 : i32
    %broadcast_in_dim3A_28 = vector.broadcast %broadcast_in_dim3A_27 : i32 to vector<16xi32>
    %get3A = arith.constant 0 : i32
    %get3A_29 = arith.index_cast %get3A : i32 to index
    %get3A_30 = arith.constant 0 : index
    %get3A_31 = tpu.vector_load %arg7[%get3A_29, %get3A_30] {strides = array<i32>} : memref<32x16xi32, #tpu.memory_space<vmem>>, vector<16xi32>,
    %add3A_32 = arith.addi %broadcast_in_dim3A_26, %get3A_31 : vector<16xi32>
    %broadcast_in_dim3A_33 = arith.constant 0 : i32
    %broadcast_in_dim3A_34 = vector.broadcast %broadcast_in_dim3A_33 : i32 to vector<16xi32>
    %lt3A = arith.cmpi slt, %broadcast_in_dim3A_34, %add3A_24 : vector<16xi32>
    %jit3A = arith.constant 0 : i32
    %broadcast_in_dim3A_35 = vector.broadcast %jit3A : i32 to vector<16xi32>
    %select_n3A = arith.select %lt3A, %get3A_31, %broadcast_in_dim3A_35 : vector<16xi1>, vector<16xi32>
    %add3A_36 = arith.addi %broadcast_in_dim3A_28, %select_n3A : vector<16xi32>
    %get3A_37 = arith.constant 1 : i32
    %get3A_38 = arith.index_cast %get3A_37 : i32 to index
    %get3A_39 = arith.constant 0 : index
    %get3A_40 = tpu.vector_load %arg7[%get3A_38, %get3A_39] {strides = array<i32>} : memref<32x16xi32, #tpu.memory_space<vmem>>, vector<16xi32>,
    %add3A_41 = arith.addi %add3A_32, %get3A_40 : vector<16xi32>
    %broadcast_in_dim3A_42 = arith.constant 1 : i32
    %broadcast_in_dim3A_43 = vector.broadcast %broadcast_in_dim3A_42 : i32 to vector<16xi32>
    %lt3A_44 = arith.cmpi slt, %broadcast_in_dim3A_43, %add3A_24 : vector<16xi32>
    %jit3A_45 = arith.constant 0 : i32
    %broadcast_in_dim3A_46 = vector.broadcast %jit3A_45 : i32 to vector<16xi32>
    %select_n3A_47 = arith.select %lt3A_44, %get3A_40, %broadcast_in_dim3A_46 : vector<16xi1>, vector<16xi32>
    %add3A_48 = arith.addi %add3A_36, %select_n3A_47 : vector<16xi32>
    %get3A_49 = arith.constant 2 : i32
    %get3A_50 = arith.index_cast %get3A_49 : i32 to index
    %get3A_51 = arith.constant 0 : index
    %get3A_52 = tpu.vector_load %arg7[%get3A_50, %get3A_51] {strides = array<i32>} : memref<32x16xi32, #tpu.memory_space<vmem>>, vector<16xi32>,
    %add3A_53 = arith.addi %add3A_41, %get3A_52 : vector<16xi32>
    %broadcast_in_dim3A_54 = arith.constant 2 : i32
    %broadcast_in_dim3A_55 = vector.broadcast %broadcast_in_dim3A_54 : i32 to vector<16xi32>
    %lt3A_56 = arith.cmpi slt, %broadcast_in_dim3A_55, %add3A_24 : vector<16xi32>
    %jit3A_57 = arith.constant 0 : i32
    %broadcast_in_dim3A_58 = vector.broadcast %jit3A_57 : i32 to vector<16xi32>
    %select_n3A_59 = arith.select %lt3A_56, %get3A_52, %broadcast_in_dim3A_58 : vector<16xi1>, vector<16xi32>
    %add3A_60 = arith.addi %add3A_48, %select_n3A_59 : vector<16xi32>
    %get3A_61 = arith.constant 3 : i32
    %get3A_62 = arith.index_cast %get3A_61 : i32 to index
    %get3A_63 = arith.constant 0 : index
    %get3A_64 = tpu.vector_load %arg7[%get3A_62, %get3A_63] {strides = array<i32>} : memref<32x16xi32, #tpu.memory_space<vmem>>, vector<16xi32>,
    %add3A_65 = arith.addi %add3A_53, %get3A_64 : vector<16xi32>
    %broadcast_in_dim3A_66 = arith.constant 3 : i32
    %broadcast_in_dim3A_67 = vector.broadcast %broadcast_in_dim3A_66 : i32 to vector<16xi32>
    %lt3A_68 = arith.cmpi slt, %broadcast_in_dim3A_67, %add3A_24 : vector<16xi32>
    %jit3A_69 = arith.constant 0 : i32
    %broadcast_in_dim3A_70 = vector.broadcast %jit3A_69 : i32 to vector<16xi32>
    %select_n3A_71 = arith.select %lt3A_68, %get3A_64, %broadcast_in_dim3A_70 : vector<16xi1>, vector<16xi32>
    %add3A_72 = arith.addi %add3A_60, %select_n3A_71 : vector<16xi32>
    %get3A_73 = arith.constant 4 : i32
    %get3A_74 = arith.index_cast %get3A_73 : i32 to index
    %get3A_75 = arith.constant 0 : index
    %get3A_76 = tpu.vector_load %arg7[%get3A_74, %get3A_75] {strides = array<i32>} : memref<32x16xi32, #tpu.memory_space<vmem>>, vector<16xi32>,
    %add3A_77 = arith.addi %add3A_65, %get3A_76 : vector<16xi32>
    %broadcast_in_dim3A_78 = arith.constant 4 : i32
    %broadcast_in_dim3A_79 = vector.broadcast %broadcast_in_dim3A_78 : i32 to vector<16xi32>
    %lt3A_80 = arith.cmpi slt, %broadcast_in_dim3A_79, %add3A_24 : vector<16xi32>
    %jit3A_81 = arith.constant 0 : i32
    %broadcast_in_dim3A_82 = vector.broadcast %jit3A_81 : i32 to vector<16xi32>
    %select_n3A_83 = arith.select %lt3A_80, %get3A_76, %broadcast_in_dim3A_82 : vector<16xi1>, vector<16xi32>
    %add3A_84 = arith.addi %add3A_72, %select_n3A_83 : vector<16xi32>
    %get3A_85 = arith.constant 5 : i32
    %get3A_86 = arith.index_cast %get3A_85 : i32 to index
    %get3A_87 = arith.constant 0 : index
    %get3A_88 = tpu.vector_load %arg7[%get3A_86, %get3A_87] {strides = array<i32>} : memref<32x16xi32, #tpu.memory_space<vmem>>, vector<16xi32>,
    %add3A_89 = arith.addi %add3A_77, %get3A_88 : vector<16xi32>
    %broadcast_in_dim3A_90 = arith.constant 5 : i32
    %broadcast_in_dim3A_91 = vector.broadcast %broadcast_in_dim3A_90 : i32 to vector<16xi32>
    %lt3A_92 = arith.cmpi slt, %broadcast_in_dim3A_91, %add3A_24 : vector<16xi32>
    %jit3A_93 = arith.constant 0 : i32
    %broadcast_in_dim3A_94 = vector.broadcast %jit3A_93 : i32 to vector<16xi32>
    %select_n3A_95 = arith.select %lt3A_92, %get3A_88, %broadcast_in_dim3A_94 : vector<16xi1>, vector<16xi32>
    %add3A_96 = arith.addi %add3A_84, %select_n3A_95 : vector<16xi32>
    %get3A_97 = arith.constant 6 : i32
    %get3A_98 = arith.index_cast %get3A_97 : i32 to index
    %get3A_99 = arith.constant 0 : index
    %get3A_100 = tpu.vector_load %arg7[%get3A_98, %get3A_99] {strides = array<i32>} : memref<32x16xi32, #tpu.memory_space<vmem>>, vector<16xi32>,
    %add3A_101 = arith.addi %add3A_89, %get3A_100 : vector<16xi32>
    %broadcast_in_dim3A_102 = arith.constant 6 : i32
    %broadcast_in_dim3A_103 = vector.broadcast %broadcast_in_dim3A_102 : i32 to vector<16xi32>
    %lt3A_104 = arith.cmpi slt, %broadcast_in_dim3A_103, %add3A_24 : vector<16xi32>
    %jit3A_105 = arith.constant 0 : i32
    %broadcast_in_dim3A_106 = vector.broadcast %jit3A_105 : i32 to vector<16xi32>
    %select_n3A_107 = arith.select %lt3A_104, %get3A_100, %broadcast_in_dim3A_106 : vector<16xi1>, vector<16xi32>
    %add3A_108 = arith.addi %add3A_96, %select_n3A_107 : vector<16xi32>
    %get3A_109 = arith.constant 7 : i32
    %get3A_110 = arith.index_cast %get3A_109 : i32 to index
    %get3A_111 = arith.constant 0 : index
    %get3A_112 = tpu.vector_load %arg7[%get3A_110, %get3A_111] {strides = array<i32>} : memref<32x16xi32, #tpu.memory_space<vmem>>, vector<16xi32>,
    %add3A_113 = arith.addi %add3A_101, %get3A_112 : vector<16xi32>
    %broadcast_in_dim3A_114 = arith.constant 7 : i32
    %broadcast_in_dim3A_115 = vector.broadcast %broadcast_in_dim3A_114 : i32 to vector<16xi32>
    %lt3A_116 = arith.cmpi slt, %broadcast_in_dim3A_115, %add3A_24 : vector<16xi32>
    %jit3A_117 = arith.constant 0 : i32
    %broadcast_in_dim3A_118 = vector.broadcast %jit3A_117 : i32 to vector<16xi32>
    %select_n3A_119 = arith.select %lt3A_116, %get3A_112, %broadcast_in_dim3A_118 : vector<16xi1>, vector<16xi32>
    %add3A_120 = arith.addi %add3A_108, %select_n3A_119 : vector<16xi32>
    %get3A_121 = arith.constant 8 : i32
    %get3A_122 = arith.index_cast %get3A_121 : i32 to index
    %get3A_123 = arith.constant 0 : index
    %get3A_124 = tpu.vector_load %arg7[%get3A_122, %get3A_123] {strides = array<i32>} : memref<32x16xi32, #tpu.memory_space<vmem>>, vector<16xi32>,
    %add3A_125 = arith.addi %add3A_113, %get3A_124 : vector<16xi32>
    %broadcast_in_dim3A_126 = arith.constant 8 : i32
    %broadcast_in_dim3A_127 = vector.broadcast %broadcast_in_dim3A_126 : i32 to vector<16xi32>
    %lt3A_128 = arith.cmpi slt, %broadcast_in_dim3A_127, %add3A_24 : vector<16xi32>
    %jit3A_129 = arith.constant 0 : i32
    %broadcast_in_dim3A_130 = vector.broadcast %jit3A_129 : i32 to vector<16xi32>
    %select_n3A_131 = arith.select %lt3A_128, %get3A_124, %broadcast_in_dim3A_130 : vector<16xi1>, vector<16xi32>
    %add3A_132 = arith.addi %add3A_120, %select_n3A_131 : vector<16xi32>
    %get3A_133 = arith.constant 9 : i32
    %get3A_134 = arith.index_cast %get3A_133 : i32 to index
    %get3A_135 = arith.constant 0 : index
    %get3A_136 = tpu.vector_load %arg7[%get3A_134, %get3A_135] {strides = array<i32>} : memref<32x16xi32, #tpu.memory_space<vmem>>, vector<16xi32>,
    %add3A_137 = arith.addi %add3A_125, %get3A_136 : vector<16xi32>
    %broadcast_in_dim3A_138 = arith.constant 9 : i32
    %broadcast_in_dim3A_139 = vector.broadcast %broadcast_in_dim3A_138 : i32 to vector<16xi32>
    %lt3A_140 = arith.cmpi slt, %broadcast_in_dim3A_139, %add3A_24 : vector<16xi32>
    %jit3A_141 = arith.constant 0 : i32
    %broadcast_in_dim3A_142 = vector.broadcast %jit3A_141 : i32 to vector<16xi32>
    %select_n3A_143 = arith.select %lt3A_140, %get3A_136, %broadcast_in_dim3A_142 : vector<16xi1>, vector<16xi32>
    %add3A_144 = arith.addi %add3A_132, %select_n3A_143 : vector<16xi32>
    %get3A_145 = arith.constant 10 : i32
    %get3A_146 = arith.index_cast %get3A_145 : i32 to index
    %get3A_147 = arith.constant 0 : index
    %get3A_148 = tpu.vector_load %arg7[%get3A_146, %get3A_147] {strides = array<i32>} : memref<32x16xi32, #tpu.memory_space<vmem>>, vector<16xi32>,
    %add3A_149 = arith.addi %add3A_137, %get3A_148 : vector<16xi32>
    %broadcast_in_dim3A_150 = arith.constant 10 : i32
    %broadcast_in_dim3A_151 = vector.broadcast %broadcast_in_dim3A_150 : i32 to vector<16xi32>
    %lt3A_152 = arith.cmpi slt, %broadcast_in_dim3A_151, %add3A_24 : vector<16xi32>
    %jit3A_153 = arith.constant 0 : i32
    %broadcast_in_dim3A_154 = vector.broadcast %jit3A_153 : i32 to vector<16xi32>
    %select_n3A_155 = arith.select %lt3A_152, %get3A_148, %broadcast_in_dim3A_154 : vector<16xi1>, vector<16xi32>
    %add3A_156 = arith.addi %add3A_144, %select_n3A_155 : vector<16xi32>
    %get3A_157 = arith.constant 11 : i32
    %get3A_158 = arith.index_cast %get3A_157 : i32 to index
    %get3A_159 = arith.constant 0 : index
    %get3A_160 = tpu.vector_load %arg7[%get3A_158, %get3A_159] {strides = array<i32>} : memref<32x16xi32, #tpu.memory_space<vmem>>, vector<16xi32>,
    %add3A_161 = arith.addi %add3A_149, %get3A_160 : vector<16xi32>
    %broadcast_in_dim3A_162 = arith.constant 11 : i32
    %broadcast_in_dim3A_163 = vector.broadcast %broadcast_in_dim3A_162 : i32 to vector<16xi32>
    %lt3A_164 = arith.cmpi slt, %broadcast_in_dim3A_163, %add3A_24 : vector<16xi32>
    %jit3A_165 = arith.constant 0 : i32
    %broadcast_in_dim3A_166 = vector.broadcast %jit3A_165 : i32 to vector<16xi32>
    %select_n3A_167 = arith.select %lt3A_164, %get3A_160, %broadcast_in_dim3A_166 : vector<16xi1>, vector<16xi32>
    %add3A_168 = arith.addi %add3A_156, %select_n3A_167 : vector<16xi32>
    %get3A_169 = arith.constant 12 : i32
    %get3A_170 = arith.index_cast %get3A_169 : i32 to index
    %get3A_171 = arith.constant 0 : index
    %get3A_172 = tpu.vector_load %arg7[%get3A_170, %get3A_171] {strides = array<i32>} : memref<32x16xi32, #tpu.memory_space<vmem>>, vector<16xi32>,
    %add3A_173 = arith.addi %add3A_161, %get3A_172 : vector<16xi32>
    %broadcast_in_dim3A_174 = arith.constant 12 : i32
    %broadcast_in_dim3A_175 = vector.broadcast %broadcast_in_dim3A_174 : i32 to vector<16xi32>
    %lt3A_176 = arith.cmpi slt, %broadcast_in_dim3A_175, %add3A_24 : vector<16xi32>
    %jit3A_177 = arith.constant 0 : i32
    %broadcast_in_dim3A_178 = vector.broadcast %jit3A_177 : i32 to vector<16xi32>
    %select_n3A_179 = arith.select %lt3A_176, %get3A_172, %broadcast_in_dim3A_178 : vector<16xi1>, vector<16xi32>
    %add3A_180 = arith.addi %add3A_168, %select_n3A_179 : vector<16xi32>
    %get3A_181 = arith.constant 13 : i32
    %get3A_182 = arith.index_cast %get3A_181 : i32 to index
    %get3A_183 = arith.constant 0 : index
    %get3A_184 = tpu.vector_load %arg7[%get3A_182, %get3A_183] {strides = array<i32>} : memref<32x16xi32, #tpu.memory_space<vmem>>, vector<16xi32>,
    %add3A_185 = arith.addi %add3A_173, %get3A_184 : vector<16xi32>
    %broadcast_in_dim3A_186 = arith.constant 13 : i32
    %broadcast_in_dim3A_187 = vector.broadcast %broadcast_in_dim3A_186 : i32 to vector<16xi32>
    %lt3A_188 = arith.cmpi slt, %broadcast_in_dim3A_187, %add3A_24 : vector<16xi32>
    %jit3A_189 = arith.constant 0 : i32
    %broadcast_in_dim3A_190 = vector.broadcast %jit3A_189 : i32 to vector<16xi32>
    %select_n3A_191 = arith.select %lt3A_188, %get3A_184, %broadcast_in_dim3A_190 : vector<16xi1>, vector<16xi32>
    %add3A_192 = arith.addi %add3A_180, %select_n3A_191 : vector<16xi32>
    %get3A_193 = arith.constant 14 : i32
    %get3A_194 = arith.index_cast %get3A_193 : i32 to index
    %get3A_195 = arith.constant 0 : index
    %get3A_196 = tpu.vector_load %arg7[%get3A_194, %get3A_195] {strides = array<i32>} : memref<32x16xi32, #tpu.memory_space<vmem>>, vector<16xi32>,
    %add3A_197 = arith.addi %add3A_185, %get3A_196 : vector<16xi32>
    %broadcast_in_dim3A_198 = arith.constant 14 : i32
    %broadcast_in_dim3A_199 = vector.broadcast %broadcast_in_dim3A_198 : i32 to vector<16xi32>
    %lt3A_200 = arith.cmpi slt, %broadcast_in_dim3A_199, %add3A_24 : vector<16xi32>
    %jit3A_201 = arith.constant 0 : i32
    %broadcast_in_dim3A_202 = vector.broadcast %jit3A_201 : i32 to vector<16xi32>
    %select_n3A_203 = arith.select %lt3A_200, %get3A_196, %broadcast_in_dim3A_202 : vector<16xi1>, vector<16xi32>
    %add3A_204 = arith.addi %add3A_192, %select_n3A_203 : vector<16xi32>
    %get3A_205 = arith.constant 15 : i32
    %get3A_206 = arith.index_cast %get3A_205 : i32 to index
    %get3A_207 = arith.constant 0 : index
    %get3A_208 = tpu.vector_load %arg7[%get3A_206, %get3A_207] {strides = array<i32>} : memref<32x16xi32, #tpu.memory_space<vmem>>, vector<16xi32>,
    %add3A_209 = arith.addi %add3A_197, %get3A_208 : vector<16xi32>
    %broadcast_in_dim3A_210 = arith.constant 15 : i32
    %broadcast_in_dim3A_211 = vector.broadcast %broadcast_in_dim3A_210 : i32 to vector<16xi32>
    %lt3A_212 = arith.cmpi slt, %broadcast_in_dim3A_211, %add3A_24 : vector<16xi32>
    %jit3A_213 = arith.constant 0 : i32
    %broadcast_in_dim3A_214 = vector.broadcast %jit3A_213 : i32 to vector<16xi32>
    %select_n3A_215 = arith.select %lt3A_212, %get3A_208, %broadcast_in_dim3A_214 : vector<16xi1>, vector<16xi32>
    %add3A_216 = arith.addi %add3A_204, %select_n3A_215 : vector<16xi32>
    %get3A_217 = arith.constant 16 : i32
    %get3A_218 = arith.index_cast %get3A_217 : i32 to index
    %get3A_219 = arith.constant 0 : index
    %get3A_220 = tpu.vector_load %arg7[%get3A_218, %get3A_219] {strides = array<i32>} : memref<32x16xi32, #tpu.memory_space<vmem>>, vector<16xi32>,
    %add3A_221 = arith.addi %add3A_209, %get3A_220 : vector<16xi32>
    %broadcast_in_dim3A_222 = arith.constant 16 : i32
    %broadcast_in_dim3A_223 = vector.broadcast %broadcast_in_dim3A_222 : i32 to vector<16xi32>
    %lt3A_224 = arith.cmpi slt, %broadcast_in_dim3A_223, %add3A_24 : vector<16xi32>
    %jit3A_225 = arith.constant 0 : i32
    %broadcast_in_dim3A_226 = vector.broadcast %jit3A_225 : i32 to vector<16xi32>
    %select_n3A_227 = arith.select %lt3A_224, %get3A_220, %broadcast_in_dim3A_226 : vector<16xi1>, vector<16xi32>
    %add3A_228 = arith.addi %add3A_216, %select_n3A_227 : vector<16xi32>
    %get3A_229 = arith.constant 17 : i32
    %get3A_230 = arith.index_cast %get3A_229 : i32 to index
    %get3A_231 = arith.constant 0 : index
    %get3A_232 = tpu.vector_load %arg7[%get3A_230, %get3A_231] {strides = array<i32>} : memref<32x16xi32, #tpu.memory_space<vmem>>, vector<16xi32>,
    %add3A_233 = arith.addi %add3A_221, %get3A_232 : vector<16xi32>
    %broadcast_in_dim3A_234 = arith.constant 17 : i32
    %broadcast_in_dim3A_235 = vector.broadcast %broadcast_in_dim3A_234 : i32 to vector<16xi32>
    %lt3A_236 = arith.cmpi slt, %broadcast_in_dim3A_235, %add3A_24 : vector<16xi32>
    %jit3A_237 = arith.constant 0 : i32
    %broadcast_in_dim3A_238 = vector.broadcast %jit3A_237 : i32 to vector<16xi32>
    %select_n3A_239 = arith.select %lt3A_236, %get3A_232, %broadcast_in_dim3A_238 : vector<16xi1>, vector<16xi32>
    %add3A_240 = arith.addi %add3A_228, %select_n3A_239 : vector<16xi32>
    %get3A_241 = arith.constant 18 : i32
    %get3A_242 = arith.index_cast %get3A_241 : i32 to index
    %get3A_243 = arith.constant 0 : index
    %get3A_244 = tpu.vector_load %arg7[%get3A_242, %get3A_243] {strides = array<i32>} : memref<32x16xi32, #tpu.memory_space<vmem>>, vector<16xi32>,
    %add3A_245 = arith.addi %add3A_233, %get3A_244 : vector<16xi32>
    %broadcast_in_dim3A_246 = arith.constant 18 : i32
    %broadcast_in_dim3A_247 = vector.broadcast %broadcast_in_dim3A_246 : i32 to vector<16xi32>
    %lt3A_248 = arith.cmpi slt, %broadcast_in_dim3A_247, %add3A_24 : vector<16xi32>
    %jit3A_249 = arith.constant 0 : i32
    %broadcast_in_dim3A_250 = vector.broadcast %jit3A_249 : i32 to vector<16xi32>
    %select_n3A_251 = arith.select %lt3A_248, %get3A_244, %broadcast_in_dim3A_250 : vector<16xi1>, vector<16xi32>
    %add3A_252 = arith.addi %add3A_240, %select_n3A_251 : vector<16xi32>
    %get3A_253 = arith.constant 19 : i32
    %get3A_254 = arith.index_cast %get3A_253 : i32 to index
    %get3A_255 = arith.constant 0 : index
    %get3A_256 = tpu.vector_load %arg7[%get3A_254, %get3A_255] {strides = array<i32>} : memref<32x16xi32, #tpu.memory_space<vmem>>, vector<16xi32>,
    %add3A_257 = arith.addi %add3A_245, %get3A_256 : vector<16xi32>
    %broadcast_in_dim3A_258 = arith.constant 19 : i32
    %broadcast_in_dim3A_259 = vector.broadcast %broadcast_in_dim3A_258 : i32 to vector<16xi32>
    %lt3A_260 = arith.cmpi slt, %broadcast_in_dim3A_259, %add3A_24 : vector<16xi32>
    %jit3A_261 = arith.constant 0 : i32
    %broadcast_in_dim3A_262 = vector.broadcast %jit3A_261 : i32 to vector<16xi32>
    %select_n3A_263 = arith.select %lt3A_260, %get3A_256, %broadcast_in_dim3A_262 : vector<16xi1>, vector<16xi32>
    %add3A_264 = arith.addi %add3A_252, %select_n3A_263 : vector<16xi32>
    %get3A_265 = arith.constant 20 : i32
    %get3A_266 = arith.index_cast %get3A_265 : i32 to index
    %get3A_267 = arith.constant 0 : index
    %get3A_268 = tpu.vector_load %arg7[%get3A_266, %get3A_267] {strides = array<i32>} : memref<32x16xi32, #tpu.memory_space<vmem>>, vector<16xi32>,
    %add3A_269 = arith.addi %add3A_257, %get3A_268 : vector<16xi32>
    %broadcast_in_dim3A_270 = arith.constant 20 : i32
    %broadcast_in_dim3A_271 = vector.broadcast %broadcast_in_dim3A_270 : i32 to vector<16xi32>
    %lt3A_272 = arith.cmpi slt, %broadcast_in_dim3A_271, %add3A_24 : vector<16xi32>
    %jit3A_273 = arith.constant 0 : i32
    %broadcast_in_dim3A_274 = vector.broadcast %jit3A_273 : i32 to vector<16xi32>
    %select_n3A_275 = arith.select %lt3A_272, %get3A_268, %broadcast_in_dim3A_274 : vector<16xi1>, vector<16xi32>
    %add3A_276 = arith.addi %add3A_264, %select_n3A_275 : vector<16xi32>
    %get3A_277 = arith.constant 21 : i32
    %get3A_278 = arith.index_cast %get3A_277 : i32 to index
    %get3A_279 = arith.constant 0 : index
    %get3A_280 = tpu.vector_load %arg7[%get3A_278, %get3A_279] {strides = array<i32>} : memref<32x16xi32, #tpu.memory_space<vmem>>, vector<16xi32>,
    %add3A_281 = arith.addi %add3A_269, %get3A_280 : vector<16xi32>
    %broadcast_in_dim3A_282 = arith.constant 21 : i32
    %broadcast_in_dim3A_283 = vector.broadcast %broadcast_in_dim3A_282 : i32 to vector<16xi32>
    %lt3A_284 = arith.cmpi slt, %broadcast_in_dim3A_283, %add3A_24 : vector<16xi32>
    %jit3A_285 = arith.constant 0 : i32
    %broadcast_in_dim3A_286 = vector.broadcast %jit3A_285 : i32 to vector<16xi32>
    %select_n3A_287 = arith.select %lt3A_284, %get3A_280, %broadcast_in_dim3A_286 : vector<16xi1>, vector<16xi32>
    %add3A_288 = arith.addi %add3A_276, %select_n3A_287 : vector<16xi32>
    %get3A_289 = arith.constant 22 : i32
    %get3A_290 = arith.index_cast %get3A_289 : i32 to index
    %get3A_291 = arith.constant 0 : index
    %get3A_292 = tpu.vector_load %arg7[%get3A_290, %get3A_291] {strides = array<i32>} : memref<32x16xi32, #tpu.memory_space<vmem>>, vector<16xi32>,
    %add3A_293 = arith.addi %add3A_281, %get3A_292 : vector<16xi32>
    %broadcast_in_dim3A_294 = arith.constant 22 : i32
    %broadcast_in_dim3A_295 = vector.broadcast %broadcast_in_dim3A_294 : i32 to vector<16xi32>
    %lt3A_296 = arith.cmpi slt, %broadcast_in_dim3A_295, %add3A_24 : vector<16xi32>
    %jit3A_297 = arith.constant 0 : i32
    %broadcast_in_dim3A_298 = vector.broadcast %jit3A_297 : i32 to vector<16xi32>
    %select_n3A_299 = arith.select %lt3A_296, %get3A_292, %broadcast_in_dim3A_298 : vector<16xi1>, vector<16xi32>
    %add3A_300 = arith.addi %add3A_288, %select_n3A_299 : vector<16xi32>
    %get3A_301 = arith.constant 23 : i32
    %get3A_302 = arith.index_cast %get3A_301 : i32 to index
    %get3A_303 = arith.constant 0 : index
    %get3A_304 = tpu.vector_load %arg7[%get3A_302, %get3A_303] {strides = array<i32>} : memref<32x16xi32, #tpu.memory_space<vmem>>, vector<16xi32>,
    %add3A_305 = arith.addi %add3A_293, %get3A_304 : vector<16xi32>
    %broadcast_in_dim3A_306 = arith.constant 23 : i32
    %broadcast_in_dim3A_307 = vector.broadcast %broadcast_in_dim3A_306 : i32 to vector<16xi32>
    %lt3A_308 = arith.cmpi slt, %broadcast_in_dim3A_307, %add3A_24 : vector<16xi32>
    %jit3A_309 = arith.constant 0 : i32
    %broadcast_in_dim3A_310 = vector.broadcast %jit3A_309 : i32 to vector<16xi32>
    %select_n3A_311 = arith.select %lt3A_308, %get3A_304, %broadcast_in_dim3A_310 : vector<16xi1>, vector<16xi32>
    %add3A_312 = arith.addi %add3A_300, %select_n3A_311 : vector<16xi32>
    %get3A_313 = arith.constant 24 : i32
    %get3A_314 = arith.index_cast %get3A_313 : i32 to index
    %get3A_315 = arith.constant 0 : index
    %get3A_316 = tpu.vector_load %arg7[%get3A_314, %get3A_315] {strides = array<i32>} : memref<32x16xi32, #tpu.memory_space<vmem>>, vector<16xi32>,
    %add3A_317 = arith.addi %add3A_305, %get3A_316 : vector<16xi32>
    %broadcast_in_dim3A_318 = arith.constant 24 : i32
    %broadcast_in_dim3A_319 = vector.broadcast %broadcast_in_dim3A_318 : i32 to vector<16xi32>
    %lt3A_320 = arith.cmpi slt, %broadcast_in_dim3A_319, %add3A_24 : vector<16xi32>
    %jit3A_321 = arith.constant 0 : i32
    %broadcast_in_dim3A_322 = vector.broadcast %jit3A_321 : i32 to vector<16xi32>
    %select_n3A_323 = arith.select %lt3A_320, %get3A_316, %broadcast_in_dim3A_322 : vector<16xi1>, vector<16xi32>
    %add3A_324 = arith.addi %add3A_312, %select_n3A_323 : vector<16xi32>
    %get3A_325 = arith.constant 25 : i32
    %get3A_326 = arith.index_cast %get3A_325 : i32 to index
    %get3A_327 = arith.constant 0 : index
    %get3A_328 = tpu.vector_load %arg7[%get3A_326, %get3A_327] {strides = array<i32>} : memref<32x16xi32, #tpu.memory_space<vmem>>, vector<16xi32>,
    %add3A_329 = arith.addi %add3A_317, %get3A_328 : vector<16xi32>
    %broadcast_in_dim3A_330 = arith.constant 25 : i32
    %broadcast_in_dim3A_331 = vector.broadcast %broadcast_in_dim3A_330 : i32 to vector<16xi32>
    %lt3A_332 = arith.cmpi slt, %broadcast_in_dim3A_331, %add3A_24 : vector<16xi32>
    %jit3A_333 = arith.constant 0 : i32
    %broadcast_in_dim3A_334 = vector.broadcast %jit3A_333 : i32 to vector<16xi32>
    %select_n3A_335 = arith.select %lt3A_332, %get3A_328, %broadcast_in_dim3A_334 : vector<16xi1>, vector<16xi32>
    %add3A_336 = arith.addi %add3A_324, %select_n3A_335 : vector<16xi32>
    %get3A_337 = arith.constant 26 : i32
    %get3A_338 = arith.index_cast %get3A_337 : i32 to index
    %get3A_339 = arith.constant 0 : index
    %get3A_340 = tpu.vector_load %arg7[%get3A_338, %get3A_339] {strides = array<i32>} : memref<32x16xi32, #tpu.memory_space<vmem>>, vector<16xi32>,
    %add3A_341 = arith.addi %add3A_329, %get3A_340 : vector<16xi32>
    %broadcast_in_dim3A_342 = arith.constant 26 : i32
    %broadcast_in_dim3A_343 = vector.broadcast %broadcast_in_dim3A_342 : i32 to vector<16xi32>
    %lt3A_344 = arith.cmpi slt, %broadcast_in_dim3A_343, %add3A_24 : vector<16xi32>
    %jit3A_345 = arith.constant 0 : i32
    %broadcast_in_dim3A_346 = vector.broadcast %jit3A_345 : i32 to vector<16xi32>
    %select_n3A_347 = arith.select %lt3A_344, %get3A_340, %broadcast_in_dim3A_346 : vector<16xi1>, vector<16xi32>
    %add3A_348 = arith.addi %add3A_336, %select_n3A_347 : vector<16xi32>
    %get3A_349 = arith.constant 27 : i32
    %get3A_350 = arith.index_cast %get3A_349 : i32 to index
    %get3A_351 = arith.constant 0 : index
    %get3A_352 = tpu.vector_load %arg7[%get3A_350, %get3A_351] {strides = array<i32>} : memref<32x16xi32, #tpu.memory_space<vmem>>, vector<16xi32>,
    %add3A_353 = arith.addi %add3A_341, %get3A_352 : vector<16xi32>
    %broadcast_in_dim3A_354 = arith.constant 27 : i32
    %broadcast_in_dim3A_355 = vector.broadcast %broadcast_in_dim3A_354 : i32 to vector<16xi32>
    %lt3A_356 = arith.cmpi slt, %broadcast_in_dim3A_355, %add3A_24 : vector<16xi32>
    %jit3A_357 = arith.constant 0 : i32
    %broadcast_in_dim3A_358 = vector.broadcast %jit3A_357 : i32 to vector<16xi32>
    %select_n3A_359 = arith.select %lt3A_356, %get3A_352, %broadcast_in_dim3A_358 : vector<16xi1>, vector<16xi32>
    %add3A_360 = arith.addi %add3A_348, %select_n3A_359 : vector<16xi32>
    %get3A_361 = arith.constant 28 : i32
    %get3A_362 = arith.index_cast %get3A_361 : i32 to index
    %get3A_363 = arith.constant 0 : index
    %get3A_364 = tpu.vector_load %arg7[%get3A_362, %get3A_363] {strides = array<i32>} : memref<32x16xi32, #tpu.memory_space<vmem>>, vector<16xi32>,
    %add3A_365 = arith.addi %add3A_353, %get3A_364 : vector<16xi32>
    %broadcast_in_dim3A_366 = arith.constant 28 : i32
    %broadcast_in_dim3A_367 = vector.broadcast %broadcast_in_dim3A_366 : i32 to vector<16xi32>
    %lt3A_368 = arith.cmpi slt, %broadcast_in_dim3A_367, %add3A_24 : vector<16xi32>
    %jit3A_369 = arith.constant 0 : i32
    %broadcast_in_dim3A_370 = vector.broadcast %jit3A_369 : i32 to vector<16xi32>
    %select_n3A_371 = arith.select %lt3A_368, %get3A_364, %broadcast_in_dim3A_370 : vector<16xi1>, vector<16xi32>
    %add3A_372 = arith.addi %add3A_360, %select_n3A_371 : vector<16xi32>
    %get3A_373 = arith.constant 29 : i32
    %get3A_374 = arith.index_cast %get3A_373 : i32 to index
    %get3A_375 = arith.constant 0 : index
    %get3A_376 = tpu.vector_load %arg7[%get3A_374, %get3A_375] {strides = array<i32>} : memref<32x16xi32, #tpu.memory_space<vmem>>, vector<16xi32>,
    %add3A_377 = arith.addi %add3A_365, %get3A_376 : vector<16xi32>
    %broadcast_in_dim3A_378 = arith.constant 29 : i32
    %broadcast_in_dim3A_379 = vector.broadcast %broadcast_in_dim3A_378 : i32 to vector<16xi32>
    %lt3A_380 = arith.cmpi slt, %broadcast_in_dim3A_379, %add3A_24 : vector<16xi32>
    %jit3A_381 = arith.constant 0 : i32
    %broadcast_in_dim3A_382 = vector.broadcast %jit3A_381 : i32 to vector<16xi32>
    %select_n3A_383 = arith.select %lt3A_380, %get3A_376, %broadcast_in_dim3A_382 : vector<16xi1>, vector<16xi32>
    %add3A_384 = arith.addi %add3A_372, %select_n3A_383 : vector<16xi32>
    %get3A_385 = arith.constant 30 : i32
    %get3A_386 = arith.index_cast %get3A_385 : i32 to index
    %get3A_387 = arith.constant 0 : index
    %get3A_388 = tpu.vector_load %arg7[%get3A_386, %get3A_387] {strides = array<i32>} : memref<32x16xi32, #tpu.memory_space<vmem>>, vector<16xi32>,
    %add3A_389 = arith.addi %add3A_377, %get3A_388 : vector<16xi32>
    %broadcast_in_dim3A_390 = arith.constant 30 : i32
    %broadcast_in_dim3A_391 = vector.broadcast %broadcast_in_dim3A_390 : i32 to vector<16xi32>
    %lt3A_392 = arith.cmpi slt, %broadcast_in_dim3A_391, %add3A_24 : vector<16xi32>
    %jit3A_393 = arith.constant 0 : i32
    %broadcast_in_dim3A_394 = vector.broadcast %jit3A_393 : i32 to vector<16xi32>
    %select_n3A_395 = arith.select %lt3A_392, %get3A_388, %broadcast_in_dim3A_394 : vector<16xi1>, vector<16xi32>
    %add3A_396 = arith.addi %add3A_384, %select_n3A_395 : vector<16xi32>
    %get3A_397 = arith.constant 31 : i32
    %get3A_398 = arith.index_cast %get3A_397 : i32 to index
    %get3A_399 = arith.constant 0 : index
    %get3A_400 = tpu.vector_load %arg7[%get3A_398, %get3A_399] {strides = array<i32>} : memref<32x16xi32, #tpu.memory_space<vmem>>, vector<16xi32>,
    %add3A_401 = arith.addi %add3A_389, %get3A_400 : vector<16xi32>
    %broadcast_in_dim3A_402 = arith.constant 31 : i32
    %broadcast_in_dim3A_403 = vector.broadcast %broadcast_in_dim3A_402 : i32 to vector<16xi32>
    %lt3A_404 = arith.cmpi slt, %broadcast_in_dim3A_403, %add3A_24 : vector<16xi32>
    %jit3A_405 = arith.constant 0 : i32
    %broadcast_in_dim3A_406 = vector.broadcast %jit3A_405 : i32 to vector<16xi32>
    %select_n3A_407 = arith.select %lt3A_404, %get3A_400, %broadcast_in_dim3A_406 : vector<16xi1>, vector<16xi32>
    %add3A_408 = arith.addi %add3A_396, %select_n3A_407 : vector<16xi32>
    %broadcast_in_dim3A_409 = arith.constant true
    %broadcast_in_dim3A_410 = vector.broadcast %broadcast_in_dim3A_409 : i1 to vector<16xi1>
    %masked_cumsum3A = tpu.scan <sum>, %add3A_401 masked %broadcast_in_dim3A_410 : vector<16xi32>, vector<16xi1> -> vector<16xi32>
    %sub3A = arith.subi %masked_cumsum3A, %add3A_401 : vector<16xi32>
    %add3A_411 = arith.addi %sub3A, %add3A_408 : vector<16xi32>
    %swap3A = arith.constant 0 : index
    %swap3A_412 = tpu.vector_load %arg9[%swap3A] {strides = array<i32>} : memref<16xi32, #tpu.memory_space<vmem>>, vector<16xi32>,
    tpu.vector_store %arg9[%swap3A], %add3A_411 {strides = array<i32>} : memref<16xi32, #tpu.memory_space<vmem>>, vector<16xi32>,
    %swap3A_413 = arith.constant 0 : index
    %swap3A_414 = tpu.vector_load %arg10[%swap3A_413] {strides = array<i32>} : memref<16xi32, #tpu.memory_space<vmem>>, vector<16xi32>,
    tpu.vector_store %arg10[%swap3A_413], %add3A_401 {strides = array<i32>} : memref<16xi32, #tpu.memory_space<vmem>>, vector<16xi32>,
    %eq3A = arith.constant 0 : i32
    %eq3A_415 = arith.cmpi eq, %add3A, %eq3A : i32
    %convert_element_type3A = arith.extui %eq3A_415 : i1 to i32
    %cond3A = arith.constant 0 : i32
    %cond3A_416 = arith.cmpi ne, %convert_element_type3A, %cond3A : i32
    scf.if %cond3A_416 {
      "tpu.region"() ({
        %run_scoped3A = tpu.sem_alloc : memref<!tpu.dma_semaphore, #tpu.memory_space<semaphore_mem>>
        tpu.enqueue_dma source(%arg10 : memref<16xi32, #tpu.memory_space<vmem>>) target(%arg6 : memref<16xi32, #tpu.memory_space<hbm>>) target_semaphore(%run_scoped3A : memref<!tpu.dma_semaphore, #tpu.memory_space<semaphore_mem>>)
        tpu.wait_dma2 semaphore(%run_scoped3A : memref<!tpu.dma_semaphore, #tpu.memory_space<semaphore_mem>>) src(%arg10 : memref<16xi32, #tpu.memory_space<vmem>>) dst(%arg6 : memref<16xi32, #tpu.memory_space<hbm>>)
        tpu.yield
      }) : () -> ()
    } else {
    }
    %scan3A = arith.constant 0 : i32
    %scan3A_417 = arith.constant 11 : i32
    %scan3A_418 = arith.addi %scan3A, %scan3A_417 : i32
    %scan3A_419 = arith.constant 1 : i32
    scf.for %scan3A_421 = %scan3A to %scan3A_418 step %scan3A_419  : i32 {
      %mul3A_422 = arith.constant 3 : i32
      %mul3A_423 = arith.muli %scan3A_421, %mul3A_422 : i32
      %add3A_424 = arith.constant 0 : i32
      %add3A_425 = arith.addi %add3A_424, %mul3A_423 : i32
      %add3A_426 = arith.constant 0 : i32
      %add3A_427 = arith.addi %add3A_425, %add3A_426 : i32
      %lt3A_428 = arith.constant 32 : i32
      %lt3A_429 = arith.cmpi slt, %add3A_427, %lt3A_428 : i32
      %convert_element_type3A_430 = arith.extui %lt3A_429 : i1 to i32
      %cond3A_431 = arith.constant 0 : i32
      %cond3A_432 = arith.cmpi ne, %convert_element_type3A_430, %cond3A_431 : i32
      scf.if %cond3A_432 {
        %get3A_447 = arith.index_cast %add3A_427 : i32 to index
        %get3A_448 = arith.constant 0 : index
        %get3A_449 = tpu.vector_load %arg8[%get3A_447, %get3A_448] {strides = array<i32>} : memref<32x16xi32, #tpu.memory_space<vmem>>, vector<16xi32>,
        %gather3A = tpu.vector_load_idx %arg9[%get3A_449] : memref<16xi32, #tpu.memory_space<vmem>>[vector<16xi32>], vector<16xi32>,
        %broadcast_in_dim3A_450 = arith.constant 0 : i32
        %broadcast_in_dim3A_451 = vector.broadcast %broadcast_in_dim3A_450 : i32 to vector<16xi32>
        %broadcast_in_dim3A_452 = arith.constant 0 : i32
        %broadcast_in_dim3A_453 = vector.broadcast %broadcast_in_dim3A_452 : i32 to vector<16xi32>
        %eq3A_454 = arith.constant 0 : i32
        %eq3A_455 = vector.broadcast %eq3A_454 : i32 to vector<16xi32>
        %eq3A_456 = arith.cmpi eq, %get3A_449, %eq3A_455 : vector<16xi32>
        %convert_element_type3A_457 = arith.extui %eq3A_456 : vector<16xi1> to vector<16xi32>
        %broadcast_in_dim3A_458 = arith.constant true
        %broadcast_in_dim3A_459 = vector.broadcast %broadcast_in_dim3A_458 : i1 to vector<16xi1>
        %masked_cumsum3A_460 = tpu.scan <sum>, %convert_element_type3A_457 masked %broadcast_in_dim3A_459 : vector<16xi32>, vector<16xi1> -> vector<16xi32>
        %sub3A_461 = arith.constant 1 : i32
        %sub3A_462 = vector.broadcast %sub3A_461 : i32 to vector<16xi32>
        %sub3A_463 = arith.subi %masked_cumsum3A_460, %sub3A_462 : vector<16xi32>
        %select_n3A_464 = arith.select %eq3A_456, %sub3A_463, %broadcast_in_dim3A_451 : vector<16xi1>, vector<16xi32>
        %eq3A_465 = arith.constant 0 : i32
        %eq3A_466 = vector.broadcast %eq3A_465 : i32 to vector<16xi32>
        %eq3A_467 = arith.cmpi eq, %iota3A, %eq3A_466 : vector<16xi32>
        %all_reduce_population_count3A = tpu.all_reduce %eq3A_456 {dim = 0 : i64, kind = #tpu.reduction_kind<sum>} : vector<16xi1> -> vector<16xi32>
        %jit3A_468 = arith.constant 0 : i32
        %broadcast_in_dim3A_469 = vector.broadcast %jit3A_468 : i32 to vector<16xi32>
        %select_n3A_470 = arith.select %eq3A_467, %all_reduce_population_count3A, %broadcast_in_dim3A_469 : vector<16xi1>, vector<16xi32>
        %add3A_471 = arith.addi %broadcast_in_dim3A_453, %select_n3A_470 : vector<16xi32>
        %eq3A_472 = arith.constant 1 : i32
        %eq3A_473 = vector.broadcast %eq3A_472 : i32 to vector<16xi32>
        %eq3A_474 = arith.cmpi eq, %get3A_449, %eq3A_473 : vector<16xi32>
        %convert_element_type3A_475 = arith.extui %eq3A_474 : vector<16xi1> to vector<16xi32>
        %broadcast_in_dim3A_476 = arith.constant true
        %broadcast_in_dim3A_477 = vector.broadcast %broadcast_in_dim3A_476 : i1 to vector<16xi1>
        %masked_cumsum3A_478 = tpu.scan <sum>, %convert_element_type3A_475 masked %broadcast_in_dim3A_477 : vector<16xi32>, vector<16xi1> -> vector<16xi32>
        %sub3A_479 = arith.constant 1 : i32
        %sub3A_480 = vector.broadcast %sub3A_479 : i32 to vector<16xi32>
        %sub3A_481 = arith.subi %masked_cumsum3A_478, %sub3A_480 : vector<16xi32>
        %select_n3A_482 = arith.select %eq3A_474, %sub3A_481, %select_n3A_464 : vector<16xi1>, vector<16xi32>
        %eq3A_483 = arith.constant 1 : i32
        %eq3A_484 = vector.broadcast %eq3A_483 : i32 to vector<16xi32>
        %eq3A_485 = arith.cmpi eq, %iota3A, %eq3A_484 : vector<16xi32>
        %all_reduce_population_count3A_486 = tpu.all_reduce %eq3A_474 {dim = 0 : i64, kind = #tpu.reduction_kind<sum>} : vector<16xi1> -> vector<16xi32>
        %jit3A_487 = arith.constant 0 : i32
        %broadcast_in_dim3A_488 = vector.broadcast %jit3A_487 : i32 to vector<16xi32>
        %select_n3A_489 = arith.select %eq3A_485, %all_reduce_population_count3A_486, %broadcast_in_dim3A_488 : vector<16xi1>, vector<16xi32>
        %add3A_490 = arith.addi %add3A_471, %select_n3A_489 : vector<16xi32>
        %eq3A_491 = arith.constant 2 : i32
        %eq3A_492 = vector.broadcast %eq3A_491 : i32 to vector<16xi32>
        %eq3A_493 = arith.cmpi eq, %get3A_449, %eq3A_492 : vector<16xi32>
        %convert_element_type3A_494 = arith.extui %eq3A_493 : vector<16xi1> to vector<16xi32>
        %broadcast_in_dim3A_495 = arith.constant true
        %broadcast_in_dim3A_496 = vector.broadcast %broadcast_in_dim3A_495 : i1 to vector<16xi1>
        %masked_cumsum3A_497 = tpu.scan <sum>, %convert_element_type3A_494 masked %broadcast_in_dim3A_496 : vector<16xi32>, vector<16xi1> -> vector<16xi32>
        %sub3A_498 = arith.constant 1 : i32
        %sub3A_499 = vector.broadcast %sub3A_498 : i32 to vector<16xi32>
        %sub3A_500 = arith.subi %masked_cumsum3A_497, %sub3A_499 : vector<16xi32>
        %select_n3A_501 = arith.select %eq3A_493, %sub3A_500, %select_n3A_482 : vector<16xi1>, vector<16xi32>
        %eq3A_502 = arith.constant 2 : i32
        %eq3A_503 = vector.broadcast %eq3A_502 : i32 to vector<16xi32>
        %eq3A_504 = arith.cmpi eq, %iota3A, %eq3A_503 : vector<16xi32>
        %all_reduce_population_count3A_505 = tpu.all_reduce %eq3A_493 {dim = 0 : i64, kind = #tpu.reduction_kind<sum>} : vector<16xi1> -> vector<16xi32>
        %jit3A_506 = arith.constant 0 : i32
        %broadcast_in_dim3A_507 = vector.broadcast %jit3A_506 : i32 to vector<16xi32>
        %select_n3A_508 = arith.select %eq3A_504, %all_reduce_population_count3A_505, %broadcast_in_dim3A_507 : vector<16xi1>, vector<16xi32>
        %add3A_509 = arith.addi %add3A_490, %select_n3A_508 : vector<16xi32>
        %eq3A_510 = arith.constant 3 : i32
        %eq3A_511 = vector.broadcast %eq3A_510 : i32 to vector<16xi32>
        %eq3A_512 = arith.cmpi eq, %get3A_449, %eq3A_511 : vector<16xi32>
        %convert_element_type3A_513 = arith.extui %eq3A_512 : vector<16xi1> to vector<16xi32>
        %broadcast_in_dim3A_514 = arith.constant true
        %broadcast_in_dim3A_515 = vector.broadcast %broadcast_in_dim3A_514 : i1 to vector<16xi1>
        %masked_cumsum3A_516 = tpu.scan <sum>, %convert_element_type3A_513 masked %broadcast_in_dim3A_515 : vector<16xi32>, vector<16xi1> -> vector<16xi32>
        %sub3A_517 = arith.constant 1 : i32
        %sub3A_518 = vector.broadcast %sub3A_517 : i32 to vector<16xi32>
        %sub3A_519 = arith.subi %masked_cumsum3A_516, %sub3A_518 : vector<16xi32>
        %select_n3A_520 = arith.select %eq3A_512, %sub3A_519, %select_n3A_501 : vector<16xi1>, vector<16xi32>
        %eq3A_521 = arith.constant 3 : i32
        %eq3A_522 = vector.broadcast %eq3A_521 : i32 to vector<16xi32>
        %eq3A_523 = arith.cmpi eq, %iota3A, %eq3A_522 : vector<16xi32>
        %all_reduce_population_count3A_524 = tpu.all_reduce %eq3A_512 {dim = 0 : i64, kind = #tpu.reduction_kind<sum>} : vector<16xi1> -> vector<16xi32>
        %jit3A_525 = arith.constant 0 : i32
        %broadcast_in_dim3A_526 = vector.broadcast %jit3A_525 : i32 to vector<16xi32>
        %select_n3A_527 = arith.select %eq3A_523, %all_reduce_population_count3A_524, %broadcast_in_dim3A_526 : vector<16xi1>, vector<16xi32>
        %add3A_528 = arith.addi %add3A_509, %select_n3A_527 : vector<16xi32>
        %eq3A_529 = arith.constant 4 : i32
        %eq3A_530 = vector.broadcast %eq3A_529 : i32 to vector<16xi32>
        %eq3A_531 = arith.cmpi eq, %get3A_449, %eq3A_530 : vector<16xi32>
        %convert_element_type3A_532 = arith.extui %eq3A_531 : vector<16xi1> to vector<16xi32>
        %broadcast_in_dim3A_533 = arith.constant true
        %broadcast_in_dim3A_534 = vector.broadcast %broadcast_in_dim3A_533 : i1 to vector<16xi1>
        %masked_cumsum3A_535 = tpu.scan <sum>, %convert_element_type3A_532 masked %broadcast_in_dim3A_534 : vector<16xi32>, vector<16xi1> -> vector<16xi32>
        %sub3A_536 = arith.constant 1 : i32
        %sub3A_537 = vector.broadcast %sub3A_536 : i32 to vector<16xi32>
        %sub3A_538 = arith.subi %masked_cumsum3A_535, %sub3A_537 : vector<16xi32>
        %select_n3A_539 = arith.select %eq3A_531, %sub3A_538, %select_n3A_520 : vector<16xi1>, vector<16xi32>
        %eq3A_540 = arith.constant 4 : i32
        %eq3A_541 = vector.broadcast %eq3A_540 : i32 to vector<16xi32>
        %eq3A_542 = arith.cmpi eq, %iota3A, %eq3A_541 : vector<16xi32>
        %all_reduce_population_count3A_543 = tpu.all_reduce %eq3A_531 {dim = 0 : i64, kind = #tpu.reduction_kind<sum>} : vector<16xi1> -> vector<16xi32>
        %jit3A_544 = arith.constant 0 : i32
        %broadcast_in_dim3A_545 = vector.broadcast %jit3A_544 : i32 to vector<16xi32>
        %select_n3A_546 = arith.select %eq3A_542, %all_reduce_population_count3A_543, %broadcast_in_dim3A_545 : vector<16xi1>, vector<16xi32>
        %add3A_547 = arith.addi %add3A_528, %select_n3A_546 : vector<16xi32>
        %eq3A_548 = arith.constant 5 : i32
        %eq3A_549 = vector.broadcast %eq3A_548 : i32 to vector<16xi32>
        %eq3A_550 = arith.cmpi eq, %get3A_449, %eq3A_549 : vector<16xi32>
        %convert_element_type3A_551 = arith.extui %eq3A_550 : vector<16xi1> to vector<16xi32>
        %broadcast_in_dim3A_552 = arith.constant true
        %broadcast_in_dim3A_553 = vector.broadcast %broadcast_in_dim3A_552 : i1 to vector<16xi1>
        %masked_cumsum3A_554 = tpu.scan <sum>, %convert_element_type3A_551 masked %broadcast_in_dim3A_553 : vector<16xi32>, vector<16xi1> -> vector<16xi32>
        %sub3A_555 = arith.constant 1 : i32
        %sub3A_556 = vector.broadcast %sub3A_555 : i32 to vector<16xi32>
        %sub3A_557 = arith.subi %masked_cumsum3A_554, %sub3A_556 : vector<16xi32>
        %select_n3A_558 = arith.select %eq3A_550, %sub3A_557, %select_n3A_539 : vector<16xi1>, vector<16xi32>
        %eq3A_559 = arith.constant 5 : i32
        %eq3A_560 = vector.broadcast %eq3A_559 : i32 to vector<16xi32>
        %eq3A_561 = arith.cmpi eq, %iota3A, %eq3A_560 : vector<16xi32>
        %all_reduce_population_count3A_562 = tpu.all_reduce %eq3A_550 {dim = 0 : i64, kind = #tpu.reduction_kind<sum>} : vector<16xi1> -> vector<16xi32>
        %jit3A_563 = arith.constant 0 : i32
        %broadcast_in_dim3A_564 = vector.broadcast %jit3A_563 : i32 to vector<16xi32>
        %select_n3A_565 = arith.select %eq3A_561, %all_reduce_population_count3A_562, %broadcast_in_dim3A_564 : vector<16xi1>, vector<16xi32>
        %add3A_566 = arith.addi %add3A_547, %select_n3A_565 : vector<16xi32>
        %eq3A_567 = arith.constant 6 : i32
        %eq3A_568 = vector.broadcast %eq3A_567 : i32 to vector<16xi32>
        %eq3A_569 = arith.cmpi eq, %get3A_449, %eq3A_568 : vector<16xi32>
        %convert_element_type3A_570 = arith.extui %eq3A_569 : vector<16xi1> to vector<16xi32>
        %broadcast_in_dim3A_571 = arith.constant true
        %broadcast_in_dim3A_572 = vector.broadcast %broadcast_in_dim3A_571 : i1 to vector<16xi1>
        %masked_cumsum3A_573 = tpu.scan <sum>, %convert_element_type3A_570 masked %broadcast_in_dim3A_572 : vector<16xi32>, vector<16xi1> -> vector<16xi32>
        %sub3A_574 = arith.constant 1 : i32
        %sub3A_575 = vector.broadcast %sub3A_574 : i32 to vector<16xi32>
        %sub3A_576 = arith.subi %masked_cumsum3A_573, %sub3A_575 : vector<16xi32>
        %select_n3A_577 = arith.select %eq3A_569, %sub3A_576, %select_n3A_558 : vector<16xi1>, vector<16xi32>
        %eq3A_578 = arith.constant 6 : i32
        %eq3A_579 = vector.broadcast %eq3A_578 : i32 to vector<16xi32>
        %eq3A_580 = arith.cmpi eq, %iota3A, %eq3A_579 : vector<16xi32>
        %all_reduce_population_count3A_581 = tpu.all_reduce %eq3A_569 {dim = 0 : i64, kind = #tpu.reduction_kind<sum>} : vector<16xi1> -> vector<16xi32>
        %jit3A_582 = arith.constant 0 : i32
        %broadcast_in_dim3A_583 = vector.broadcast %jit3A_582 : i32 to vector<16xi32>
        %select_n3A_584 = arith.select %eq3A_580, %all_reduce_population_count3A_581, %broadcast_in_dim3A_583 : vector<16xi1>, vector<16xi32>
        %add3A_585 = arith.addi %add3A_566, %select_n3A_584 : vector<16xi32>
        %eq3A_586 = arith.constant 7 : i32
        %eq3A_587 = vector.broadcast %eq3A_586 : i32 to vector<16xi32>
        %eq3A_588 = arith.cmpi eq, %get3A_449, %eq3A_587 : vector<16xi32>
        %convert_element_type3A_589 = arith.extui %eq3A_588 : vector<16xi1> to vector<16xi32>
        %broadcast_in_dim3A_590 = arith.constant true
        %broadcast_in_dim3A_591 = vector.broadcast %broadcast_in_dim3A_590 : i1 to vector<16xi1>
        %masked_cumsum3A_592 = tpu.scan <sum>, %convert_element_type3A_589 masked %broadcast_in_dim3A_591 : vector<16xi32>, vector<16xi1> -> vector<16xi32>
        %sub3A_593 = arith.constant 1 : i32
        %sub3A_594 = vector.broadcast %sub3A_593 : i32 to vector<16xi32>
        %sub3A_595 = arith.subi %masked_cumsum3A_592, %sub3A_594 : vector<16xi32>
        %select_n3A_596 = arith.select %eq3A_588, %sub3A_595, %select_n3A_577 : vector<16xi1>, vector<16xi32>
        %eq3A_597 = arith.constant 7 : i32
        %eq3A_598 = vector.broadcast %eq3A_597 : i32 to vector<16xi32>
        %eq3A_599 = arith.cmpi eq, %iota3A, %eq3A_598 : vector<16xi32>
        %all_reduce_population_count3A_600 = tpu.all_reduce %eq3A_588 {dim = 0 : i64, kind = #tpu.reduction_kind<sum>} : vector<16xi1> -> vector<16xi32>
        %jit3A_601 = arith.constant 0 : i32
        %broadcast_in_dim3A_602 = vector.broadcast %jit3A_601 : i32 to vector<16xi32>
        %select_n3A_603 = arith.select %eq3A_599, %all_reduce_population_count3A_600, %broadcast_in_dim3A_602 : vector<16xi1>, vector<16xi32>
        %add3A_604 = arith.addi %add3A_585, %select_n3A_603 : vector<16xi32>
        %eq3A_605 = arith.constant 8 : i32
        %eq3A_606 = vector.broadcast %eq3A_605 : i32 to vector<16xi32>
        %eq3A_607 = arith.cmpi eq, %get3A_449, %eq3A_606 : vector<16xi32>
        %convert_element_type3A_608 = arith.extui %eq3A_607 : vector<16xi1> to vector<16xi32>
        %broadcast_in_dim3A_609 = arith.constant true
        %broadcast_in_dim3A_610 = vector.broadcast %broadcast_in_dim3A_609 : i1 to vector<16xi1>
        %masked_cumsum3A_611 = tpu.scan <sum>, %convert_element_type3A_608 masked %broadcast_in_dim3A_610 : vector<16xi32>, vector<16xi1> -> vector<16xi32>
        %sub3A_612 = arith.constant 1 : i32
        %sub3A_613 = vector.broadcast %sub3A_612 : i32 to vector<16xi32>
        %sub3A_614 = arith.subi %masked_cumsum3A_611, %sub3A_613 : vector<16xi32>
        %select_n3A_615 = arith.select %eq3A_607, %sub3A_614, %select_n3A_596 : vector<16xi1>, vector<16xi32>
        %eq3A_616 = arith.constant 8 : i32
        %eq3A_617 = vector.broadcast %eq3A_616 : i32 to vector<16xi32>
        %eq3A_618 = arith.cmpi eq, %iota3A, %eq3A_617 : vector<16xi32>
        %all_reduce_population_count3A_619 = tpu.all_reduce %eq3A_607 {dim = 0 : i64, kind = #tpu.reduction_kind<sum>} : vector<16xi1> -> vector<16xi32>
        %jit3A_620 = arith.constant 0 : i32
        %broadcast_in_dim3A_621 = vector.broadcast %jit3A_620 : i32 to vector<16xi32>
        %select_n3A_622 = arith.select %eq3A_618, %all_reduce_population_count3A_619, %broadcast_in_dim3A_621 : vector<16xi1>, vector<16xi32>
        %add3A_623 = arith.addi %add3A_604, %select_n3A_622 : vector<16xi32>
        %eq3A_624 = arith.constant 9 : i32
        %eq3A_625 = vector.broadcast %eq3A_624 : i32 to vector<16xi32>
        %eq3A_626 = arith.cmpi eq, %get3A_449, %eq3A_625 : vector<16xi32>
        %convert_element_type3A_627 = arith.extui %eq3A_626 : vector<16xi1> to vector<16xi32>
        %broadcast_in_dim3A_628 = arith.constant true
        %broadcast_in_dim3A_629 = vector.broadcast %broadcast_in_dim3A_628 : i1 to vector<16xi1>
        %masked_cumsum3A_630 = tpu.scan <sum>, %convert_element_type3A_627 masked %broadcast_in_dim3A_629 : vector<16xi32>, vector<16xi1> -> vector<16xi32>
        %sub3A_631 = arith.constant 1 : i32
        %sub3A_632 = vector.broadcast %sub3A_631 : i32 to vector<16xi32>
        %sub3A_633 = arith.subi %masked_cumsum3A_630, %sub3A_632 : vector<16xi32>
        %select_n3A_634 = arith.select %eq3A_626, %sub3A_633, %select_n3A_615 : vector<16xi1>, vector<16xi32>
        %eq3A_635 = arith.constant 9 : i32
        %eq3A_636 = vector.broadcast %eq3A_635 : i32 to vector<16xi32>
        %eq3A_637 = arith.cmpi eq, %iota3A, %eq3A_636 : vector<16xi32>
        %all_reduce_population_count3A_638 = tpu.all_reduce %eq3A_626 {dim = 0 : i64, kind = #tpu.reduction_kind<sum>} : vector<16xi1> -> vector<16xi32>
        %jit3A_639 = arith.constant 0 : i32
        %broadcast_in_dim3A_640 = vector.broadcast %jit3A_639 : i32 to vector<16xi32>
        %select_n3A_641 = arith.select %eq3A_637, %all_reduce_population_count3A_638, %broadcast_in_dim3A_640 : vector<16xi1>, vector<16xi32>
        %add3A_642 = arith.addi %add3A_623, %select_n3A_641 : vector<16xi32>
        %eq3A_643 = arith.constant 10 : i32
        %eq3A_644 = vector.broadcast %eq3A_643 : i32 to vector<16xi32>
        %eq3A_645 = arith.cmpi eq, %get3A_449, %eq3A_644 : vector<16xi32>
        %convert_element_type3A_646 = arith.extui %eq3A_645 : vector<16xi1> to vector<16xi32>
        %broadcast_in_dim3A_647 = arith.constant true
        %broadcast_in_dim3A_648 = vector.broadcast %broadcast_in_dim3A_647 : i1 to vector<16xi1>
        %masked_cumsum3A_649 = tpu.scan <sum>, %convert_element_type3A_646 masked %broadcast_in_dim3A_648 : vector<16xi32>, vector<16xi1> -> vector<16xi32>
        %sub3A_650 = arith.constant 1 : i32
        %sub3A_651 = vector.broadcast %sub3A_650 : i32 to vector<16xi32>
        %sub3A_652 = arith.subi %masked_cumsum3A_649, %sub3A_651 : vector<16xi32>
        %select_n3A_653 = arith.select %eq3A_645, %sub3A_652, %select_n3A_634 : vector<16xi1>, vector<16xi32>
        %eq3A_654 = arith.constant 10 : i32
        %eq3A_655 = vector.broadcast %eq3A_654 : i32 to vector<16xi32>
        %eq3A_656 = arith.cmpi eq, %iota3A, %eq3A_655 : vector<16xi32>
        %all_reduce_population_count3A_657 = tpu.all_reduce %eq3A_645 {dim = 0 : i64, kind = #tpu.reduction_kind<sum>} : vector<16xi1> -> vector<16xi32>
        %jit3A_658 = arith.constant 0 : i32
        %broadcast_in_dim3A_659 = vector.broadcast %jit3A_658 : i32 to vector<16xi32>
        %select_n3A_660 = arith.select %eq3A_656, %all_reduce_population_count3A_657, %broadcast_in_dim3A_659 : vector<16xi1>, vector<16xi32>
        %add3A_661 = arith.addi %add3A_642, %select_n3A_660 : vector<16xi32>
        %eq3A_662 = arith.constant 11 : i32
        %eq3A_663 = vector.broadcast %eq3A_662 : i32 to vector<16xi32>
        %eq3A_664 = arith.cmpi eq, %get3A_449, %eq3A_663 : vector<16xi32>
        %convert_element_type3A_665 = arith.extui %eq3A_664 : vector<16xi1> to vector<16xi32>
        %broadcast_in_dim3A_666 = arith.constant true
        %broadcast_in_dim3A_667 = vector.broadcast %broadcast_in_dim3A_666 : i1 to vector<16xi1>
        %masked_cumsum3A_668 = tpu.scan <sum>, %convert_element_type3A_665 masked %broadcast_in_dim3A_667 : vector<16xi32>, vector<16xi1> -> vector<16xi32>
        %sub3A_669 = arith.constant 1 : i32
        %sub3A_670 = vector.broadcast %sub3A_669 : i32 to vector<16xi32>
        %sub3A_671 = arith.subi %masked_cumsum3A_668, %sub3A_670 : vector<16xi32>
        %select_n3A_672 = arith.select %eq3A_664, %sub3A_671, %select_n3A_653 : vector<16xi1>, vector<16xi32>
        %eq3A_673 = arith.constant 11 : i32
        %eq3A_674 = vector.broadcast %eq3A_673 : i32 to vector<16xi32>
        %eq3A_675 = arith.cmpi eq, %iota3A, %eq3A_674 : vector<16xi32>
        %all_reduce_population_count3A_676 = tpu.all_reduce %eq3A_664 {dim = 0 : i64, kind = #tpu.reduction_kind<sum>} : vector<16xi1> -> vector<16xi32>
        %jit3A_677 = arith.constant 0 : i32
        %broadcast_in_dim3A_678 = vector.broadcast %jit3A_677 : i32 to vector<16xi32>
        %select_n3A_679 = arith.select %eq3A_675, %all_reduce_population_count3A_676, %broadcast_in_dim3A_678 : vector<16xi1>, vector<16xi32>
        %add3A_680 = arith.addi %add3A_661, %select_n3A_679 : vector<16xi32>
        %eq3A_681 = arith.constant 12 : i32
        %eq3A_682 = vector.broadcast %eq3A_681 : i32 to vector<16xi32>
        %eq3A_683 = arith.cmpi eq, %get3A_449, %eq3A_682 : vector<16xi32>
        %convert_element_type3A_684 = arith.extui %eq3A_683 : vector<16xi1> to vector<16xi32>
        %broadcast_in_dim3A_685 = arith.constant true
        %broadcast_in_dim3A_686 = vector.broadcast %broadcast_in_dim3A_685 : i1 to vector<16xi1>
        %masked_cumsum3A_687 = tpu.scan <sum>, %convert_element_type3A_684 masked %broadcast_in_dim3A_686 : vector<16xi32>, vector<16xi1> -> vector<16xi32>
        %sub3A_688 = arith.constant 1 : i32
        %sub3A_689 = vector.broadcast %sub3A_688 : i32 to vector<16xi32>
        %sub3A_690 = arith.subi %masked_cumsum3A_687, %sub3A_689 : vector<16xi32>
        %select_n3A_691 = arith.select %eq3A_683, %sub3A_690, %select_n3A_672 : vector<16xi1>, vector<16xi32>
        %eq3A_692 = arith.constant 12 : i32
        %eq3A_693 = vector.broadcast %eq3A_692 : i32 to vector<16xi32>
        %eq3A_694 = arith.cmpi eq, %iota3A, %eq3A_693 : vector<16xi32>
        %all_reduce_population_count3A_695 = tpu.all_reduce %eq3A_683 {dim = 0 : i64, kind = #tpu.reduction_kind<sum>} : vector<16xi1> -> vector<16xi32>
        %jit3A_696 = arith.constant 0 : i32
        %broadcast_in_dim3A_697 = vector.broadcast %jit3A_696 : i32 to vector<16xi32>
        %select_n3A_698 = arith.select %eq3A_694, %all_reduce_population_count3A_695, %broadcast_in_dim3A_697 : vector<16xi1>, vector<16xi32>
        %add3A_699 = arith.addi %add3A_680, %select_n3A_698 : vector<16xi32>
        %eq3A_700 = arith.constant 13 : i32
        %eq3A_701 = vector.broadcast %eq3A_700 : i32 to vector<16xi32>
        %eq3A_702 = arith.cmpi eq, %get3A_449, %eq3A_701 : vector<16xi32>
        %convert_element_type3A_703 = arith.extui %eq3A_702 : vector<16xi1> to vector<16xi32>
        %broadcast_in_dim3A_704 = arith.constant true
        %broadcast_in_dim3A_705 = vector.broadcast %broadcast_in_dim3A_704 : i1 to vector<16xi1>
        %masked_cumsum3A_706 = tpu.scan <sum>, %convert_element_type3A_703 masked %broadcast_in_dim3A_705 : vector<16xi32>, vector<16xi1> -> vector<16xi32>
        %sub3A_707 = arith.constant 1 : i32
        %sub3A_708 = vector.broadcast %sub3A_707 : i32 to vector<16xi32>
        %sub3A_709 = arith.subi %masked_cumsum3A_706, %sub3A_708 : vector<16xi32>
        %select_n3A_710 = arith.select %eq3A_702, %sub3A_709, %select_n3A_691 : vector<16xi1>, vector<16xi32>
        %eq3A_711 = arith.constant 13 : i32
        %eq3A_712 = vector.broadcast %eq3A_711 : i32 to vector<16xi32>
        %eq3A_713 = arith.cmpi eq, %iota3A, %eq3A_712 : vector<16xi32>
        %all_reduce_population_count3A_714 = tpu.all_reduce %eq3A_702 {dim = 0 : i64, kind = #tpu.reduction_kind<sum>} : vector<16xi1> -> vector<16xi32>
        %jit3A_715 = arith.constant 0 : i32
        %broadcast_in_dim3A_716 = vector.broadcast %jit3A_715 : i32 to vector<16xi32>
        %select_n3A_717 = arith.select %eq3A_713, %all_reduce_population_count3A_714, %broadcast_in_dim3A_716 : vector<16xi1>, vector<16xi32>
        %add3A_718 = arith.addi %add3A_699, %select_n3A_717 : vector<16xi32>
        %eq3A_719 = arith.constant 14 : i32
        %eq3A_720 = vector.broadcast %eq3A_719 : i32 to vector<16xi32>
        %eq3A_721 = arith.cmpi eq, %get3A_449, %eq3A_720 : vector<16xi32>
        %convert_element_type3A_722 = arith.extui %eq3A_721 : vector<16xi1> to vector<16xi32>
        %broadcast_in_dim3A_723 = arith.constant true
        %broadcast_in_dim3A_724 = vector.broadcast %broadcast_in_dim3A_723 : i1 to vector<16xi1>
        %masked_cumsum3A_725 = tpu.scan <sum>, %convert_element_type3A_722 masked %broadcast_in_dim3A_724 : vector<16xi32>, vector<16xi1> -> vector<16xi32>
        %sub3A_726 = arith.constant 1 : i32
        %sub3A_727 = vector.broadcast %sub3A_726 : i32 to vector<16xi32>
        %sub3A_728 = arith.subi %masked_cumsum3A_725, %sub3A_727 : vector<16xi32>
        %select_n3A_729 = arith.select %eq3A_721, %sub3A_728, %select_n3A_710 : vector<16xi1>, vector<16xi32>
        %eq3A_730 = arith.constant 14 : i32
        %eq3A_731 = vector.broadcast %eq3A_730 : i32 to vector<16xi32>
        %eq3A_732 = arith.cmpi eq, %iota3A, %eq3A_731 : vector<16xi32>
        %all_reduce_population_count3A_733 = tpu.all_reduce %eq3A_721 {dim = 0 : i64, kind = #tpu.reduction_kind<sum>} : vector<16xi1> -> vector<16xi32>
        %jit3A_734 = arith.constant 0 : i32
        %broadcast_in_dim3A_735 = vector.broadcast %jit3A_734 : i32 to vector<16xi32>
        %select_n3A_736 = arith.select %eq3A_732, %all_reduce_population_count3A_733, %broadcast_in_dim3A_735 : vector<16xi1>, vector<16xi32>
        %add3A_737 = arith.addi %add3A_718, %select_n3A_736 : vector<16xi32>
        %eq3A_738 = arith.constant 15 : i32
        %eq3A_739 = vector.broadcast %eq3A_738 : i32 to vector<16xi32>
        %eq3A_740 = arith.cmpi eq, %get3A_449, %eq3A_739 : vector<16xi32>
        %convert_element_type3A_741 = arith.extui %eq3A_740 : vector<16xi1> to vector<16xi32>
        %broadcast_in_dim3A_742 = arith.constant true
        %broadcast_in_dim3A_743 = vector.broadcast %broadcast_in_dim3A_742 : i1 to vector<16xi1>
        %masked_cumsum3A_744 = tpu.scan <sum>, %convert_element_type3A_741 masked %broadcast_in_dim3A_743 : vector<16xi32>, vector<16xi1> -> vector<16xi32>
        %sub3A_745 = arith.constant 1 : i32
        %sub3A_746 = vector.broadcast %sub3A_745 : i32 to vector<16xi32>
        %sub3A_747 = arith.subi %masked_cumsum3A_744, %sub3A_746 : vector<16xi32>
        %select_n3A_748 = arith.select %eq3A_740, %sub3A_747, %select_n3A_729 : vector<16xi1>, vector<16xi32>
        %eq3A_749 = arith.constant 15 : i32
        %eq3A_750 = vector.broadcast %eq3A_749 : i32 to vector<16xi32>
        %eq3A_751 = arith.cmpi eq, %iota3A, %eq3A_750 : vector<16xi32>
        %all_reduce_population_count3A_752 = tpu.all_reduce %eq3A_740 {dim = 0 : i64, kind = #tpu.reduction_kind<sum>} : vector<16xi1> -> vector<16xi32>
        %jit3A_753 = arith.constant 0 : i32
        %broadcast_in_dim3A_754 = vector.broadcast %jit3A_753 : i32 to vector<16xi32>
        %select_n3A_755 = arith.select %eq3A_751, %all_reduce_population_count3A_752, %broadcast_in_dim3A_754 : vector<16xi1>, vector<16xi32>
        %add3A_756 = arith.addi %add3A_737, %select_n3A_755 : vector<16xi32>
        %add3A_757 = arith.addi %gather3A, %select_n3A_748 : vector<16xi32>
        %get3A_758 = arith.constant 0 : index
        %get3A_759 = tpu.vector_load %arg9[%get3A_758] {strides = array<i32>} : memref<16xi32, #tpu.memory_space<vmem>>, vector<16xi32>,
        %add3A_760 = arith.addi %get3A_759, %add3A_756 : vector<16xi32>
        %swap3A_761 = arith.constant 0 : index
        %swap3A_762 = tpu.vector_load %arg9[%swap3A_761] {strides = array<i32>} : memref<16xi32, #tpu.memory_space<vmem>>, vector<16xi32>,
        tpu.vector_store %arg9[%swap3A_761], %add3A_760 {strides = array<i32>} : memref<16xi32, #tpu.memory_space<vmem>>, vector<16xi32>,
        %mul3A_763 = arith.constant 16 : i32
        %mul3A_764 = arith.muli %add3A_427, %mul3A_763 : i32
        %add3A_765 = arith.addi %mul3A_2, %mul3A_764 : i32
        %dma_wait3A = arith.constant 0 : i32
        %dma_wait3A_766 = tpu.memref_slice %arg2[%add3A_765, %dma_wait3A] : memref<16384x2048xf32, #tpu.memory_space<hbm>> -> memref<16x2048xf32, #tpu.memory_space<hbm>>
        %dma_wait3A_767 = arith.constant 0 : i32
        %dma_wait3A_768 = tpu.memref_slice %arg2[%add3A_765, %dma_wait3A_767] : memref<16384x2048xf32, #tpu.memory_space<hbm>> -> memref<16x2048xf32, #tpu.memory_space<hbm>>
        tpu.wait_dma2 semaphore(%arg14 : memref<!tpu.dma_semaphore, #tpu.memory_space<semaphore_mem>>) src(%dma_wait3A_768 : memref<16x2048xf32, #tpu.memory_space<hbm>>) dst(%arg11 : memref<16x2048xf32, #tpu.memory_space<vmem>>)
        %dma_start3A_769 = arith.constant 0 : i32
        %dma_start3A_770 = arith.constant 0 : i32
        %dma_start3A_771 = tpu.memref_slice %arg5[%dma_start3A_769, %dma_start3A_770] : memref<16384x2048xf32, #tpu.memory_space<hbm>> -> memref<16384x2048xf32, #tpu.memory_space<hbm>>
        tpu.enqueue_indirect_dma source(%arg11 : memref<16x2048xf32, #tpu.memory_space<vmem>>) target(%dma_start3A_771 : memref<16384x2048xf32, #tpu.memory_space<hbm>>) offsets(%add3A_757 : vector<16xi32>) semaphore(%arg17 : memref<!tpu.dma_semaphore, #tpu.memory_space<semaphore_mem>>)
        %dma_wait3A_772 = arith.constant 0 : i32
        %dma_wait3A_773 = arith.constant 0 : i32
        %dma_wait3A_774 = tpu.memref_slice %arg5[%dma_wait3A_772, %dma_wait3A_773] : memref<16384x2048xf32, #tpu.memory_space<hbm>> -> memref<16384x2048xf32, #tpu.memory_space<hbm>>
        tpu.wait_indirect_dma semaphore(%arg17 : memref<!tpu.dma_semaphore, #tpu.memory_space<semaphore_mem>>) src(%arg11 : memref<16x2048xf32, #tpu.memory_space<vmem>>) dst(%dma_wait3A_774 : memref<16384x2048xf32, #tpu.memory_space<hbm>>)
        %add3A_775 = arith.constant 3 : i32
        %add3A_776 = arith.addi %add3A_427, %add3A_775 : i32
        %lt3A_777 = arith.constant 32 : i32
        %lt3A_778 = arith.cmpi slt, %add3A_776, %lt3A_777 : i32
        %convert_element_type3A_779 = arith.extui %lt3A_778 : i1 to i32
        %cond3A_780 = arith.constant 0 : i32
        %cond3A_781 = arith.cmpi ne, %convert_element_type3A_779, %cond3A_780 : i32
        scf.if %cond3A_781 {
          %add3A_782 = arith.constant 3 : i32
          %add3A_783 = arith.addi %add3A_427, %add3A_782 : i32
          %mul3A_784 = arith.constant 16 : i32
          %mul3A_785 = arith.muli %add3A_783, %mul3A_784 : i32
          %add3A_786 = arith.addi %mul3A_2, %mul3A_785 : i32
          %dma_start3A_787 = arith.constant 0 : i32
          %dma_start3A_788 = tpu.memref_slice %arg2[%add3A_786, %dma_start3A_787] : memref<16384x2048xf32, #tpu.memory_space<hbm>> -> memref<16x2048xf32, #tpu.memory_space<hbm>>
          %dma_start3A_789 = arith.constant 0 : i32
          %dma_start3A_790 = tpu.memref_slice %arg2[%add3A_786, %dma_start3A_789] : memref<16384x2048xf32, #tpu.memory_space<hbm>> -> memref<16x2048xf32, #tpu.memory_space<hbm>>
          tpu.enqueue_dma source(%dma_start3A_790 : memref<16x2048xf32, #tpu.memory_space<hbm>>) target(%arg11 : memref<16x2048xf32, #tpu.memory_space<vmem>>) target_semaphore(%arg14 : memref<!tpu.dma_semaphore, #tpu.memory_space<semaphore_mem>>)
        } else {
        }
      } else {
      }
      %add3A_433 = arith.constant 1 : i32
      %add3A_434 = arith.addi %add3A_425, %add3A_433 : i32
      %lt3A_435 = arith.constant 32 : i32
      %lt3A_436 = arith.cmpi slt, %add3A_434, %lt3A_435 : i32
      %convert_element_type3A_437 = arith.extui %lt3A_436 : i1 to i32
      %cond3A_438 = arith.constant 0 : i32
      %cond3A_439 = arith.cmpi ne, %convert_element_type3A_437, %cond3A_438 : i32
      scf.if %cond3A_439 {
        %get3A_447 = arith.index_cast %add3A_434 : i32 to index
        %get3A_448 = arith.constant 0 : index
        %get3A_449 = tpu.vector_load %arg8[%get3A_447, %get3A_448] {strides = array<i32>} : memref<32x16xi32, #tpu.memory_space<vmem>>, vector<16xi32>,
        %gather3A = tpu.vector_load_idx %arg9[%get3A_449] : memref<16xi32, #tpu.memory_space<vmem>>[vector<16xi32>], vector<16xi32>,
        %broadcast_in_dim3A_450 = arith.constant 0 : i32
        %broadcast_in_dim3A_451 = vector.broadcast %broadcast_in_dim3A_450 : i32 to vector<16xi32>
        %broadcast_in_dim3A_452 = arith.constant 0 : i32
        %broadcast_in_dim3A_453 = vector.broadcast %broadcast_in_dim3A_452 : i32 to vector<16xi32>
        %eq3A_454 = arith.constant 0 : i32
        %eq3A_455 = vector.broadcast %eq3A_454 : i32 to vector<16xi32>
        %eq3A_456 = arith.cmpi eq, %get3A_449, %eq3A_455 : vector<16xi32>
        %convert_element_type3A_457 = arith.extui %eq3A_456 : vector<16xi1> to vector<16xi32>
        %broadcast_in_dim3A_458 = arith.constant true
        %broadcast_in_dim3A_459 = vector.broadcast %broadcast_in_dim3A_458 : i1 to vector<16xi1>
        %masked_cumsum3A_460 = tpu.scan <sum>, %convert_element_type3A_457 masked %broadcast_in_dim3A_459 : vector<16xi32>, vector<16xi1> -> vector<16xi32>
        %sub3A_461 = arith.constant 1 : i32
        %sub3A_462 = vector.broadcast %sub3A_461 : i32 to vector<16xi32>
        %sub3A_463 = arith.subi %masked_cumsum3A_460, %sub3A_462 : vector<16xi32>
        %select_n3A_464 = arith.select %eq3A_456, %sub3A_463, %broadcast_in_dim3A_451 : vector<16xi1>, vector<16xi32>
        %eq3A_465 = arith.constant 0 : i32
        %eq3A_466 = vector.broadcast %eq3A_465 : i32 to vector<16xi32>
        %eq3A_467 = arith.cmpi eq, %iota3A, %eq3A_466 : vector<16xi32>
        %all_reduce_population_count3A = tpu.all_reduce %eq3A_456 {dim = 0 : i64, kind = #tpu.reduction_kind<sum>} : vector<16xi1> -> vector<16xi32>
        %jit3A_468 = arith.constant 0 : i32
        %broadcast_in_dim3A_469 = vector.broadcast %jit3A_468 : i32 to vector<16xi32>
        %select_n3A_470 = arith.select %eq3A_467, %all_reduce_population_count3A, %broadcast_in_dim3A_469 : vector<16xi1>, vector<16xi32>
        %add3A_471 = arith.addi %broadcast_in_dim3A_453, %select_n3A_470 : vector<16xi32>
        %eq3A_472 = arith.constant 1 : i32
        %eq3A_473 = vector.broadcast %eq3A_472 : i32 to vector<16xi32>
        %eq3A_474 = arith.cmpi eq, %get3A_449, %eq3A_473 : vector<16xi32>
        %convert_element_type3A_475 = arith.extui %eq3A_474 : vector<16xi1> to vector<16xi32>
        %broadcast_in_dim3A_476 = arith.constant true
        %broadcast_in_dim3A_477 = vector.broadcast %broadcast_in_dim3A_476 : i1 to vector<16xi1>
        %masked_cumsum3A_478 = tpu.scan <sum>, %convert_element_type3A_475 masked %broadcast_in_dim3A_477 : vector<16xi32>, vector<16xi1> -> vector<16xi32>
        %sub3A_479 = arith.constant 1 : i32
        %sub3A_480 = vector.broadcast %sub3A_479 : i32 to vector<16xi32>
        %sub3A_481 = arith.subi %masked_cumsum3A_478, %sub3A_480 : vector<16xi32>
        %select_n3A_482 = arith.select %eq3A_474, %sub3A_481, %select_n3A_464 : vector<16xi1>, vector<16xi32>
        %eq3A_483 = arith.constant 1 : i32
        %eq3A_484 = vector.broadcast %eq3A_483 : i32 to vector<16xi32>
        %eq3A_485 = arith.cmpi eq, %iota3A, %eq3A_484 : vector<16xi32>
        %all_reduce_population_count3A_486 = tpu.all_reduce %eq3A_474 {dim = 0 : i64, kind = #tpu.reduction_kind<sum>} : vector<16xi1> -> vector<16xi32>
        %jit3A_487 = arith.constant 0 : i32
        %broadcast_in_dim3A_488 = vector.broadcast %jit3A_487 : i32 to vector<16xi32>
        %select_n3A_489 = arith.select %eq3A_485, %all_reduce_population_count3A_486, %broadcast_in_dim3A_488 : vector<16xi1>, vector<16xi32>
        %add3A_490 = arith.addi %add3A_471, %select_n3A_489 : vector<16xi32>
        %eq3A_491 = arith.constant 2 : i32
        %eq3A_492 = vector.broadcast %eq3A_491 : i32 to vector<16xi32>
        %eq3A_493 = arith.cmpi eq, %get3A_449, %eq3A_492 : vector<16xi32>
        %convert_element_type3A_494 = arith.extui %eq3A_493 : vector<16xi1> to vector<16xi32>
        %broadcast_in_dim3A_495 = arith.constant true
        %broadcast_in_dim3A_496 = vector.broadcast %broadcast_in_dim3A_495 : i1 to vector<16xi1>
        %masked_cumsum3A_497 = tpu.scan <sum>, %convert_element_type3A_494 masked %broadcast_in_dim3A_496 : vector<16xi32>, vector<16xi1> -> vector<16xi32>
        %sub3A_498 = arith.constant 1 : i32
        %sub3A_499 = vector.broadcast %sub3A_498 : i32 to vector<16xi32>
        %sub3A_500 = arith.subi %masked_cumsum3A_497, %sub3A_499 : vector<16xi32>
        %select_n3A_501 = arith.select %eq3A_493, %sub3A_500, %select_n3A_482 : vector<16xi1>, vector<16xi32>
        %eq3A_502 = arith.constant 2 : i32
        %eq3A_503 = vector.broadcast %eq3A_502 : i32 to vector<16xi32>
        %eq3A_504 = arith.cmpi eq, %iota3A, %eq3A_503 : vector<16xi32>
        %all_reduce_population_count3A_505 = tpu.all_reduce %eq3A_493 {dim = 0 : i64, kind = #tpu.reduction_kind<sum>} : vector<16xi1> -> vector<16xi32>
        %jit3A_506 = arith.constant 0 : i32
        %broadcast_in_dim3A_507 = vector.broadcast %jit3A_506 : i32 to vector<16xi32>
        %select_n3A_508 = arith.select %eq3A_504, %all_reduce_population_count3A_505, %broadcast_in_dim3A_507 : vector<16xi1>, vector<16xi32>
        %add3A_509 = arith.addi %add3A_490, %select_n3A_508 : vector<16xi32>
        %eq3A_510 = arith.constant 3 : i32
        %eq3A_511 = vector.broadcast %eq3A_510 : i32 to vector<16xi32>
        %eq3A_512 = arith.cmpi eq, %get3A_449, %eq3A_511 : vector<16xi32>
        %convert_element_type3A_513 = arith.extui %eq3A_512 : vector<16xi1> to vector<16xi32>
        %broadcast_in_dim3A_514 = arith.constant true
        %broadcast_in_dim3A_515 = vector.broadcast %broadcast_in_dim3A_514 : i1 to vector<16xi1>
        %masked_cumsum3A_516 = tpu.scan <sum>, %convert_element_type3A_513 masked %broadcast_in_dim3A_515 : vector<16xi32>, vector<16xi1> -> vector<16xi32>
        %sub3A_517 = arith.constant 1 : i32
        %sub3A_518 = vector.broadcast %sub3A_517 : i32 to vector<16xi32>
        %sub3A_519 = arith.subi %masked_cumsum3A_516, %sub3A_518 : vector<16xi32>
        %select_n3A_520 = arith.select %eq3A_512, %sub3A_519, %select_n3A_501 : vector<16xi1>, vector<16xi32>
        %eq3A_521 = arith.constant 3 : i32
        %eq3A_522 = vector.broadcast %eq3A_521 : i32 to vector<16xi32>
        %eq3A_523 = arith.cmpi eq, %iota3A, %eq3A_522 : vector<16xi32>
        %all_reduce_population_count3A_524 = tpu.all_reduce %eq3A_512 {dim = 0 : i64, kind = #tpu.reduction_kind<sum>} : vector<16xi1> -> vector<16xi32>
        %jit3A_525 = arith.constant 0 : i32
        %broadcast_in_dim3A_526 = vector.broadcast %jit3A_525 : i32 to vector<16xi32>
        %select_n3A_527 = arith.select %eq3A_523, %all_reduce_population_count3A_524, %broadcast_in_dim3A_526 : vector<16xi1>, vector<16xi32>
        %add3A_528 = arith.addi %add3A_509, %select_n3A_527 : vector<16xi32>
        %eq3A_529 = arith.constant 4 : i32
        %eq3A_530 = vector.broadcast %eq3A_529 : i32 to vector<16xi32>
        %eq3A_531 = arith.cmpi eq, %get3A_449, %eq3A_530 : vector<16xi32>
        %convert_element_type3A_532 = arith.extui %eq3A_531 : vector<16xi1> to vector<16xi32>
        %broadcast_in_dim3A_533 = arith.constant true
        %broadcast_in_dim3A_534 = vector.broadcast %broadcast_in_dim3A_533 : i1 to vector<16xi1>
        %masked_cumsum3A_535 = tpu.scan <sum>, %convert_element_type3A_532 masked %broadcast_in_dim3A_534 : vector<16xi32>, vector<16xi1> -> vector<16xi32>
        %sub3A_536 = arith.constant 1 : i32
        %sub3A_537 = vector.broadcast %sub3A_536 : i32 to vector<16xi32>
        %sub3A_538 = arith.subi %masked_cumsum3A_535, %sub3A_537 : vector<16xi32>
        %select_n3A_539 = arith.select %eq3A_531, %sub3A_538, %select_n3A_520 : vector<16xi1>, vector<16xi32>
        %eq3A_540 = arith.constant 4 : i32
        %eq3A_541 = vector.broadcast %eq3A_540 : i32 to vector<16xi32>
        %eq3A_542 = arith.cmpi eq, %iota3A, %eq3A_541 : vector<16xi32>
        %all_reduce_population_count3A_543 = tpu.all_reduce %eq3A_531 {dim = 0 : i64, kind = #tpu.reduction_kind<sum>} : vector<16xi1> -> vector<16xi32>
        %jit3A_544 = arith.constant 0 : i32
        %broadcast_in_dim3A_545 = vector.broadcast %jit3A_544 : i32 to vector<16xi32>
        %select_n3A_546 = arith.select %eq3A_542, %all_reduce_population_count3A_543, %broadcast_in_dim3A_545 : vector<16xi1>, vector<16xi32>
        %add3A_547 = arith.addi %add3A_528, %select_n3A_546 : vector<16xi32>
        %eq3A_548 = arith.constant 5 : i32
        %eq3A_549 = vector.broadcast %eq3A_548 : i32 to vector<16xi32>
        %eq3A_550 = arith.cmpi eq, %get3A_449, %eq3A_549 : vector<16xi32>
        %convert_element_type3A_551 = arith.extui %eq3A_550 : vector<16xi1> to vector<16xi32>
        %broadcast_in_dim3A_552 = arith.constant true
        %broadcast_in_dim3A_553 = vector.broadcast %broadcast_in_dim3A_552 : i1 to vector<16xi1>
        %masked_cumsum3A_554 = tpu.scan <sum>, %convert_element_type3A_551 masked %broadcast_in_dim3A_553 : vector<16xi32>, vector<16xi1> -> vector<16xi32>
        %sub3A_555 = arith.constant 1 : i32
        %sub3A_556 = vector.broadcast %sub3A_555 : i32 to vector<16xi32>
        %sub3A_557 = arith.subi %masked_cumsum3A_554, %sub3A_556 : vector<16xi32>
        %select_n3A_558 = arith.select %eq3A_550, %sub3A_557, %select_n3A_539 : vector<16xi1>, vector<16xi32>
        %eq3A_559 = arith.constant 5 : i32
        %eq3A_560 = vector.broadcast %eq3A_559 : i32 to vector<16xi32>
        %eq3A_561 = arith.cmpi eq, %iota3A, %eq3A_560 : vector<16xi32>
        %all_reduce_population_count3A_562 = tpu.all_reduce %eq3A_550 {dim = 0 : i64, kind = #tpu.reduction_kind<sum>} : vector<16xi1> -> vector<16xi32>
        %jit3A_563 = arith.constant 0 : i32
        %broadcast_in_dim3A_564 = vector.broadcast %jit3A_563 : i32 to vector<16xi32>
        %select_n3A_565 = arith.select %eq3A_561, %all_reduce_population_count3A_562, %broadcast_in_dim3A_564 : vector<16xi1>, vector<16xi32>
        %add3A_566 = arith.addi %add3A_547, %select_n3A_565 : vector<16xi32>
        %eq3A_567 = arith.constant 6 : i32
        %eq3A_568 = vector.broadcast %eq3A_567 : i32 to vector<16xi32>
        %eq3A_569 = arith.cmpi eq, %get3A_449, %eq3A_568 : vector<16xi32>
        %convert_element_type3A_570 = arith.extui %eq3A_569 : vector<16xi1> to vector<16xi32>
        %broadcast_in_dim3A_571 = arith.constant true
        %broadcast_in_dim3A_572 = vector.broadcast %broadcast_in_dim3A_571 : i1 to vector<16xi1>
        %masked_cumsum3A_573 = tpu.scan <sum>, %convert_element_type3A_570 masked %broadcast_in_dim3A_572 : vector<16xi32>, vector<16xi1> -> vector<16xi32>
        %sub3A_574 = arith.constant 1 : i32
        %sub3A_575 = vector.broadcast %sub3A_574 : i32 to vector<16xi32>
        %sub3A_576 = arith.subi %masked_cumsum3A_573, %sub3A_575 : vector<16xi32>
        %select_n3A_577 = arith.select %eq3A_569, %sub3A_576, %select_n3A_558 : vector<16xi1>, vector<16xi32>
        %eq3A_578 = arith.constant 6 : i32
        %eq3A_579 = vector.broadcast %eq3A_578 : i32 to vector<16xi32>
        %eq3A_580 = arith.cmpi eq, %iota3A, %eq3A_579 : vector<16xi32>
        %all_reduce_population_count3A_581 = tpu.all_reduce %eq3A_569 {dim = 0 : i64, kind = #tpu.reduction_kind<sum>} : vector<16xi1> -> vector<16xi32>
        %jit3A_582 = arith.constant 0 : i32
        %broadcast_in_dim3A_583 = vector.broadcast %jit3A_582 : i32 to vector<16xi32>
        %select_n3A_584 = arith.select %eq3A_580, %all_reduce_population_count3A_581, %broadcast_in_dim3A_583 : vector<16xi1>, vector<16xi32>
        %add3A_585 = arith.addi %add3A_566, %select_n3A_584 : vector<16xi32>
        %eq3A_586 = arith.constant 7 : i32
        %eq3A_587 = vector.broadcast %eq3A_586 : i32 to vector<16xi32>
        %eq3A_588 = arith.cmpi eq, %get3A_449, %eq3A_587 : vector<16xi32>
        %convert_element_type3A_589 = arith.extui %eq3A_588 : vector<16xi1> to vector<16xi32>
        %broadcast_in_dim3A_590 = arith.constant true
        %broadcast_in_dim3A_591 = vector.broadcast %broadcast_in_dim3A_590 : i1 to vector<16xi1>
        %masked_cumsum3A_592 = tpu.scan <sum>, %convert_element_type3A_589 masked %broadcast_in_dim3A_591 : vector<16xi32>, vector<16xi1> -> vector<16xi32>
        %sub3A_593 = arith.constant 1 : i32
        %sub3A_594 = vector.broadcast %sub3A_593 : i32 to vector<16xi32>
        %sub3A_595 = arith.subi %masked_cumsum3A_592, %sub3A_594 : vector<16xi32>
        %select_n3A_596 = arith.select %eq3A_588, %sub3A_595, %select_n3A_577 : vector<16xi1>, vector<16xi32>
        %eq3A_597 = arith.constant 7 : i32
        %eq3A_598 = vector.broadcast %eq3A_597 : i32 to vector<16xi32>
        %eq3A_599 = arith.cmpi eq, %iota3A, %eq3A_598 : vector<16xi32>
        %all_reduce_population_count3A_600 = tpu.all_reduce %eq3A_588 {dim = 0 : i64, kind = #tpu.reduction_kind<sum>} : vector<16xi1> -> vector<16xi32>
        %jit3A_601 = arith.constant 0 : i32
        %broadcast_in_dim3A_602 = vector.broadcast %jit3A_601 : i32 to vector<16xi32>
        %select_n3A_603 = arith.select %eq3A_599, %all_reduce_population_count3A_600, %broadcast_in_dim3A_602 : vector<16xi1>, vector<16xi32>
        %add3A_604 = arith.addi %add3A_585, %select_n3A_603 : vector<16xi32>
        %eq3A_605 = arith.constant 8 : i32
        %eq3A_606 = vector.broadcast %eq3A_605 : i32 to vector<16xi32>
        %eq3A_607 = arith.cmpi eq, %get3A_449, %eq3A_606 : vector<16xi32>
        %convert_element_type3A_608 = arith.extui %eq3A_607 : vector<16xi1> to vector<16xi32>
        %broadcast_in_dim3A_609 = arith.constant true
        %broadcast_in_dim3A_610 = vector.broadcast %broadcast_in_dim3A_609 : i1 to vector<16xi1>
        %masked_cumsum3A_611 = tpu.scan <sum>, %convert_element_type3A_608 masked %broadcast_in_dim3A_610 : vector<16xi32>, vector<16xi1> -> vector<16xi32>
        %sub3A_612 = arith.constant 1 : i32
        %sub3A_613 = vector.broadcast %sub3A_612 : i32 to vector<16xi32>
        %sub3A_614 = arith.subi %masked_cumsum3A_611, %sub3A_613 : vector<16xi32>
        %select_n3A_615 = arith.select %eq3A_607, %sub3A_614, %select_n3A_596 : vector<16xi1>, vector<16xi32>
        %eq3A_616 = arith.constant 8 : i32
        %eq3A_617 = vector.broadcast %eq3A_616 : i32 to vector<16xi32>
        %eq3A_618 = arith.cmpi eq, %iota3A, %eq3A_617 : vector<16xi32>
        %all_reduce_population_count3A_619 = tpu.all_reduce %eq3A_607 {dim = 0 : i64, kind = #tpu.reduction_kind<sum>} : vector<16xi1> -> vector<16xi32>
        %jit3A_620 = arith.constant 0 : i32
        %broadcast_in_dim3A_621 = vector.broadcast %jit3A_620 : i32 to vector<16xi32>
        %select_n3A_622 = arith.select %eq3A_618, %all_reduce_population_count3A_619, %broadcast_in_dim3A_621 : vector<16xi1>, vector<16xi32>
        %add3A_623 = arith.addi %add3A_604, %select_n3A_622 : vector<16xi32>
        %eq3A_624 = arith.constant 9 : i32
        %eq3A_625 = vector.broadcast %eq3A_624 : i32 to vector<16xi32>
        %eq3A_626 = arith.cmpi eq, %get3A_449, %eq3A_625 : vector<16xi32>
        %convert_element_type3A_627 = arith.extui %eq3A_626 : vector<16xi1> to vector<16xi32>
        %broadcast_in_dim3A_628 = arith.constant true
        %broadcast_in_dim3A_629 = vector.broadcast %broadcast_in_dim3A_628 : i1 to vector<16xi1>
        %masked_cumsum3A_630 = tpu.scan <sum>, %convert_element_type3A_627 masked %broadcast_in_dim3A_629 : vector<16xi32>, vector<16xi1> -> vector<16xi32>
        %sub3A_631 = arith.constant 1 : i32
        %sub3A_632 = vector.broadcast %sub3A_631 : i32 to vector<16xi32>
        %sub3A_633 = arith.subi %masked_cumsum3A_630, %sub3A_632 : vector<16xi32>
        %select_n3A_634 = arith.select %eq3A_626, %sub3A_633, %select_n3A_615 : vector<16xi1>, vector<16xi32>
        %eq3A_635 = arith.constant 9 : i32
        %eq3A_636 = vector.broadcast %eq3A_635 : i32 to vector<16xi32>
        %eq3A_637 = arith.cmpi eq, %iota3A, %eq3A_636 : vector<16xi32>
        %all_reduce_population_count3A_638 = tpu.all_reduce %eq3A_626 {dim = 0 : i64, kind = #tpu.reduction_kind<sum>} : vector<16xi1> -> vector<16xi32>
        %jit3A_639 = arith.constant 0 : i32
        %broadcast_in_dim3A_640 = vector.broadcast %jit3A_639 : i32 to vector<16xi32>
        %select_n3A_641 = arith.select %eq3A_637, %all_reduce_population_count3A_638, %broadcast_in_dim3A_640 : vector<16xi1>, vector<16xi32>
        %add3A_642 = arith.addi %add3A_623, %select_n3A_641 : vector<16xi32>
        %eq3A_643 = arith.constant 10 : i32
        %eq3A_644 = vector.broadcast %eq3A_643 : i32 to vector<16xi32>
        %eq3A_645 = arith.cmpi eq, %get3A_449, %eq3A_644 : vector<16xi32>
        %convert_element_type3A_646 = arith.extui %eq3A_645 : vector<16xi1> to vector<16xi32>
        %broadcast_in_dim3A_647 = arith.constant true
        %broadcast_in_dim3A_648 = vector.broadcast %broadcast_in_dim3A_647 : i1 to vector<16xi1>
        %masked_cumsum3A_649 = tpu.scan <sum>, %convert_element_type3A_646 masked %broadcast_in_dim3A_648 : vector<16xi32>, vector<16xi1> -> vector<16xi32>
        %sub3A_650 = arith.constant 1 : i32
        %sub3A_651 = vector.broadcast %sub3A_650 : i32 to vector<16xi32>
        %sub3A_652 = arith.subi %masked_cumsum3A_649, %sub3A_651 : vector<16xi32>
        %select_n3A_653 = arith.select %eq3A_645, %sub3A_652, %select_n3A_634 : vector<16xi1>, vector<16xi32>
        %eq3A_654 = arith.constant 10 : i32
        %eq3A_655 = vector.broadcast %eq3A_654 : i32 to vector<16xi32>
        %eq3A_656 = arith.cmpi eq, %iota3A, %eq3A_655 : vector<16xi32>
        %all_reduce_population_count3A_657 = tpu.all_reduce %eq3A_645 {dim = 0 : i64, kind = #tpu.reduction_kind<sum>} : vector<16xi1> -> vector<16xi32>
        %jit3A_658 = arith.constant 0 : i32
        %broadcast_in_dim3A_659 = vector.broadcast %jit3A_658 : i32 to vector<16xi32>
        %select_n3A_660 = arith.select %eq3A_656, %all_reduce_population_count3A_657, %broadcast_in_dim3A_659 : vector<16xi1>, vector<16xi32>
        %add3A_661 = arith.addi %add3A_642, %select_n3A_660 : vector<16xi32>
        %eq3A_662 = arith.constant 11 : i32
        %eq3A_663 = vector.broadcast %eq3A_662 : i32 to vector<16xi32>
        %eq3A_664 = arith.cmpi eq, %get3A_449, %eq3A_663 : vector<16xi32>
        %convert_element_type3A_665 = arith.extui %eq3A_664 : vector<16xi1> to vector<16xi32>
        %broadcast_in_dim3A_666 = arith.constant true
        %broadcast_in_dim3A_667 = vector.broadcast %broadcast_in_dim3A_666 : i1 to vector<16xi1>
        %masked_cumsum3A_668 = tpu.scan <sum>, %convert_element_type3A_665 masked %broadcast_in_dim3A_667 : vector<16xi32>, vector<16xi1> -> vector<16xi32>
        %sub3A_669 = arith.constant 1 : i32
        %sub3A_670 = vector.broadcast %sub3A_669 : i32 to vector<16xi32>
        %sub3A_671 = arith.subi %masked_cumsum3A_668, %sub3A_670 : vector<16xi32>
        %select_n3A_672 = arith.select %eq3A_664, %sub3A_671, %select_n3A_653 : vector<16xi1>, vector<16xi32>
        %eq3A_673 = arith.constant 11 : i32
        %eq3A_674 = vector.broadcast %eq3A_673 : i32 to vector<16xi32>
        %eq3A_675 = arith.cmpi eq, %iota3A, %eq3A_674 : vector<16xi32>
        %all_reduce_population_count3A_676 = tpu.all_reduce %eq3A_664 {dim = 0 : i64, kind = #tpu.reduction_kind<sum>} : vector<16xi1> -> vector<16xi32>
        %jit3A_677 = arith.constant 0 : i32
        %broadcast_in_dim3A_678 = vector.broadcast %jit3A_677 : i32 to vector<16xi32>
        %select_n3A_679 = arith.select %eq3A_675, %all_reduce_population_count3A_676, %broadcast_in_dim3A_678 : vector<16xi1>, vector<16xi32>
        %add3A_680 = arith.addi %add3A_661, %select_n3A_679 : vector<16xi32>
        %eq3A_681 = arith.constant 12 : i32
        %eq3A_682 = vector.broadcast %eq3A_681 : i32 to vector<16xi32>
        %eq3A_683 = arith.cmpi eq, %get3A_449, %eq3A_682 : vector<16xi32>
        %convert_element_type3A_684 = arith.extui %eq3A_683 : vector<16xi1> to vector<16xi32>
        %broadcast_in_dim3A_685 = arith.constant true
        %broadcast_in_dim3A_686 = vector.broadcast %broadcast_in_dim3A_685 : i1 to vector<16xi1>
        %masked_cumsum3A_687 = tpu.scan <sum>, %convert_element_type3A_684 masked %broadcast_in_dim3A_686 : vector<16xi32>, vector<16xi1> -> vector<16xi32>
        %sub3A_688 = arith.constant 1 : i32
        %sub3A_689 = vector.broadcast %sub3A_688 : i32 to vector<16xi32>
        %sub3A_690 = arith.subi %masked_cumsum3A_687, %sub3A_689 : vector<16xi32>
        %select_n3A_691 = arith.select %eq3A_683, %sub3A_690, %select_n3A_672 : vector<16xi1>, vector<16xi32>
        %eq3A_692 = arith.constant 12 : i32
        %eq3A_693 = vector.broadcast %eq3A_692 : i32 to vector<16xi32>
        %eq3A_694 = arith.cmpi eq, %iota3A, %eq3A_693 : vector<16xi32>
        %all_reduce_population_count3A_695 = tpu.all_reduce %eq3A_683 {dim = 0 : i64, kind = #tpu.reduction_kind<sum>} : vector<16xi1> -> vector<16xi32>
        %jit3A_696 = arith.constant 0 : i32
        %broadcast_in_dim3A_697 = vector.broadcast %jit3A_696 : i32 to vector<16xi32>
        %select_n3A_698 = arith.select %eq3A_694, %all_reduce_population_count3A_695, %broadcast_in_dim3A_697 : vector<16xi1>, vector<16xi32>
        %add3A_699 = arith.addi %add3A_680, %select_n3A_698 : vector<16xi32>
        %eq3A_700 = arith.constant 13 : i32
        %eq3A_701 = vector.broadcast %eq3A_700 : i32 to vector<16xi32>
        %eq3A_702 = arith.cmpi eq, %get3A_449, %eq3A_701 : vector<16xi32>
        %convert_element_type3A_703 = arith.extui %eq3A_702 : vector<16xi1> to vector<16xi32>
        %broadcast_in_dim3A_704 = arith.constant true
        %broadcast_in_dim3A_705 = vector.broadcast %broadcast_in_dim3A_704 : i1 to vector<16xi1>
        %masked_cumsum3A_706 = tpu.scan <sum>, %convert_element_type3A_703 masked %broadcast_in_dim3A_705 : vector<16xi32>, vector<16xi1> -> vector<16xi32>
        %sub3A_707 = arith.constant 1 : i32
        %sub3A_708 = vector.broadcast %sub3A_707 : i32 to vector<16xi32>
        %sub3A_709 = arith.subi %masked_cumsum3A_706, %sub3A_708 : vector<16xi32>
        %select_n3A_710 = arith.select %eq3A_702, %sub3A_709, %select_n3A_691 : vector<16xi1>, vector<16xi32>
        %eq3A_711 = arith.constant 13 : i32
        %eq3A_712 = vector.broadcast %eq3A_711 : i32 to vector<16xi32>
        %eq3A_713 = arith.cmpi eq, %iota3A, %eq3A_712 : vector<16xi32>
        %all_reduce_population_count3A_714 = tpu.all_reduce %eq3A_702 {dim = 0 : i64, kind = #tpu.reduction_kind<sum>} : vector<16xi1> -> vector<16xi32>
        %jit3A_715 = arith.constant 0 : i32
        %broadcast_in_dim3A_716 = vector.broadcast %jit3A_715 : i32 to vector<16xi32>
        %select_n3A_717 = arith.select %eq3A_713, %all_reduce_population_count3A_714, %broadcast_in_dim3A_716 : vector<16xi1>, vector<16xi32>
        %add3A_718 = arith.addi %add3A_699, %select_n3A_717 : vector<16xi32>
        %eq3A_719 = arith.constant 14 : i32
        %eq3A_720 = vector.broadcast %eq3A_719 : i32 to vector<16xi32>
        %eq3A_721 = arith.cmpi eq, %get3A_449, %eq3A_720 : vector<16xi32>
        %convert_element_type3A_722 = arith.extui %eq3A_721 : vector<16xi1> to vector<16xi32>
        %broadcast_in_dim3A_723 = arith.constant true
        %broadcast_in_dim3A_724 = vector.broadcast %broadcast_in_dim3A_723 : i1 to vector<16xi1>
        %masked_cumsum3A_725 = tpu.scan <sum>, %convert_element_type3A_722 masked %broadcast_in_dim3A_724 : vector<16xi32>, vector<16xi1> -> vector<16xi32>
        %sub3A_726 = arith.constant 1 : i32
        %sub3A_727 = vector.broadcast %sub3A_726 : i32 to vector<16xi32>
        %sub3A_728 = arith.subi %masked_cumsum3A_725, %sub3A_727 : vector<16xi32>
        %select_n3A_729 = arith.select %eq3A_721, %sub3A_728, %select_n3A_710 : vector<16xi1>, vector<16xi32>
        %eq3A_730 = arith.constant 14 : i32
        %eq3A_731 = vector.broadcast %eq3A_730 : i32 to vector<16xi32>
        %eq3A_732 = arith.cmpi eq, %iota3A, %eq3A_731 : vector<16xi32>
        %all_reduce_population_count3A_733 = tpu.all_reduce %eq3A_721 {dim = 0 : i64, kind = #tpu.reduction_kind<sum>} : vector<16xi1> -> vector<16xi32>
        %jit3A_734 = arith.constant 0 : i32
        %broadcast_in_dim3A_735 = vector.broadcast %jit3A_734 : i32 to vector<16xi32>
        %select_n3A_736 = arith.select %eq3A_732, %all_reduce_population_count3A_733, %broadcast_in_dim3A_735 : vector<16xi1>, vector<16xi32>
        %add3A_737 = arith.addi %add3A_718, %select_n3A_736 : vector<16xi32>
        %eq3A_738 = arith.constant 15 : i32
        %eq3A_739 = vector.broadcast %eq3A_738 : i32 to vector<16xi32>
        %eq3A_740 = arith.cmpi eq, %get3A_449, %eq3A_739 : vector<16xi32>
        %convert_element_type3A_741 = arith.extui %eq3A_740 : vector<16xi1> to vector<16xi32>
        %broadcast_in_dim3A_742 = arith.constant true
        %broadcast_in_dim3A_743 = vector.broadcast %broadcast_in_dim3A_742 : i1 to vector<16xi1>
        %masked_cumsum3A_744 = tpu.scan <sum>, %convert_element_type3A_741 masked %broadcast_in_dim3A_743 : vector<16xi32>, vector<16xi1> -> vector<16xi32>
        %sub3A_745 = arith.constant 1 : i32
        %sub3A_746 = vector.broadcast %sub3A_745 : i32 to vector<16xi32>
        %sub3A_747 = arith.subi %masked_cumsum3A_744, %sub3A_746 : vector<16xi32>
        %select_n3A_748 = arith.select %eq3A_740, %sub3A_747, %select_n3A_729 : vector<16xi1>, vector<16xi32>
        %eq3A_749 = arith.constant 15 : i32
        %eq3A_750 = vector.broadcast %eq3A_749 : i32 to vector<16xi32>
        %eq3A_751 = arith.cmpi eq, %iota3A, %eq3A_750 : vector<16xi32>
        %all_reduce_population_count3A_752 = tpu.all_reduce %eq3A_740 {dim = 0 : i64, kind = #tpu.reduction_kind<sum>} : vector<16xi1> -> vector<16xi32>
        %jit3A_753 = arith.constant 0 : i32
        %broadcast_in_dim3A_754 = vector.broadcast %jit3A_753 : i32 to vector<16xi32>
        %select_n3A_755 = arith.select %eq3A_751, %all_reduce_population_count3A_752, %broadcast_in_dim3A_754 : vector<16xi1>, vector<16xi32>
        %add3A_756 = arith.addi %add3A_737, %select_n3A_755 : vector<16xi32>
        %add3A_757 = arith.addi %gather3A, %select_n3A_748 : vector<16xi32>
        %get3A_758 = arith.constant 0 : index
        %get3A_759 = tpu.vector_load %arg9[%get3A_758] {strides = array<i32>} : memref<16xi32, #tpu.memory_space<vmem>>, vector<16xi32>,
        %add3A_760 = arith.addi %get3A_759, %add3A_756 : vector<16xi32>
        %swap3A_761 = arith.constant 0 : index
        %swap3A_762 = tpu.vector_load %arg9[%swap3A_761] {strides = array<i32>} : memref<16xi32, #tpu.memory_space<vmem>>, vector<16xi32>,
        tpu.vector_store %arg9[%swap3A_761], %add3A_760 {strides = array<i32>} : memref<16xi32, #tpu.memory_space<vmem>>, vector<16xi32>,
        %mul3A_763 = arith.constant 16 : i32
        %mul3A_764 = arith.muli %add3A_434, %mul3A_763 : i32
        %add3A_765 = arith.addi %mul3A_2, %mul3A_764 : i32
        %dma_wait3A = arith.constant 0 : i32
        %dma_wait3A_766 = tpu.memref_slice %arg2[%add3A_765, %dma_wait3A] : memref<16384x2048xf32, #tpu.memory_space<hbm>> -> memref<16x2048xf32, #tpu.memory_space<hbm>>
        %dma_wait3A_767 = arith.constant 0 : i32
        %dma_wait3A_768 = tpu.memref_slice %arg2[%add3A_765, %dma_wait3A_767] : memref<16384x2048xf32, #tpu.memory_space<hbm>> -> memref<16x2048xf32, #tpu.memory_space<hbm>>
        tpu.wait_dma2 semaphore(%arg15 : memref<!tpu.dma_semaphore, #tpu.memory_space<semaphore_mem>>) src(%dma_wait3A_768 : memref<16x2048xf32, #tpu.memory_space<hbm>>) dst(%arg12 : memref<16x2048xf32, #tpu.memory_space<vmem>>)
        %dma_start3A_769 = arith.constant 0 : i32
        %dma_start3A_770 = arith.constant 0 : i32
        %dma_start3A_771 = tpu.memref_slice %arg5[%dma_start3A_769, %dma_start3A_770] : memref<16384x2048xf32, #tpu.memory_space<hbm>> -> memref<16384x2048xf32, #tpu.memory_space<hbm>>
        tpu.enqueue_indirect_dma source(%arg12 : memref<16x2048xf32, #tpu.memory_space<vmem>>) target(%dma_start3A_771 : memref<16384x2048xf32, #tpu.memory_space<hbm>>) offsets(%add3A_757 : vector<16xi32>) semaphore(%arg18 : memref<!tpu.dma_semaphore, #tpu.memory_space<semaphore_mem>>)
        %dma_wait3A_772 = arith.constant 0 : i32
        %dma_wait3A_773 = arith.constant 0 : i32
        %dma_wait3A_774 = tpu.memref_slice %arg5[%dma_wait3A_772, %dma_wait3A_773] : memref<16384x2048xf32, #tpu.memory_space<hbm>> -> memref<16384x2048xf32, #tpu.memory_space<hbm>>
        tpu.wait_indirect_dma semaphore(%arg18 : memref<!tpu.dma_semaphore, #tpu.memory_space<semaphore_mem>>) src(%arg12 : memref<16x2048xf32, #tpu.memory_space<vmem>>) dst(%dma_wait3A_774 : memref<16384x2048xf32, #tpu.memory_space<hbm>>)
        %add3A_775 = arith.constant 3 : i32
        %add3A_776 = arith.addi %add3A_434, %add3A_775 : i32
        %lt3A_777 = arith.constant 32 : i32
        %lt3A_778 = arith.cmpi slt, %add3A_776, %lt3A_777 : i32
        %convert_element_type3A_779 = arith.extui %lt3A_778 : i1 to i32
        %cond3A_780 = arith.constant 0 : i32
        %cond3A_781 = arith.cmpi ne, %convert_element_type3A_779, %cond3A_780 : i32
        scf.if %cond3A_781 {
          %add3A_782 = arith.constant 3 : i32
          %add3A_783 = arith.addi %add3A_434, %add3A_782 : i32
          %mul3A_784 = arith.constant 16 : i32
          %mul3A_785 = arith.muli %add3A_783, %mul3A_784 : i32
          %add3A_786 = arith.addi %mul3A_2, %mul3A_785 : i32
          %dma_start3A_787 = arith.constant 0 : i32
          %dma_start3A_788 = tpu.memref_slice %arg2[%add3A_786, %dma_start3A_787] : memref<16384x2048xf32, #tpu.memory_space<hbm>> -> memref<16x2048xf32, #tpu.memory_space<hbm>>
          %dma_start3A_789 = arith.constant 0 : i32
          %dma_start3A_790 = tpu.memref_slice %arg2[%add3A_786, %dma_start3A_789] : memref<16384x2048xf32, #tpu.memory_space<hbm>> -> memref<16x2048xf32, #tpu.memory_space<hbm>>
          tpu.enqueue_dma source(%dma_start3A_790 : memref<16x2048xf32, #tpu.memory_space<hbm>>) target(%arg12 : memref<16x2048xf32, #tpu.memory_space<vmem>>) target_semaphore(%arg15 : memref<!tpu.dma_semaphore, #tpu.memory_space<semaphore_mem>>)
        } else {
        }
      } else {
      }
      %add3A_440 = arith.constant 2 : i32
      %add3A_441 = arith.addi %add3A_425, %add3A_440 : i32
      %lt3A_442 = arith.constant 32 : i32
      %lt3A_443 = arith.cmpi slt, %add3A_441, %lt3A_442 : i32
      %convert_element_type3A_444 = arith.extui %lt3A_443 : i1 to i32
      %cond3A_445 = arith.constant 0 : i32
      %cond3A_446 = arith.cmpi ne, %convert_element_type3A_444, %cond3A_445 : i32
      scf.if %cond3A_446 {
        %get3A_447 = arith.index_cast %add3A_441 : i32 to index
        %get3A_448 = arith.constant 0 : index
        %get3A_449 = tpu.vector_load %arg8[%get3A_447, %get3A_448] {strides = array<i32>} : memref<32x16xi32, #tpu.memory_space<vmem>>, vector<16xi32>,
        %gather3A = tpu.vector_load_idx %arg9[%get3A_449] : memref<16xi32, #tpu.memory_space<vmem>>[vector<16xi32>], vector<16xi32>,
        %broadcast_in_dim3A_450 = arith.constant 0 : i32
        %broadcast_in_dim3A_451 = vector.broadcast %broadcast_in_dim3A_450 : i32 to vector<16xi32>
        %broadcast_in_dim3A_452 = arith.constant 0 : i32
        %broadcast_in_dim3A_453 = vector.broadcast %broadcast_in_dim3A_452 : i32 to vector<16xi32>
        %eq3A_454 = arith.constant 0 : i32
        %eq3A_455 = vector.broadcast %eq3A_454 : i32 to vector<16xi32>
        %eq3A_456 = arith.cmpi eq, %get3A_449, %eq3A_455 : vector<16xi32>
        %convert_element_type3A_457 = arith.extui %eq3A_456 : vector<16xi1> to vector<16xi32>
        %broadcast_in_dim3A_458 = arith.constant true
        %broadcast_in_dim3A_459 = vector.broadcast %broadcast_in_dim3A_458 : i1 to vector<16xi1>
        %masked_cumsum3A_460 = tpu.scan <sum>, %convert_element_type3A_457 masked %broadcast_in_dim3A_459 : vector<16xi32>, vector<16xi1> -> vector<16xi32>
        %sub3A_461 = arith.constant 1 : i32
        %sub3A_462 = vector.broadcast %sub3A_461 : i32 to vector<16xi32>
        %sub3A_463 = arith.subi %masked_cumsum3A_460, %sub3A_462 : vector<16xi32>
        %select_n3A_464 = arith.select %eq3A_456, %sub3A_463, %broadcast_in_dim3A_451 : vector<16xi1>, vector<16xi32>
        %eq3A_465 = arith.constant 0 : i32
        %eq3A_466 = vector.broadcast %eq3A_465 : i32 to vector<16xi32>
        %eq3A_467 = arith.cmpi eq, %iota3A, %eq3A_466 : vector<16xi32>
        %all_reduce_population_count3A = tpu.all_reduce %eq3A_456 {dim = 0 : i64, kind = #tpu.reduction_kind<sum>} : vector<16xi1> -> vector<16xi32>
        %jit3A_468 = arith.constant 0 : i32
        %broadcast_in_dim3A_469 = vector.broadcast %jit3A_468 : i32 to vector<16xi32>
        %select_n3A_470 = arith.select %eq3A_467, %all_reduce_population_count3A, %broadcast_in_dim3A_469 : vector<16xi1>, vector<16xi32>
        %add3A_471 = arith.addi %broadcast_in_dim3A_453, %select_n3A_470 : vector<16xi32>
        %eq3A_472 = arith.constant 1 : i32
        %eq3A_473 = vector.broadcast %eq3A_472 : i32 to vector<16xi32>
        %eq3A_474 = arith.cmpi eq, %get3A_449, %eq3A_473 : vector<16xi32>
        %convert_element_type3A_475 = arith.extui %eq3A_474 : vector<16xi1> to vector<16xi32>
        %broadcast_in_dim3A_476 = arith.constant true
        %broadcast_in_dim3A_477 = vector.broadcast %broadcast_in_dim3A_476 : i1 to vector<16xi1>
        %masked_cumsum3A_478 = tpu.scan <sum>, %convert_element_type3A_475 masked %broadcast_in_dim3A_477 : vector<16xi32>, vector<16xi1> -> vector<16xi32>
        %sub3A_479 = arith.constant 1 : i32
        %sub3A_480 = vector.broadcast %sub3A_479 : i32 to vector<16xi32>
        %sub3A_481 = arith.subi %masked_cumsum3A_478, %sub3A_480 : vector<16xi32>
        %select_n3A_482 = arith.select %eq3A_474, %sub3A_481, %select_n3A_464 : vector<16xi1>, vector<16xi32>
        %eq3A_483 = arith.constant 1 : i32
        %eq3A_484 = vector.broadcast %eq3A_483 : i32 to vector<16xi32>
        %eq3A_485 = arith.cmpi eq, %iota3A, %eq3A_484 : vector<16xi32>
        %all_reduce_population_count3A_486 = tpu.all_reduce %eq3A_474 {dim = 0 : i64, kind = #tpu.reduction_kind<sum>} : vector<16xi1> -> vector<16xi32>
        %jit3A_487 = arith.constant 0 : i32
        %broadcast_in_dim3A_488 = vector.broadcast %jit3A_487 : i32 to vector<16xi32>
        %select_n3A_489 = arith.select %eq3A_485, %all_reduce_population_count3A_486, %broadcast_in_dim3A_488 : vector<16xi1>, vector<16xi32>
        %add3A_490 = arith.addi %add3A_471, %select_n3A_489 : vector<16xi32>
        %eq3A_491 = arith.constant 2 : i32
        %eq3A_492 = vector.broadcast %eq3A_491 : i32 to vector<16xi32>
        %eq3A_493 = arith.cmpi eq, %get3A_449, %eq3A_492 : vector<16xi32>
        %convert_element_type3A_494 = arith.extui %eq3A_493 : vector<16xi1> to vector<16xi32>
        %broadcast_in_dim3A_495 = arith.constant true
        %broadcast_in_dim3A_496 = vector.broadcast %broadcast_in_dim3A_495 : i1 to vector<16xi1>
        %masked_cumsum3A_497 = tpu.scan <sum>, %convert_element_type3A_494 masked %broadcast_in_dim3A_496 : vector<16xi32>, vector<16xi1> -> vector<16xi32>
        %sub3A_498 = arith.constant 1 : i32
        %sub3A_499 = vector.broadcast %sub3A_498 : i32 to vector<16xi32>
        %sub3A_500 = arith.subi %masked_cumsum3A_497, %sub3A_499 : vector<16xi32>
        %select_n3A_501 = arith.select %eq3A_493, %sub3A_500, %select_n3A_482 : vector<16xi1>, vector<16xi32>
        %eq3A_502 = arith.constant 2 : i32
        %eq3A_503 = vector.broadcast %eq3A_502 : i32 to vector<16xi32>
        %eq3A_504 = arith.cmpi eq, %iota3A, %eq3A_503 : vector<16xi32>
        %all_reduce_population_count3A_505 = tpu.all_reduce %eq3A_493 {dim = 0 : i64, kind = #tpu.reduction_kind<sum>} : vector<16xi1> -> vector<16xi32>
        %jit3A_506 = arith.constant 0 : i32
        %broadcast_in_dim3A_507 = vector.broadcast %jit3A_506 : i32 to vector<16xi32>
        %select_n3A_508 = arith.select %eq3A_504, %all_reduce_population_count3A_505, %broadcast_in_dim3A_507 : vector<16xi1>, vector<16xi32>
        %add3A_509 = arith.addi %add3A_490, %select_n3A_508 : vector<16xi32>
        %eq3A_510 = arith.constant 3 : i32
        %eq3A_511 = vector.broadcast %eq3A_510 : i32 to vector<16xi32>
        %eq3A_512 = arith.cmpi eq, %get3A_449, %eq3A_511 : vector<16xi32>
        %convert_element_type3A_513 = arith.extui %eq3A_512 : vector<16xi1> to vector<16xi32>
        %broadcast_in_dim3A_514 = arith.constant true
        %broadcast_in_dim3A_515 = vector.broadcast %broadcast_in_dim3A_514 : i1 to vector<16xi1>
        %masked_cumsum3A_516 = tpu.scan <sum>, %convert_element_type3A_513 masked %broadcast_in_dim3A_515 : vector<16xi32>, vector<16xi1> -> vector<16xi32>
        %sub3A_517 = arith.constant 1 : i32
        %sub3A_518 = vector.broadcast %sub3A_517 : i32 to vector<16xi32>
        %sub3A_519 = arith.subi %masked_cumsum3A_516, %sub3A_518 : vector<16xi32>
        %select_n3A_520 = arith.select %eq3A_512, %sub3A_519, %select_n3A_501 : vector<16xi1>, vector<16xi32>
        %eq3A_521 = arith.constant 3 : i32
        %eq3A_522 = vector.broadcast %eq3A_521 : i32 to vector<16xi32>
        %eq3A_523 = arith.cmpi eq, %iota3A, %eq3A_522 : vector<16xi32>
        %all_reduce_population_count3A_524 = tpu.all_reduce %eq3A_512 {dim = 0 : i64, kind = #tpu.reduction_kind<sum>} : vector<16xi1> -> vector<16xi32>
        %jit3A_525 = arith.constant 0 : i32
        %broadcast_in_dim3A_526 = vector.broadcast %jit3A_525 : i32 to vector<16xi32>
        %select_n3A_527 = arith.select %eq3A_523, %all_reduce_population_count3A_524, %broadcast_in_dim3A_526 : vector<16xi1>, vector<16xi32>
        %add3A_528 = arith.addi %add3A_509, %select_n3A_527 : vector<16xi32>
        %eq3A_529 = arith.constant 4 : i32
        %eq3A_530 = vector.broadcast %eq3A_529 : i32 to vector<16xi32>
        %eq3A_531 = arith.cmpi eq, %get3A_449, %eq3A_530 : vector<16xi32>
        %convert_element_type3A_532 = arith.extui %eq3A_531 : vector<16xi1> to vector<16xi32>
        %broadcast_in_dim3A_533 = arith.constant true
        %broadcast_in_dim3A_534 = vector.broadcast %broadcast_in_dim3A_533 : i1 to vector<16xi1>
        %masked_cumsum3A_535 = tpu.scan <sum>, %convert_element_type3A_532 masked %broadcast_in_dim3A_534 : vector<16xi32>, vector<16xi1> -> vector<16xi32>
        %sub3A_536 = arith.constant 1 : i32
        %sub3A_537 = vector.broadcast %sub3A_536 : i32 to vector<16xi32>
        %sub3A_538 = arith.subi %masked_cumsum3A_535, %sub3A_537 : vector<16xi32>
        %select_n3A_539 = arith.select %eq3A_531, %sub3A_538, %select_n3A_520 : vector<16xi1>, vector<16xi32>
        %eq3A_540 = arith.constant 4 : i32
        %eq3A_541 = vector.broadcast %eq3A_540 : i32 to vector<16xi32>
        %eq3A_542 = arith.cmpi eq, %iota3A, %eq3A_541 : vector<16xi32>
        %all_reduce_population_count3A_543 = tpu.all_reduce %eq3A_531 {dim = 0 : i64, kind = #tpu.reduction_kind<sum>} : vector<16xi1> -> vector<16xi32>
        %jit3A_544 = arith.constant 0 : i32
        %broadcast_in_dim3A_545 = vector.broadcast %jit3A_544 : i32 to vector<16xi32>
        %select_n3A_546 = arith.select %eq3A_542, %all_reduce_population_count3A_543, %broadcast_in_dim3A_545 : vector<16xi1>, vector<16xi32>
        %add3A_547 = arith.addi %add3A_528, %select_n3A_546 : vector<16xi32>
        %eq3A_548 = arith.constant 5 : i32
        %eq3A_549 = vector.broadcast %eq3A_548 : i32 to vector<16xi32>
        %eq3A_550 = arith.cmpi eq, %get3A_449, %eq3A_549 : vector<16xi32>
        %convert_element_type3A_551 = arith.extui %eq3A_550 : vector<16xi1> to vector<16xi32>
        %broadcast_in_dim3A_552 = arith.constant true
        %broadcast_in_dim3A_553 = vector.broadcast %broadcast_in_dim3A_552 : i1 to vector<16xi1>
        %masked_cumsum3A_554 = tpu.scan <sum>, %convert_element_type3A_551 masked %broadcast_in_dim3A_553 : vector<16xi32>, vector<16xi1> -> vector<16xi32>
        %sub3A_555 = arith.constant 1 : i32
        %sub3A_556 = vector.broadcast %sub3A_555 : i32 to vector<16xi32>
        %sub3A_557 = arith.subi %masked_cumsum3A_554, %sub3A_556 : vector<16xi32>
        %select_n3A_558 = arith.select %eq3A_550, %sub3A_557, %select_n3A_539 : vector<16xi1>, vector<16xi32>
        %eq3A_559 = arith.constant 5 : i32
        %eq3A_560 = vector.broadcast %eq3A_559 : i32 to vector<16xi32>
        %eq3A_561 = arith.cmpi eq, %iota3A, %eq3A_560 : vector<16xi32>
        %all_reduce_population_count3A_562 = tpu.all_reduce %eq3A_550 {dim = 0 : i64, kind = #tpu.reduction_kind<sum>} : vector<16xi1> -> vector<16xi32>
        %jit3A_563 = arith.constant 0 : i32
        %broadcast_in_dim3A_564 = vector.broadcast %jit3A_563 : i32 to vector<16xi32>
        %select_n3A_565 = arith.select %eq3A_561, %all_reduce_population_count3A_562, %broadcast_in_dim3A_564 : vector<16xi1>, vector<16xi32>
        %add3A_566 = arith.addi %add3A_547, %select_n3A_565 : vector<16xi32>
        %eq3A_567 = arith.constant 6 : i32
        %eq3A_568 = vector.broadcast %eq3A_567 : i32 to vector<16xi32>
        %eq3A_569 = arith.cmpi eq, %get3A_449, %eq3A_568 : vector<16xi32>
        %convert_element_type3A_570 = arith.extui %eq3A_569 : vector<16xi1> to vector<16xi32>
        %broadcast_in_dim3A_571 = arith.constant true
        %broadcast_in_dim3A_572 = vector.broadcast %broadcast_in_dim3A_571 : i1 to vector<16xi1>
        %masked_cumsum3A_573 = tpu.scan <sum>, %convert_element_type3A_570 masked %broadcast_in_dim3A_572 : vector<16xi32>, vector<16xi1> -> vector<16xi32>
        %sub3A_574 = arith.constant 1 : i32
        %sub3A_575 = vector.broadcast %sub3A_574 : i32 to vector<16xi32>
        %sub3A_576 = arith.subi %masked_cumsum3A_573, %sub3A_575 : vector<16xi32>
        %select_n3A_577 = arith.select %eq3A_569, %sub3A_576, %select_n3A_558 : vector<16xi1>, vector<16xi32>
        %eq3A_578 = arith.constant 6 : i32
        %eq3A_579 = vector.broadcast %eq3A_578 : i32 to vector<16xi32>
        %eq3A_580 = arith.cmpi eq, %iota3A, %eq3A_579 : vector<16xi32>
        %all_reduce_population_count3A_581 = tpu.all_reduce %eq3A_569 {dim = 0 : i64, kind = #tpu.reduction_kind<sum>} : vector<16xi1> -> vector<16xi32>
        %jit3A_582 = arith.constant 0 : i32
        %broadcast_in_dim3A_583 = vector.broadcast %jit3A_582 : i32 to vector<16xi32>
        %select_n3A_584 = arith.select %eq3A_580, %all_reduce_population_count3A_581, %broadcast_in_dim3A_583 : vector<16xi1>, vector<16xi32>
        %add3A_585 = arith.addi %add3A_566, %select_n3A_584 : vector<16xi32>
        %eq3A_586 = arith.constant 7 : i32
        %eq3A_587 = vector.broadcast %eq3A_586 : i32 to vector<16xi32>
        %eq3A_588 = arith.cmpi eq, %get3A_449, %eq3A_587 : vector<16xi32>
        %convert_element_type3A_589 = arith.extui %eq3A_588 : vector<16xi1> to vector<16xi32>
        %broadcast_in_dim3A_590 = arith.constant true
        %broadcast_in_dim3A_591 = vector.broadcast %broadcast_in_dim3A_590 : i1 to vector<16xi1>
        %masked_cumsum3A_592 = tpu.scan <sum>, %convert_element_type3A_589 masked %broadcast_in_dim3A_591 : vector<16xi32>, vector<16xi1> -> vector<16xi32>
        %sub3A_593 = arith.constant 1 : i32
        %sub3A_594 = vector.broadcast %sub3A_593 : i32 to vector<16xi32>
        %sub3A_595 = arith.subi %masked_cumsum3A_592, %sub3A_594 : vector<16xi32>
        %select_n3A_596 = arith.select %eq3A_588, %sub3A_595, %select_n3A_577 : vector<16xi1>, vector<16xi32>
        %eq3A_597 = arith.constant 7 : i32
        %eq3A_598 = vector.broadcast %eq3A_597 : i32 to vector<16xi32>
        %eq3A_599 = arith.cmpi eq, %iota3A, %eq3A_598 : vector<16xi32>
        %all_reduce_population_count3A_600 = tpu.all_reduce %eq3A_588 {dim = 0 : i64, kind = #tpu.reduction_kind<sum>} : vector<16xi1> -> vector<16xi32>
        %jit3A_601 = arith.constant 0 : i32
        %broadcast_in_dim3A_602 = vector.broadcast %jit3A_601 : i32 to vector<16xi32>
        %select_n3A_603 = arith.select %eq3A_599, %all_reduce_population_count3A_600, %broadcast_in_dim3A_602 : vector<16xi1>, vector<16xi32>
        %add3A_604 = arith.addi %add3A_585, %select_n3A_603 : vector<16xi32>
        %eq3A_605 = arith.constant 8 : i32
        %eq3A_606 = vector.broadcast %eq3A_605 : i32 to vector<16xi32>
        %eq3A_607 = arith.cmpi eq, %get3A_449, %eq3A_606 : vector<16xi32>
        %convert_element_type3A_608 = arith.extui %eq3A_607 : vector<16xi1> to vector<16xi32>
        %broadcast_in_dim3A_609 = arith.constant true
        %broadcast_in_dim3A_610 = vector.broadcast %broadcast_in_dim3A_609 : i1 to vector<16xi1>
        %masked_cumsum3A_611 = tpu.scan <sum>, %convert_element_type3A_608 masked %broadcast_in_dim3A_610 : vector<16xi32>, vector<16xi1> -> vector<16xi32>
        %sub3A_612 = arith.constant 1 : i32
        %sub3A_613 = vector.broadcast %sub3A_612 : i32 to vector<16xi32>
        %sub3A_614 = arith.subi %masked_cumsum3A_611, %sub3A_613 : vector<16xi32>
        %select_n3A_615 = arith.select %eq3A_607, %sub3A_614, %select_n3A_596 : vector<16xi1>, vector<16xi32>
        %eq3A_616 = arith.constant 8 : i32
        %eq3A_617 = vector.broadcast %eq3A_616 : i32 to vector<16xi32>
        %eq3A_618 = arith.cmpi eq, %iota3A, %eq3A_617 : vector<16xi32>
        %all_reduce_population_count3A_619 = tpu.all_reduce %eq3A_607 {dim = 0 : i64, kind = #tpu.reduction_kind<sum>} : vector<16xi1> -> vector<16xi32>
        %jit3A_620 = arith.constant 0 : i32
        %broadcast_in_dim3A_621 = vector.broadcast %jit3A_620 : i32 to vector<16xi32>
        %select_n3A_622 = arith.select %eq3A_618, %all_reduce_population_count3A_619, %broadcast_in_dim3A_621 : vector<16xi1>, vector<16xi32>
        %add3A_623 = arith.addi %add3A_604, %select_n3A_622 : vector<16xi32>
        %eq3A_624 = arith.constant 9 : i32
        %eq3A_625 = vector.broadcast %eq3A_624 : i32 to vector<16xi32>
        %eq3A_626 = arith.cmpi eq, %get3A_449, %eq3A_625 : vector<16xi32>
        %convert_element_type3A_627 = arith.extui %eq3A_626 : vector<16xi1> to vector<16xi32>
        %broadcast_in_dim3A_628 = arith.constant true
        %broadcast_in_dim3A_629 = vector.broadcast %broadcast_in_dim3A_628 : i1 to vector<16xi1>
        %masked_cumsum3A_630 = tpu.scan <sum>, %convert_element_type3A_627 masked %broadcast_in_dim3A_629 : vector<16xi32>, vector<16xi1> -> vector<16xi32>
        %sub3A_631 = arith.constant 1 : i32
        %sub3A_632 = vector.broadcast %sub3A_631 : i32 to vector<16xi32>
        %sub3A_633 = arith.subi %masked_cumsum3A_630, %sub3A_632 : vector<16xi32>
        %select_n3A_634 = arith.select %eq3A_626, %sub3A_633, %select_n3A_615 : vector<16xi1>, vector<16xi32>
        %eq3A_635 = arith.constant 9 : i32
        %eq3A_636 = vector.broadcast %eq3A_635 : i32 to vector<16xi32>
        %eq3A_637 = arith.cmpi eq, %iota3A, %eq3A_636 : vector<16xi32>
        %all_reduce_population_count3A_638 = tpu.all_reduce %eq3A_626 {dim = 0 : i64, kind = #tpu.reduction_kind<sum>} : vector<16xi1> -> vector<16xi32>
        %jit3A_639 = arith.constant 0 : i32
        %broadcast_in_dim3A_640 = vector.broadcast %jit3A_639 : i32 to vector<16xi32>
        %select_n3A_641 = arith.select %eq3A_637, %all_reduce_population_count3A_638, %broadcast_in_dim3A_640 : vector<16xi1>, vector<16xi32>
        %add3A_642 = arith.addi %add3A_623, %select_n3A_641 : vector<16xi32>
        %eq3A_643 = arith.constant 10 : i32
        %eq3A_644 = vector.broadcast %eq3A_643 : i32 to vector<16xi32>
        %eq3A_645 = arith.cmpi eq, %get3A_449, %eq3A_644 : vector<16xi32>
        %convert_element_type3A_646 = arith.extui %eq3A_645 : vector<16xi1> to vector<16xi32>
        %broadcast_in_dim3A_647 = arith.constant true
        %broadcast_in_dim3A_648 = vector.broadcast %broadcast_in_dim3A_647 : i1 to vector<16xi1>
        %masked_cumsum3A_649 = tpu.scan <sum>, %convert_element_type3A_646 masked %broadcast_in_dim3A_648 : vector<16xi32>, vector<16xi1> -> vector<16xi32>
        %sub3A_650 = arith.constant 1 : i32
        %sub3A_651 = vector.broadcast %sub3A_650 : i32 to vector<16xi32>
        %sub3A_652 = arith.subi %masked_cumsum3A_649, %sub3A_651 : vector<16xi32>
        %select_n3A_653 = arith.select %eq3A_645, %sub3A_652, %select_n3A_634 : vector<16xi1>, vector<16xi32>
        %eq3A_654 = arith.constant 10 : i32
        %eq3A_655 = vector.broadcast %eq3A_654 : i32 to vector<16xi32>
        %eq3A_656 = arith.cmpi eq, %iota3A, %eq3A_655 : vector<16xi32>
        %all_reduce_population_count3A_657 = tpu.all_reduce %eq3A_645 {dim = 0 : i64, kind = #tpu.reduction_kind<sum>} : vector<16xi1> -> vector<16xi32>
        %jit3A_658 = arith.constant 0 : i32
        %broadcast_in_dim3A_659 = vector.broadcast %jit3A_658 : i32 to vector<16xi32>
        %select_n3A_660 = arith.select %eq3A_656, %all_reduce_population_count3A_657, %broadcast_in_dim3A_659 : vector<16xi1>, vector<16xi32>
        %add3A_661 = arith.addi %add3A_642, %select_n3A_660 : vector<16xi32>
        %eq3A_662 = arith.constant 11 : i32
        %eq3A_663 = vector.broadcast %eq3A_662 : i32 to vector<16xi32>
        %eq3A_664 = arith.cmpi eq, %get3A_449, %eq3A_663 : vector<16xi32>
        %convert_element_type3A_665 = arith.extui %eq3A_664 : vector<16xi1> to vector<16xi32>
        %broadcast_in_dim3A_666 = arith.constant true
        %broadcast_in_dim3A_667 = vector.broadcast %broadcast_in_dim3A_666 : i1 to vector<16xi1>
        %masked_cumsum3A_668 = tpu.scan <sum>, %convert_element_type3A_665 masked %broadcast_in_dim3A_667 : vector<16xi32>, vector<16xi1> -> vector<16xi32>
        %sub3A_669 = arith.constant 1 : i32
        %sub3A_670 = vector.broadcast %sub3A_669 : i32 to vector<16xi32>
        %sub3A_671 = arith.subi %masked_cumsum3A_668, %sub3A_670 : vector<16xi32>
        %select_n3A_672 = arith.select %eq3A_664, %sub3A_671, %select_n3A_653 : vector<16xi1>, vector<16xi32>
        %eq3A_673 = arith.constant 11 : i32
        %eq3A_674 = vector.broadcast %eq3A_673 : i32 to vector<16xi32>
        %eq3A_675 = arith.cmpi eq, %iota3A, %eq3A_674 : vector<16xi32>
        %all_reduce_population_count3A_676 = tpu.all_reduce %eq3A_664 {dim = 0 : i64, kind = #tpu.reduction_kind<sum>} : vector<16xi1> -> vector<16xi32>
        %jit3A_677 = arith.constant 0 : i32
        %broadcast_in_dim3A_678 = vector.broadcast %jit3A_677 : i32 to vector<16xi32>
        %select_n3A_679 = arith.select %eq3A_675, %all_reduce_population_count3A_676, %broadcast_in_dim3A_678 : vector<16xi1>, vector<16xi32>
        %add3A_680 = arith.addi %add3A_661, %select_n3A_679 : vector<16xi32>
        %eq3A_681 = arith.constant 12 : i32
        %eq3A_682 = vector.broadcast %eq3A_681 : i32 to vector<16xi32>
        %eq3A_683 = arith.cmpi eq, %get3A_449, %eq3A_682 : vector<16xi32>
        %convert_element_type3A_684 = arith.extui %eq3A_683 : vector<16xi1> to vector<16xi32>
        %broadcast_in_dim3A_685 = arith.constant true
        %broadcast_in_dim3A_686 = vector.broadcast %broadcast_in_dim3A_685 : i1 to vector<16xi1>
        %masked_cumsum3A_687 = tpu.scan <sum>, %convert_element_type3A_684 masked %broadcast_in_dim3A_686 : vector<16xi32>, vector<16xi1> -> vector<16xi32>
        %sub3A_688 = arith.constant 1 : i32
        %sub3A_689 = vector.broadcast %sub3A_688 : i32 to vector<16xi32>
        %sub3A_690 = arith.subi %masked_cumsum3A_687, %sub3A_689 : vector<16xi32>
        %select_n3A_691 = arith.select %eq3A_683, %sub3A_690, %select_n3A_672 : vector<16xi1>, vector<16xi32>
        %eq3A_692 = arith.constant 12 : i32
        %eq3A_693 = vector.broadcast %eq3A_692 : i32 to vector<16xi32>
        %eq3A_694 = arith.cmpi eq, %iota3A, %eq3A_693 : vector<16xi32>
        %all_reduce_population_count3A_695 = tpu.all_reduce %eq3A_683 {dim = 0 : i64, kind = #tpu.reduction_kind<sum>} : vector<16xi1> -> vector<16xi32>
        %jit3A_696 = arith.constant 0 : i32
        %broadcast_in_dim3A_697 = vector.broadcast %jit3A_696 : i32 to vector<16xi32>
        %select_n3A_698 = arith.select %eq3A_694, %all_reduce_population_count3A_695, %broadcast_in_dim3A_697 : vector<16xi1>, vector<16xi32>
        %add3A_699 = arith.addi %add3A_680, %select_n3A_698 : vector<16xi32>
        %eq3A_700 = arith.constant 13 : i32
        %eq3A_701 = vector.broadcast %eq3A_700 : i32 to vector<16xi32>
        %eq3A_702 = arith.cmpi eq, %get3A_449, %eq3A_701 : vector<16xi32>
        %convert_element_type3A_703 = arith.extui %eq3A_702 : vector<16xi1> to vector<16xi32>
        %broadcast_in_dim3A_704 = arith.constant true
        %broadcast_in_dim3A_705 = vector.broadcast %broadcast_in_dim3A_704 : i1 to vector<16xi1>
        %masked_cumsum3A_706 = tpu.scan <sum>, %convert_element_type3A_703 masked %broadcast_in_dim3A_705 : vector<16xi32>, vector<16xi1> -> vector<16xi32>
        %sub3A_707 = arith.constant 1 : i32
        %sub3A_708 = vector.broadcast %sub3A_707 : i32 to vector<16xi32>
        %sub3A_709 = arith.subi %masked_cumsum3A_706, %sub3A_708 : vector<16xi32>
        %select_n3A_710 = arith.select %eq3A_702, %sub3A_709, %select_n3A_691 : vector<16xi1>, vector<16xi32>
        %eq3A_711 = arith.constant 13 : i32
        %eq3A_712 = vector.broadcast %eq3A_711 : i32 to vector<16xi32>
        %eq3A_713 = arith.cmpi eq, %iota3A, %eq3A_712 : vector<16xi32>
        %all_reduce_population_count3A_714 = tpu.all_reduce %eq3A_702 {dim = 0 : i64, kind = #tpu.reduction_kind<sum>} : vector<16xi1> -> vector<16xi32>
        %jit3A_715 = arith.constant 0 : i32
        %broadcast_in_dim3A_716 = vector.broadcast %jit3A_715 : i32 to vector<16xi32>
        %select_n3A_717 = arith.select %eq3A_713, %all_reduce_population_count3A_714, %broadcast_in_dim3A_716 : vector<16xi1>, vector<16xi32>
        %add3A_718 = arith.addi %add3A_699, %select_n3A_717 : vector<16xi32>
        %eq3A_719 = arith.constant 14 : i32
        %eq3A_720 = vector.broadcast %eq3A_719 : i32 to vector<16xi32>
        %eq3A_721 = arith.cmpi eq, %get3A_449, %eq3A_720 : vector<16xi32>
        %convert_element_type3A_722 = arith.extui %eq3A_721 : vector<16xi1> to vector<16xi32>
        %broadcast_in_dim3A_723 = arith.constant true
        %broadcast_in_dim3A_724 = vector.broadcast %broadcast_in_dim3A_723 : i1 to vector<16xi1>
        %masked_cumsum3A_725 = tpu.scan <sum>, %convert_element_type3A_722 masked %broadcast_in_dim3A_724 : vector<16xi32>, vector<16xi1> -> vector<16xi32>
        %sub3A_726 = arith.constant 1 : i32
        %sub3A_727 = vector.broadcast %sub3A_726 : i32 to vector<16xi32>
        %sub3A_728 = arith.subi %masked_cumsum3A_725, %sub3A_727 : vector<16xi32>
        %select_n3A_729 = arith.select %eq3A_721, %sub3A_728, %select_n3A_710 : vector<16xi1>, vector<16xi32>
        %eq3A_730 = arith.constant 14 : i32
        %eq3A_731 = vector.broadcast %eq3A_730 : i32 to vector<16xi32>
        %eq3A_732 = arith.cmpi eq, %iota3A, %eq3A_731 : vector<16xi32>
        %all_reduce_population_count3A_733 = tpu.all_reduce %eq3A_721 {dim = 0 : i64, kind = #tpu.reduction_kind<sum>} : vector<16xi1> -> vector<16xi32>
        %jit3A_734 = arith.constant 0 : i32
        %broadcast_in_dim3A_735 = vector.broadcast %jit3A_734 : i32 to vector<16xi32>
        %select_n3A_736 = arith.select %eq3A_732, %all_reduce_population_count3A_733, %broadcast_in_dim3A_735 : vector<16xi1>, vector<16xi32>
        %add3A_737 = arith.addi %add3A_718, %select_n3A_736 : vector<16xi32>
        %eq3A_738 = arith.constant 15 : i32
        %eq3A_739 = vector.broadcast %eq3A_738 : i32 to vector<16xi32>
        %eq3A_740 = arith.cmpi eq, %get3A_449, %eq3A_739 : vector<16xi32>
        %convert_element_type3A_741 = arith.extui %eq3A_740 : vector<16xi1> to vector<16xi32>
        %broadcast_in_dim3A_742 = arith.constant true
        %broadcast_in_dim3A_743 = vector.broadcast %broadcast_in_dim3A_742 : i1 to vector<16xi1>
        %masked_cumsum3A_744 = tpu.scan <sum>, %convert_element_type3A_741 masked %broadcast_in_dim3A_743 : vector<16xi32>, vector<16xi1> -> vector<16xi32>
        %sub3A_745 = arith.constant 1 : i32
        %sub3A_746 = vector.broadcast %sub3A_745 : i32 to vector<16xi32>
        %sub3A_747 = arith.subi %masked_cumsum3A_744, %sub3A_746 : vector<16xi32>
        %select_n3A_748 = arith.select %eq3A_740, %sub3A_747, %select_n3A_729 : vector<16xi1>, vector<16xi32>
        %eq3A_749 = arith.constant 15 : i32
        %eq3A_750 = vector.broadcast %eq3A_749 : i32 to vector<16xi32>
        %eq3A_751 = arith.cmpi eq, %iota3A, %eq3A_750 : vector<16xi32>
        %all_reduce_population_count3A_752 = tpu.all_reduce %eq3A_740 {dim = 0 : i64, kind = #tpu.reduction_kind<sum>} : vector<16xi1> -> vector<16xi32>
        %jit3A_753 = arith.constant 0 : i32
        %broadcast_in_dim3A_754 = vector.broadcast %jit3A_753 : i32 to vector<16xi32>
        %select_n3A_755 = arith.select %eq3A_751, %all_reduce_population_count3A_752, %broadcast_in_dim3A_754 : vector<16xi1>, vector<16xi32>
        %add3A_756 = arith.addi %add3A_737, %select_n3A_755 : vector<16xi32>
        %add3A_757 = arith.addi %gather3A, %select_n3A_748 : vector<16xi32>
        %get3A_758 = arith.constant 0 : index
        %get3A_759 = tpu.vector_load %arg9[%get3A_758] {strides = array<i32>} : memref<16xi32, #tpu.memory_space<vmem>>, vector<16xi32>,
        %add3A_760 = arith.addi %get3A_759, %add3A_756 : vector<16xi32>
        %swap3A_761 = arith.constant 0 : index
        %swap3A_762 = tpu.vector_load %arg9[%swap3A_761] {strides = array<i32>} : memref<16xi32, #tpu.memory_space<vmem>>, vector<16xi32>,
        tpu.vector_store %arg9[%swap3A_761], %add3A_760 {strides = array<i32>} : memref<16xi32, #tpu.memory_space<vmem>>, vector<16xi32>,
        %mul3A_763 = arith.constant 16 : i32
        %mul3A_764 = arith.muli %add3A_441, %mul3A_763 : i32
        %add3A_765 = arith.addi %mul3A_2, %mul3A_764 : i32
        %dma_wait3A = arith.constant 0 : i32
        %dma_wait3A_766 = tpu.memref_slice %arg2[%add3A_765, %dma_wait3A] : memref<16384x2048xf32, #tpu.memory_space<hbm>> -> memref<16x2048xf32, #tpu.memory_space<hbm>>
        %dma_wait3A_767 = arith.constant 0 : i32
        %dma_wait3A_768 = tpu.memref_slice %arg2[%add3A_765, %dma_wait3A_767] : memref<16384x2048xf32, #tpu.memory_space<hbm>> -> memref<16x2048xf32, #tpu.memory_space<hbm>>
        tpu.wait_dma2 semaphore(%arg16 : memref<!tpu.dma_semaphore, #tpu.memory_space<semaphore_mem>>) src(%dma_wait3A_768 : memref<16x2048xf32, #tpu.memory_space<hbm>>) dst(%arg13 : memref<16x2048xf32, #tpu.memory_space<vmem>>)
        %dma_start3A_769 = arith.constant 0 : i32
        %dma_start3A_770 = arith.constant 0 : i32
        %dma_start3A_771 = tpu.memref_slice %arg5[%dma_start3A_769, %dma_start3A_770] : memref<16384x2048xf32, #tpu.memory_space<hbm>> -> memref<16384x2048xf32, #tpu.memory_space<hbm>>
        tpu.enqueue_indirect_dma source(%arg13 : memref<16x2048xf32, #tpu.memory_space<vmem>>) target(%dma_start3A_771 : memref<16384x2048xf32, #tpu.memory_space<hbm>>) offsets(%add3A_757 : vector<16xi32>) semaphore(%arg19 : memref<!tpu.dma_semaphore, #tpu.memory_space<semaphore_mem>>)
        %dma_wait3A_772 = arith.constant 0 : i32
        %dma_wait3A_773 = arith.constant 0 : i32
        %dma_wait3A_774 = tpu.memref_slice %arg5[%dma_wait3A_772, %dma_wait3A_773] : memref<16384x2048xf32, #tpu.memory_space<hbm>> -> memref<16384x2048xf32, #tpu.memory_space<hbm>>
        tpu.wait_indirect_dma semaphore(%arg19 : memref<!tpu.dma_semaphore, #tpu.memory_space<semaphore_mem>>) src(%arg13 : memref<16x2048xf32, #tpu.memory_space<vmem>>) dst(%dma_wait3A_774 : memref<16384x2048xf32, #tpu.memory_space<hbm>>)
        %add3A_775 = arith.constant 3 : i32
        %add3A_776 = arith.addi %add3A_441, %add3A_775 : i32
        %lt3A_777 = arith.constant 32 : i32
        %lt3A_778 = arith.cmpi slt, %add3A_776, %lt3A_777 : i32
        %convert_element_type3A_779 = arith.extui %lt3A_778 : i1 to i32
        %cond3A_780 = arith.constant 0 : i32
        %cond3A_781 = arith.cmpi ne, %convert_element_type3A_779, %cond3A_780 : i32
        scf.if %cond3A_781 {
          %add3A_782 = arith.constant 3 : i32
          %add3A_783 = arith.addi %add3A_441, %add3A_782 : i32
          %mul3A_784 = arith.constant 16 : i32
          %mul3A_785 = arith.muli %add3A_783, %mul3A_784 : i32
          %add3A_786 = arith.addi %mul3A_2, %mul3A_785 : i32
          %dma_start3A_787 = arith.constant 0 : i32
          %dma_start3A_788 = tpu.memref_slice %arg2[%add3A_786, %dma_start3A_787] : memref<16384x2048xf32, #tpu.memory_space<hbm>> -> memref<16x2048xf32, #tpu.memory_space<hbm>>
          %dma_start3A_789 = arith.constant 0 : i32
          %dma_start3A_790 = tpu.memref_slice %arg2[%add3A_786, %dma_start3A_789] : memref<16384x2048xf32, #tpu.memory_space<hbm>> -> memref<16x2048xf32, #tpu.memory_space<hbm>>
          tpu.enqueue_dma source(%dma_start3A_790 : memref<16x2048xf32, #tpu.memory_space<hbm>>) target(%arg13 : memref<16x2048xf32, #tpu.memory_space<vmem>>) target_semaphore(%arg16 : memref<!tpu.dma_semaphore, #tpu.memory_space<semaphore_mem>>)
        } else {
        }
      } else {
      }
    }
    %scan3A_420 = arith.constant 11 : i32
    return
  }
}

</mosaic_0001>

<sc_bundles>
// kernel: _run.4.cloned.1.call-start
scs
__scs_entry_jumppad:
0x0: {  	(pc) =	sbr.rel $0x88, $3  }
0x1: {  	(tag) =	ssettag $0x0;
	lr =	simm.s32 $0x1  }
0x2: {  	[smem:$0x3F9F] =	sst lr;
	_ =	strace $0xD0000000  }
0x3: {  	_ = 	snop  }
0x4: {  	_ = 	snop  }
0x5: {  	_ = 	snop  }
0x6: {  	_ = 	snop  }
0x7: {  	_ = 	snop  }
__scs_overlays_trampoline_lowered:
0x8: {  	[smem:$0x3FAE] =	sst s0  }
0x9: {  	[smem:$0x3FAF] =	sst s1  }
0xa: {  	[smem:$0x3FB0] =	sst s2  }
0xb: {  	[smem:$0x3FB1] =	sst s3  }
0xc: {  	[smem:$0x3FB2] =	sst s4  }
0xd: {  	[smem:$0x3FB3] =	sst s5  }
0xe: {  	[smem:$0x3FB4] =	sst s6  }
0xf: {  	[smem:$0x3FB5] =	sst s7  }
0x10: {  	[smem:$0x3FB6] =	sst s8  }
0x11: {  	[smem:$0x3FB7] =	sst s9;
	s0 =	simm.s32 @!p0 $0x0  }
0x12: {  	s1 =	sld [smem:$0x3F9D];
	s0 =	simm.s32 @p0 $0x1  }
0x13: {  	[smem:$0x3FB8] =	sst s0;
	s0 =	simm.s32 @!p1 $0x0  }
0x14: {  	s2 =	sld [smem:$0x3F9C];
	s0 =	simm.s32 @p1 $0x1  }
0x15: {  	[smem:$0x3FB9] =	sst s0;
	s0 =	simm.s32 @!p2 $0x0  }
0x16: {  	s3 =	sld [smem:$0x3FDB];
	s0 =	simm.s32 @p2 $0x1  }
0x17: {  	s4 =	simm.s32 $0x1BF5;
	[smem:$0x3FBB] =	sst s0  }
0x18: {  	s0 =	sld [smem:$0x3F9E];
	_ =	swait.ge [sflag:s4], $0x0  }
0x19: {  	s7 =	sld [smem:$0x3F9F]  }
0x1a: {  	s8 =	sadd.s32 $0xFFFFE003, lr  }
0x1b: {  	s9 =	sadd.s32 $0xFFFFFEF7, lr;
	s5 =	simm.s32 $0xFFFFFFFF;
	p2 =	slt.u32 s8, $0xFFFFF086  }
0x1c: {  	p1 =	slt.u32 s9, $0xF7A;
	s5 =	simm.s32 @!p2 $0x0  }
0x1d: {  	s5 =	simm.s32 @p1 $0x1;
	p0 =	seq.s32 s7, s2  }
0x1e: {  	s7 =	smul.u32 @!p0 $0xF7A, s2;
	p2 =	seq.s32 @!p0 s5, $0x0  }
0x1f: {  	s9 =	smul.u32 $0xF7A, s1;
	s8 =	simm.s32 @!p0 $0x1BF5;
	p2 =	por !p2, p0  }
0x20: {  	[sflag:s8] =	ssyncset.s32 @!p0 $0xFFFFF086;
	s6 =	sadd.s32 @!p0 s3, s7;
	s7 =	simm.s32 @!p0 $0x108  }
0x21: {  	s3 =	sadd.s32 s3, s9;
	s6 =	sadd.s32 @!p0 $0x88, s6;
	s7 =	simm.s32 @p2 $0x1082  }
0x22: {  	[simem:s7], [sflag:s8] =	dma.local @!p0 [hbm:s6], $0xF7A  }
0x23: {  	s9 =	sor.u32 $0xD0000000, s2;
	s6 =	simm.s32 $0x108;
	_ =	swait.ge @!p0 [sflag:s8], $0x0  }
0x24: {  	s3 =	sadd.s32 $0x88, s3;
	s6 =	simm.s32 @!p1 $0x1082;
	[sflag:s4] =	ssyncset.s32 $0xFFFFF086  }
0x25: {  	[simem:s6], [sflag:s4] =	dma.local [hbm:s3], $0xF7A  }
0x26: {  	[smem:$0x3F9F] =	sst s1;
	(tag) =	ssettag s2;
	_ =	strace s9  }
0x27: {  	s1 =	sld [smem:$0x3FAF]  }
0x28: {  	s2 =	sld [smem:$0x3FB0]  }
0x29: {  	s4 =	sld [smem:$0x3FB2]  }
0x2a: {  	p0 =	seq.s32 s5, $0x0;
	s5 =	sld [smem:$0x3FB3]  }
0x2b: {  	s6 =	sld [smem:$0x3FB4]  }
0x2c: {  	s7 =	sld [smem:$0x3FB5]  }
0x2d: {  	s3 =	simm.s32 $0x108;
	s8 =	sld [smem:$0x3FB6]  }
0x2e: {  	s3 =	simm.s32 @!p0 $0x1082;
	s9 =	sld [smem:$0x3FB7]  }
0x2f: {  	lr =	sadd.s32 s0, s3;
	s0 =	sld [smem:$0x3FAE]  }
0x30: {  	s3 =	sld [smem:$0x3FB1]  }
0x31: {  	[smem:$0x3FBA] =	sst s10  }
0x32: {  	s10 =	sld [smem:$0x3FB8];
	_ =	sdelay $0x3  }
0x33: {  	p0 =	seq.s32 s10, $0x1;
	s10 =	sld [smem:$0x3FBA];
	_ =	sdelay $0x3  }
0x34: {  	[smem:$0x3FBA] =	sst s10  }
0x35: {  	s10 =	sld [smem:$0x3FB9];
	_ =	sdelay $0x3  }
0x36: {  	p1 =	seq.s32 s10, $0x1;
	s10 =	sld [smem:$0x3FBA];
	_ =	sdelay $0x3  }
0x37: {  	[smem:$0x3FBA] =	sst s10  }
0x38: {  	s10 =	sld [smem:$0x3FBB]  }
0x39: {  	_ = 	snop;
	(pc) =	sbr.ind lr, $3  }
0x3a: {  	_ = 	snop  }
0x3b: {  	_ = 	snop  }
0x3c: {  	p2 =	seq.s32 s10, $0x1;
	s10 =	sld [smem:$0x3FBA]  }
0x3d: {  	_ =	shalt  }
0x3e: {  	_ =	shalt  }
0x3f: {  	_ =	shalt  }
0x40: {  	_ =	shalt  }
0x41: {  	_ =	shalt  }
0x42: {  	_ =	shalt  }
0x43: {  	_ =	shalt  }
0x44: {  	_ =	shalt  }
0x45: {  	_ =	shalt  }
0x46: {  	_ =	shalt  }
0x47: {  	_ =	shalt  }
0x48: {  	_ =	shalt  }
0x49: {  	_ =	shalt  }
0x4a: {  	_ =	shalt  }
0x4b: {  	_ =	shalt  }
0x4c: {  	_ =	shalt  }
0x4d: {  	_ =	shalt  }
0x4e: {  	_ =	shalt  }
0x4f: {  	_ =	shalt  }
0x50: {  	_ =	shalt  }
0x51: {  	_ =	shalt  }
0x52: {  	_ =	shalt  }
0x53: {  	_ =	shalt  }
0x54: {  	_ =	shalt  }
0x55: {  	_ =	shalt  }
0x56: {  	_ =	shalt  }
0x57: {  	_ =	shalt  }
0x58: {  	_ =	shalt  }
0x59: {  	_ =	shalt  }
0x5a: {  	_ =	shalt  }
0x5b: {  	_ =	shalt  }
0x5c: {  	_ =	shalt  }
0x5d: {  	_ =	shalt  }
0x5e: {  	_ =	shalt  }
0x5f: {  	_ =	shalt  }
0x60: {  	_ =	shalt  }
0x61: {  	_ =	shalt  }
0x62: {  	_ =	shalt  }
0x63: {  	_ =	shalt  }
0x64: {  	_ =	shalt  }
0x65: {  	_ =	shalt  }
0x66: {  	_ =	shalt  }
0x67: {  	_ =	shalt  }
0x68: {  	_ =	shalt  }
0x69: {  	_ =	shalt  }
0x6a: {  	_ =	shalt  }
0x6b: {  	_ =	shalt  }
0x6c: {  	_ =	shalt  }
0x6d: {  	_ =	shalt  }
0x6e: {  	_ =	shalt  }
0x6f: {  	_ =	shalt  }
0x70: {  	_ =	shalt  }
0x71: {  	_ =	shalt  }
0x72: {  	_ =	shalt  }
0x73: {  	_ =	shalt  }
0x74: {  	_ =	shalt  }
0x75: {  	_ =	shalt  }
0x76: {  	_ =	shalt  }
0x77: {  	_ =	shalt  }
0x78: {  	_ =	shalt  }
0x79: {  	_ =	shalt  }
0x7a: {  	_ =	shalt  }
0x7b: {  	_ =	shalt  }
0x7c: {  	_ =	shalt  }
0x7d: {  	_ =	shalt  }
0x7e: {  	_ =	shalt  }
0x7f: {  	_ =	shalt  }
0x80: {  	_ =	shalt  }
0x81: {  	_ =	shalt  }
0x82: {  	_ =	shalt  }
0x83: {  	_ =	shalt  }
0x84: {  	_ =	shalt  }
0x85: {  	_ =	shalt  }
0x86: {  	_ =	shalt  }
0x87: {  	_ =	shalt  }
.Lfunc_end0:
.L_simem_size_0:
called_computation_lowered:
.L_overlay_start_0:
0x88: {  	s2 =	sld [smem:$0x3FD9]  }
0x89: {  	s3 =	sld [smem:$0x3FFE];
	_ =	sdelay $0x1  }
0x8a: {  	s1 =	srdreg.scid  }
0x8b: {  	s0 =	sand.u32 $0x1, s1  }
0x8c: {  	s17 =	sshll.u32 s0, $0xA;
	s2 =	sadd.s32 s3, s2  }
0x8d: {  	s2 =	sadd.s32 s2, s17  }
0x8e: {  	[smem:$0x3FC6] =	sst s2  }
0x8f: {  	_ = 	snop  }
0x90: {  	s2 =	sld [smem:$0x3FC8];
	(tm) =	ssettm $0x1  }
0x91: {  	s18 =	sld [smem:$0x3FFB];
	_ =	sdelay $0x3  }
0x92: {  	_ =	strace s18  }
0x93: {  	s3 =	sld [smem:$0x3FFC];
	_ =	sdelay $0x3  }
0x94: {  	_ =	strace s3  }
0x95: {  	s3 =	sld [smem:$0x3FFD];
	_ =	sdelay $0x3  }
0x96: {  	_ =	strace s3  }
0x97: {  	_ =	strace $0x8FFFFFFF  }
0x98: {  	s19 =	sld [smem:$0x3FDB];
	_ =	sdelay $0x1  }
0x99: {  	s4 =	simm.s32 $_scs_section_size  }
0x9a: {  	s5 =	simm.s32 $_size__tile_overlayer_lowered;
	s6 =	simm.s32 $_tile_overlayer_lowered  }
0x9b: {  	s22 =	simm.s32 $0x1BFF;
	s21 =	sshll.u32 s6, $0x1;
	s3 =	sadd.s32 s4, s19  }
0x9c: {  	s7 =	simm.s32 $0x0;
	s20 =	sshll.u32 s5, $0x1;
	s5 =	sadd.s32 s21, s3  }
0x9d: {  	[timem:s7], [sflag:s22] =	dma.local [hbm:s5], s20  }
0x9e: {  	_ =	swait.ge [sflag:s22], s20  }
0x9f: {  	s4 =	ssub.s32 $0x0, s20;
	[sflag:s22] =	ssyncset.done $0x0  }
0xa0: {  	[sflag:s22] =	ssyncadd.s32 s4;
	_ =	sdelay $0x1  }
0xa1: {  	s23 =	simm.s32 $0x1B8B  }
0xa2: {  	_ =	swait.ge [sflag:s23], $0x1  }
0xa3: {  	[sflag:s23] =	ssyncset.done $0x0  }
0xa4: {  	s25 =	simm.s32 $0x1B8E;
	s24 =	sld [smem:$0x3FFE];
	[sflag:s23] =	ssyncadd.s32 $0xFFFFFFFF  }
0xa5: {  	s26 =	simm.s32 $execute0_lowered;
	[smem:$0x3FD2] =	sst s25  }
0xa6: {  	s5 =	sshll.u32 s26, $0x1;
	_ =	strace $0x80000046;
	[dreg:$0x1] =	wrdreg $0xFFFFFFFF  }
0xa7: {  	s28 =	simm.s32 $_size_execute0_lowered;
	s3 =	sadd.s32 s3, s5;
	[dreg:$0x0] =	wrdreg $0x0  }
0xa8: {  	s5 =	sshll.u32 s28, $0x1;
	[dreg:$0x2] =	wrdreg s3  }
0xa9: {  	[dreg:$0x3] =	wrdreg s5  }
0xaa: {  	[dreg:$0x4] =	wrdreg $0xC0  }
0xab: {  	_ =	task [dreg:s7], $0x5FFFF  }
0xac: {  	[dreg:$0x1] =	wrdreg $0xFFFFFFFF  }
0xad: {  	[dreg:$0x0] =	wrdreg $0x60  }
0xae: {  	[dreg:$0x2] =	wrdreg s2  }
0xaf: {  	[dreg:$0x3] =	wrdreg s24  }
0xb0: {  	[dreg:$0x4] =	wrdreg $0x9  }
0xb1: {  	_ =	task.clear_ibuf [dreg:s7], $0x5FFFF;
	_ =	strace $0x90000046  }
0xb2: {  	s29 =	simm.s32 $0x9;
	_ =	strace $0x80000048  }
0xb3: {  	_ =	swait.ge [sflag:s29], $0x1  }
0xb4: {  	[sflag:s29] =	ssyncadd.s32 $0xFFFFFFFF  }
0xb5: {  	_ =	strace $0x90000048  }
0xb6: {  	_ =	sfence  }
0xb7: {  	s30 =	sld [smem:$0x0];
	_ =	sdelay $0x2  }
0xb8: {  	s31 =	sshll.u32 s1, $0xD;
	s1 =	sshrl.u32 s1, $0x2  }
0xb9: {  	s3 =	sand.u32 $0x4000, s31;
	s1 =	sadd.s32 s1, s30  }
0xba: {  	s0 =	sor.u32 s3, s0;
	s1 =	sshll.u32 s1, $0x11  }
0xbb: {  	s0 =	sor.u32 s1, s0  }
0xbc: {  	s0 =	sadd.s32 $0x8F2B, s0  }
0xbd: {  	[sflag:s0] =	ssyncadd.remote.s32 $0x1  }
0xbe: {  	_ =	sfence.sel $0xFFFF  }
0xbf: {  	[dreg:$0x0] =	wrdreg $0xFFFFFFFF;
	(pc) =	sbr.abs _section_cstart, $3  }
0xc0: {  	[dreg:$0x1] =	wrdreg $0xFFFFFFFF  }
0xc1: {  	_ =	task.clear_ibuf [dreg:s7], $0x2FFFF;
	_ =	strace $0x9FFFFFFF  }
0xc2: {  	(tm) =	ssettm $0x7FFFFFFF  }
0xc3: {  	_ =	shalt  }
tec
execute0_lowered:
.L_overlay_start_1:
0x0: {  	(tag) =	ssettag $0x1  }
0x1: {  	s3 =	rddreg [dreg:$0x0]  }
0x2: {  	s4 =	rddreg [dreg:$0x1]  }
0x3: {  	s0 =	rddreg [dreg:$0x2]  }
0x4: {  	s5 =	srdreg.scid;
	s1 =	stileid.u32;
	s2 =	simm.s32 $0x0  }
0x5: {  	s5 =	sand.u32 $0x1, s5;
	s6 =	sshll.u32 s1, $0x1;
	[smem:$0x7FF] =	sst s2  }
0x6: {  	s10 =	simm.s32 $0x0;
	s6 =	sor.u32 s5, s6;
	_ =	strace $0x80000047  }
0x7: {  	s5 =	ssub.s32 $0x2, s5;
	s7 =	sshll.u32 s6, $0x9;
	s8 =	sshll.u32 s6, $0x4  }
0x8: {  	v0 =	vlaneseq.u32;
	v1 =	vimm.s32 $0x0;
	s31 =	sshrl.u32 s5, $0x1;
	s6 =	sshll.u32 s6, $0xA;
	s7 =	sadd.s32 s7, s4  }
0x9: {  	vm0 =	vmmov $0x1;
	vm9 =	vcmask $0x2328;
	vm11 =	vcmask $0x272C;
	s8 =	sadd.s32 s8, s4;
	s9 =	ssub.s32 s5, s31;
	s3 =	sadd.s32 s3, s6  }
0xa: {  	vm10 =	vcmask $0x2B30;
	vm12 =	vcmask $0x2F34;
	vm13 =	vcmask $0x3338;
	s4 =	sadd.s32 $0x1200, s7;
	s5 =	sadd.s32 $0x5200, s8;
	s6 =	smax.u32 s9, $0x1  }
0xb: {  	vm14 =	vcmask $0x373C;
	vm15 =	vmmov $0x7fff;
	v0 =	vmul.u32 $0x10, v0;
	s7 =	simm.s32 $0x1;
	s8 =	simm.s32 $0x2000;
	s9 =	simm.s32 $0x3000  }
.LBB2_1:
0xc: {  	v2 =	vmov s2  }
0xd: {  	v2 =	vshll.u32 v2, $0x4  }
0xe: {  	v2 =	vor.u32 v0, v2  }
0xf: {  	[tilespmem:s2], [sflag:$0x1] =	stream.linear.gather [hbm4b:s3+s2], $0x2000, $0x38;
	v3 =	vor.u32 $0x1, v2;
	[tilespmem:$0x3080] =	vst v63  }
0x10: {  	_ =	swait.ge [sflag:s7], $0x2000  }
0x11: {  	[sflag:s7] =	ssyncset.done $0x0;
	v4 =	vor.u32 $0x2, v2  }
0x12: {  	[sflag:s7] =	ssyncadd.s32 $0xFFFFE000  }
0x13: {  	v5 =	vor.u32 $0x3, v2;
	v6 =	vld.idx.msk [tilespmem:v2+s2+$0x0], $0xffff  }
0x14: {  	v3 =	vld.idx.msk [tilespmem:v3+s2+$0x0], $0xffff  }
0x15: {  	v7 =	vor.u32 $0x4, v2  }
0x16: {  	v4 =	vld.idx.msk [tilespmem:v4+s2+$0x0], $0xffff  }
0x17: {  	v8 =	vor.u32 $0x5, v2  }
0x18: {  	v5 =	vld.idx.msk [tilespmem:v5+s2+$0x0], $0xffff  }
0x19: {  	v9 =	vor.u32 $0x6, v2;
	vm1 =	vgt.f32 v3, v6  }
0x1a: {  	v7 =	vld.idx.msk [tilespmem:v7+s2+$0x0], $0xffff;
	v3 =	vsel vm1, v3, v6  }
0x1b: {  	v6 =	vor.u32 $0x7, v2;
	vm2 =	vgt.f32 v4, v3  }
0x1c: {  	v8 =	vld.idx.msk [tilespmem:v8+s2+$0x0], $0xffff;
	v3 =	vsel vm2, v4, v3  }
0x1d: {  	v4 =	vor.u32 $0x8, v2;
	vm3 =	vgt.f32 v5, v3  }
0x1e: {  	v9 =	vld.idx.msk [tilespmem:v9+s2+$0x0], $0xffff;
	v3 =	vsel vm3, v5, v3  }
0x1f: {  	v5 =	vor.u32 $0x9, v2;
	vm4 =	vgt.f32 v7, v3  }
0x20: {  	v6 =	vld.idx.msk [tilespmem:v6+s2+$0x0], $0xffff;
	v3 =	vsel vm4, v7, v3  }
0x21: {  	v7 =	vor.u32 $0xA, v2;
	vm5 =	vgt.f32 v8, v3  }
0x22: {  	v4 =	vld.idx.msk [tilespmem:v4+s2+$0x0], $0xffff;
	v3 =	vsel vm5, v8, v3  }
0x23: {  	v8 =	vor.u32 $0xB, v2;
	vm6 =	vgt.f32 v9, v3  }
0x24: {  	v5 =	vld.idx.msk [tilespmem:v5+s2+$0x0], $0xffff;
	v3 =	vsel vm6, v9, v3  }
0x25: {  	v9 =	vor.u32 $0xC, v2;
	vm7 =	vgt.f32 v6, v3  }
0x26: {  	v7 =	vld.idx.msk [tilespmem:v7+s2+$0x0], $0xffff;
	v3 =	vsel vm7, v6, v3  }
0x27: {  	s11 =	simm.s32 $0x10;
	v10 =	vsel vm1, $0x1, v1;
	v6 =	vor.u32 $0xD, v2;
	vm1 =	vgt.f32 v4, v3  }
0x28: {  	v11 =	vmov s11;
	v8 =	vld.idx.msk [tilespmem:v8+s2+$0x0], $0xffff;
	v3 =	vsel vm1, v4, v3  }
0x29: {  	v12 =	vor.u32 $0xE, v2;
	v10 =	vsel vm2, $0x2, v10;
	vm2 =	vgt.f32 v5, v3  }
0x2a: {  	v4 =	vsel vm3, $0x3, v10;
	v10 =	vshll.u32 v11, $0x4;
	v9 =	vld.idx.msk [tilespmem:v9+s2+$0x0], $0xffff;
	v5 =	vsel vm2, v5, v3  }
0x2b: {  	v11 =	vor.u32 $0xF, v2;
	v4 =	vsel vm4, $0x4, v4;
	vm3 =	vgt.f32 v7, v5  }
0x2c: {  	v2 =	vor.u32 v0, v10;
	v10 =	vld.idx.msk [tilespmem:v6+s2+$0x0], $0xffff;
	v6 =	vsel vm5, $0x5, v4;
	v7 =	vsel vm3, v7, v5  }
0x2d: {  	v3 =	vor.u32 $0xC, v2;
	v6 =	vsel vm6, $0x6, v6;
	vm4 =	vgt.f32 v8, v7  }
0x2e: {  	v12 =	vld.idx.msk [tilespmem:v12+s2+$0x0], $0xffff;
	v14 =	vor.u32 $0x8, v2;
	v13 =	vsel vm7, $0x7, v6;
	v7 =	vsel vm4, v8, v7  }
0x2f: {  	v15 =	vor.u32 $0x4, v2;
	v8 =	vsel vm1, $0x8, v13;
	vm1 =	vgt.f32 v9, v7  }
0x30: {  	v4 =	vor.u32 $0xB, v2;
	v11 =	vld.idx.msk [tilespmem:v11+s2+$0x0], $0xffff;
	v8 =	vsel vm2, $0x9, v8;
	v7 =	vsel vm1, v9, v7  }
0x31: {  	v5 =	vor.u32 $0xA, v2;
	v8 =	vsel vm3, $0xA, v8;
	vm2 =	vgt.f32 v10, v7  }
0x32: {  	v6 =	vor.u32 $0x9, v2;
	v8 =	vsel vm4, $0xB, v8;
	v7 =	vsel vm2, v10, v7  }
0x33: {  	v13 =	vor.u32 $0x7, v2;
	v8 =	vsel vm1, $0xC, v8;
	vm1 =	vgt.f32 v12, v7  }
0x34: {  	v9 =	vor.u32 $0x6, v2;
	v8 =	vsel vm2, $0xD, v8;
	v7 =	vsel vm1, v12, v7  }
0x35: {  	v10 =	vor.u32 $0x5, v2;
	v8 =	vsel vm1, $0xE, v8;
	vm1 =	vgt.f32 v11, v7  }
0x36: {  	v12 =	vor.u32 $0x3, v2;
	v7 =	vor.u32 $0x1, v2;
	v16 =	vsel vm1, $0xF, v8  }
0x37: {  	v11 =	vor.u32 $0x2, v2;
	vm1 =	veq.s32 v16, $0x0;
	vm2 =	veq.s32 v16, $0x1  }
0x38: {  	vm3 =	veq.s32 v16, $0x2;
	vm4 =	veq.s32 v16, $0xC;
	vm5 =	veq.s32 v16, $0xD  }
0x39: {  	vm6 =	veq.s32 v16, $0xE;
	vm7 =	veq.s32 v16, $0xF;
	v8 =	vmpcnt.ones.xlane vm1  }
0x3a: {  	v17 =	vmpcnt.ones.xlane vm2;
	vm1 =	veq.s32 v16, $0x3;
	v18 =	vmpcnt.ones.xlane vm3  }
0x3b: {  	vm2 =	vcmask $0x308;
	vm3 =	vcmask $0x1F24;
	v63 =	vmpcnt.ones.xlane vm4  }
0x3c: {  	v19 =	vmpcnt.ones.xlane vm1;
	vm1 =	veq.s32 v16, $0x4;
	v8 =	vnsel vm0, $0x0, v8  }
0x3d: {  	v17 =	vsel vm2, $0x0, v17;
	v20 =	vmpcnt.ones.xlane vm1;
	vm1 =	vcmask $0x70C  }
0x3e: {  	vm2 =	vcmask $0xB10;
	v8 =	vadd.s32 v1, v8;
	v18 =	vsel vm1, $0x0, v18  }
0x3f: {  	[tilespmem:s8+$0x0] =	vst v16;
	vm1 =	veq.s32 v16, $0x5;
	v50 =	vsel vm2, $0x0, v19;
	vm2 =	vcmask $0x1318  }
0x40: {  	v53 =	vld.idx.msk [tilespmem:v2+s2+$0x0], $0xffff;
	v8 =	vadd.s32 v17, v8;
	v51 =	vmpcnt.ones.xlane vm1;
	vm1 =	vcmask $0xF14  }
0x41: {  	v7 =	vld.idx.msk [tilespmem:v7+s2+$0x0], $0xffff;
	v8 =	vadd.s32 v18, v8;
	v52 =	vsel vm1, $0x0, v20;
	vm1 =	veq.s32 v16, $0x6  }
0x42: {  	v8 =	vadd.s32 v50, v8;
	v54 =	vmpcnt.ones.xlane vm1;
	vm1 =	veq.s32 v16, $0x7  }
0x43: {  	v11 =	vld.idx.msk [tilespmem:v11+s2+$0x0], $0xffff;
	v55 =	vsel vm2, $0x0, v51;
	v56 =	vmpcnt.ones.xlane vm1;
	vm1 =	vcmask $0x171C  }
0x44: {  	vm2 =	vcmask $0x1B20;
	v17 =	vsel vm1, $0x0, v54;
	vm1 =	veq.s32 v16, $0x8  }
0x45: {  	v12 =	vld.idx.msk [tilespmem:v12+s2+$0x0], $0xffff;
	v8 =	vadd.s32 v52, v8;
	v57 =	vmpcnt.ones.xlane vm1;
	vm1 =	veq.s32 v16, $0x9  }
0x46: {  	v8 =	vadd.s32 v55, v8;
	v59 =	vmpcnt.ones.xlane vm1;
	vm1 =	vgt.f32 v7, v53  }
0x47: {  	v15 =	vld.idx.msk [tilespmem:v15+s2+$0x0], $0xffff;
	v58 =	vsel vm2, $0x0, v56;
	vm2 =	veq.s32 v16, $0xA;
	v7 =	vsel vm1, v7, v53  }
0x48: {  	v8 =	vadd.s32 v17, v8;
	v60 =	vmpcnt.ones.xlane vm2;
	vm2 =	vgt.f32 v11, v7  }
0x49: {  	v62 =	vld.idx.msk [tilespmem:v10+s2+$0x0], $0xffff;
	v17 =	vsel vm3, $0x0, v57;
	vm3 =	veq.s32 v16, $0xB;
	v7 =	vsel vm2, v11, v7  }
0x4a: {  	v8 =	vadd.s32 v58, v8;
	v10 =	vmpcnt.ones.xlane vm3;
	vm3 =	vgt.f32 v12, v7  }
0x4b: {  	v9 =	vld.idx.msk [tilespmem:v9+s2+$0x0], $0xffff;
	v8 =	vadd.s32 v17, v8;
	v61 =	vsel vm9, $0x0, v59;
	v7 =	vsel vm3, v12, v7  }
0x4c: {  	v8 =	vadd.s32 v61, v8;
	v11 =	vsel vm11, $0x0, v60;
	vm4 =	vgt.f32 v15, v7  }
0x4d: {  	v11 =	vadd.s32 v11, v8;
	v8 =	vld.idx.msk [tilespmem:v13+s2+$0x0], $0xffff;
	v13 =	vsel vm12, $0x0, v63;
	v15 =	vsel vm4, v15, v7  }
0x4e: {  	v12 =	vsel vm10, $0x0, v10;
	v10 =	vmpcnt.ones.xlane vm5;
	vm5 =	vgt.f32 v62, v15  }
0x4f: {  	s12 =	simm.s32 $0x20;
	s13 =	simm.s32 $0x30;
	s11 =	simm.s32 $0x2000;
	v12 =	vadd.s32 v12, v11;
	v11 =	vmpcnt.ones.xlane vm6;
	v7 =	vld.idx.msk [tilespmem:v14+s2+$0x0], $0xffff;
	v14 =	vsel vm5, v62, v15  }
.LBB2_2:
0x50: {  	vm6 =	vgt.f32 v9, v14;
	v12 =	vadd.s32 v13, v12;
	v10 =	vsel vm13, $0x0, v10  }
0x51: {  	p0 =	sne.s32 s13, $0x1F0;
	v6 =	vld.idx.msk [tilespmem:v6+s2+$0x0], $0xffff;
	v9 =	vsel vm6, v9, v14;
	v10 =	vadd.s32 v10, v12  }
0x52: {  	v12 =	vmpcnt.ones.xlane vm7;
	v11 =	vsel vm14, $0x0, v11;
	vm7 =	vgt.f32 v8, v9  }
0x53: {  	v13 =	vor.u32 $0xD, v2;
	v5 =	vld.idx.msk [tilespmem:v5+s2+$0x0], $0xffff;
	v8 =	vsel vm7, v8, v9;
	v9 =	vadd.s32 v11, v10  }
0x54: {  	v10 =	vsel vm15, $0x0, v12;
	v11 =	vmov s12;
	vm8 =	vgt.f32 v7, v8  }
0x55: {  	s12 =	smov.u32 s13;
	v12 =	vld.idx.msk [tilespmem:v4+s2+$0x0], $0xffff;
	v9 =	vadd.s32 v10, v9;
	v4 =	vsel vm1, $0x1, v1;
	v7 =	vsel vm8, v7, v8  }
0x56: {  	v8 =	vor.u32 $0xE, v2;
	v4 =	vsel vm2, $0x2, v4;
	vm1 =	vgt.f32 v6, v7  }
0x57: {  	v10 =	vshll.u32 v11, $0x4;
	v11 =	vld.idx.msk [tilespmem:v3+s2+$0x0], $0xffff;
	v3 =	vsel vm3, $0x3, v4;
	v4 =	vsel vm1, v6, v7  }
0x58: {  	v7 =	vor.u32 $0xF, v2;
	v6 =	vsel vm4, $0x4, v3;
	vm2 =	vgt.f32 v5, v4  }
0x59: {  	v2 =	vor.u32 v0, v10;
	v10 =	vld.idx.msk [tilespmem:v13+s2+$0x0], $0xffff;
	v6 =	vsel vm5, $0x5, v6;
	v13 =	vsel vm2, v5, v4  }
0x5a: {  	v3 =	vor.u32 $0xC, v2;
	v6 =	vsel vm6, $0x6, v6;
	vm3 =	vgt.f32 v12, v13  }
0x5b: {  	v4 =	vor.u32 $0xB, v2;
	v8 =	vld.idx.msk [tilespmem:v8+s2+$0x0], $0xffff;
	v14 =	vsel vm7, $0x7, v6;
	v12 =	vsel vm3, v12, v13  }
0x5c: {  	v5 =	vor.u32 $0xA, v2;
	v13 =	vsel vm8, $0x8, v14;
	vm4 =	vgt.f32 v11, v12  }
0x5d: {  	v15 =	vor.u32 $0x6, v2;
	v7 =	vld.idx.msk [tilespmem:v7+s2+$0x0], $0xffff;
	v13 =	vsel vm1, $0x9, v13;
	v11 =	vsel vm4, v11, v12  }
0x5e: {  	v16 =	vor.u32 $0x4, v2;
	v13 =	vsel vm2, $0xA, v13;
	vm1 =	vgt.f32 v10, v11  }
0x5f: {  	v6 =	vor.u32 $0x9, v2;
	v13 =	vsel vm3, $0xB, v13;
	v10 =	vsel vm1, v10, v11  }
0x60: {  	v14 =	vor.u32 $0x8, v2;
	v13 =	vsel vm4, $0xC, v13;
	vm2 =	vgt.f32 v8, v10  }
0x61: {  	v12 =	vor.u32 $0x7, v2;
	v13 =	vsel vm1, $0xD, v13;
	v8 =	vsel vm2, v8, v10  }
0x62: {  	v11 =	vor.u32 $0x5, v2;
	v13 =	vsel vm2, $0xE, v13;
	vm1 =	vgt.f32 v7, v8  }
0x63: {  	v10 =	vor.u32 $0x3, v2;
	v7 =	vor.u32 $0x1, v2;
	v17 =	vsel vm1, $0xF, v13  }
0x64: {  	v8 =	vor.u32 $0x2, v2;
	vm1 =	veq.s32 v17, $0x0;
	vm2 =	veq.s32 v17, $0x1  }
0x65: {  	vm3 =	veq.s32 v17, $0x2;
	v13 =	vmpcnt.ones.xlane vm1;
	v18 =	vmpcnt.ones.xlane vm2  }
0x66: {  	s11 =	sadd.s32 $0x80, s11;
	vm1 =	veq.s32 v17, $0x3;
	v19 =	vmpcnt.ones.xlane vm3;
	vm2 =	vcmask $0x308  }
0x67: {  	[tilespmem:s11+$0x0] =	vst v17;
	vm3 =	vcmask $0x1F24;
	v20 =	vmpcnt.ones.xlane vm1;
	vm1 =	veq.s32 v17, $0x4  }
0x68: {  	v13 =	vnsel vm0, $0x0, v13;
	v18 =	vsel vm2, $0x0, v18;
	v21 =	vmpcnt.ones.xlane vm1  }
0x69: {  	vm1 =	vcmask $0x70C;
	vm2 =	vcmask $0xB10;
	v9 =	vadd.s32 v9, v13  }
0x6a: {  	v13 =	vsel vm1, $0x0, v19;
	vm1 =	veq.s32 v17, $0x5;
	v9 =	vadd.s32 v18, v9  }
0x6b: {  	v18 =	vsel vm2, $0x0, v20;
	v19 =	vmpcnt.ones.xlane vm1;
	vm1 =	vcmask $0xF14  }
0x6c: {  	v7 =	vld.idx.msk [tilespmem:v7+s2+$0x0], $0xffff;
	v9 =	vadd.s32 v13, v9;
	v13 =	vsel vm1, $0x0, v21;
	vm1 =	veq.s32 v17, $0x6  }
0x6d: {  	vm2 =	vcmask $0x1318;
	v20 =	vld.idx.msk [tilespmem:v2+s2+$0x0], $0xffff;
	v9 =	vadd.s32 v18, v9;
	v18 =	vmpcnt.ones.xlane vm1  }
0x6e: {  	vm1 =	veq.s32 v17, $0x7;
	v9 =	vadd.s32 v13, v9;
	v13 =	vsel vm2, $0x0, v19  }
0x6f: {  	v8 =	vld.idx.msk [tilespmem:v8+s2+$0x0], $0xffff;
	v19 =	vmpcnt.ones.xlane vm1;
	vm1 =	vcmask $0x171C;
	vm2 =	vcmask $0x1B20  }
0x70: {  	v9 =	vadd.s32 v13, v9;
	v13 =	vsel vm1, $0x0, v18;
	vm1 =	veq.s32 v17, $0x8  }
0x71: {  	v10 =	vld.idx.msk [tilespmem:v10+s2+$0x0], $0xffff;
	v9 =	vadd.s32 v13, v9;
	v13 =	vmpcnt.ones.xlane vm1;
	vm1 =	veq.s32 v17, $0x9  }
0x72: {  	v18 =	vsel vm2, $0x0, v19;
	vm2 =	veq.s32 v17, $0xA;
	v19 =	vmpcnt.ones.xlane vm1  }
0x73: {  	vm1 =	vgt.f32 v7, v20;
	v9 =	vadd.s32 v18, v9;
	v16 =	vld.idx.msk [tilespmem:v16+s2+$0x0], $0xffff;
	v13 =	vsel vm3, $0x0, v13  }
0x74: {  	v18 =	vmpcnt.ones.xlane vm2;
	v7 =	vsel vm1, v7, v20;
	vm3 =	veq.s32 v17, $0xB  }
0x75: {  	vm2 =	vgt.f32 v8, v7;
	v13 =	vadd.s32 v13, v9;
	v19 =	vsel vm9, $0x0, v19;
	v11 =	vld.idx.msk [tilespmem:v11+s2+$0x0], $0xffff  }
0x76: {  	vm4 =	veq.s32 v17, $0xC;
	v20 =	vmpcnt.ones.xlane vm3;
	v7 =	vsel vm2, v8, v7  }
0x77: {  	v13 =	vadd.s32 v19, v13;
	vm3 =	vgt.f32 v10, v7;
	v9 =	vld.idx.msk [tilespmem:v15+s2+$0x0], $0xffff;
	v15 =	vsel vm11, $0x0, v18  }
.Ltmp0:
0x78: {  	vm5 =	veq.s32 v17, $0xD;
	v7 =	vsel vm3, v10, v7;
	v18 =	vmpcnt.ones.xlane vm4;
	(pc) =	sbr.rel @p0 .LBB2_2-.Ltmp0, $4  }
0x79: {  	vm4 =	vgt.f32 v16, v7;
	v8 =	vld.idx.msk [tilespmem:v12+s2+$0x0], $0xffff;
	v12 =	vadd.s32 v15, v13;
	v13 =	vsel vm10, $0x0, v20  }
0x7a: {  	vm6 =	veq.s32 v17, $0xE;
	v10 =	vmpcnt.ones.xlane vm5;
	v15 =	vsel vm4, v16, v7  }
0x7b: {  	vm5 =	vgt.f32 v11, v15;
	v12 =	vadd.s32 v13, v12;
	v13 =	vsel vm12, $0x0, v18;
	v7 =	vld.idx.msk [tilespmem:v14+s2+$0x0], $0xffff  }
0x7c: {  	s13 =	sadd.s32 $0x10, s13;
	vm7 =	veq.s32 v17, $0xF;
	v14 =	vsel vm5, v11, v15;
	v11 =	vmpcnt.ones.xlane vm6  }
0x7d: {  	_ = 	snop  }
0x7e: {  	vm6 =	vgt.f32 v9, v14  }
0x7f: {  	v43 =	vsel vm1, $0x1, v1;
	v44 =	vor.u32 $0xD, v2;
	v15 =	vmpcnt.ones.xlane vm7  }
0x80: {  	v45 =	vor.u32 $0xE, v2;
	v12 =	vadd.s32 v13, v12;
	v10 =	vsel vm13, $0x0, v10  }
0x81: {  	v6 =	vld.idx.msk [tilespmem:v6+s2+$0x0], $0xffff;
	v2 =	vor.u32 $0xF, v2;
	v49 =	vmov s12;
	v9 =	vsel vm6, v9, v14  }
0x82: {  	vm7 =	vcmask $0xB10;
	vm8 =	vcmask $0xF14;
	vm1 =	vgt.f32 v8, v9  }
0x83: {  	v5 =	vld.idx.msk [tilespmem:v5+s2+$0x0], $0xffff;
	v14 =	vsel vm2, $0x2, v43;
	v10 =	vadd.s32 v10, v12;
	v8 =	vsel vm1, v8, v9  }
0x84: {  	v11 =	vsel vm14, $0x0, v11;
	v52 =	vshll.u32 v49, $0x4;
	vm2 =	vgt.f32 v7, v8  }
0x85: {  	v4 =	vld.idx.msk [tilespmem:v4+s2+$0x0], $0xffff;
	v14 =	vsel vm3, $0x3, v14;
	v47 =	vadd.s32 v11, v10;
	v7 =	vsel vm2, v7, v8  }
0x86: {  	v48 =	vsel vm15, $0x0, v15;
	v53 =	vor.u32 v0, v52;
	vm3 =	vgt.f32 v6, v7  }
0x87: {  	v3 =	vld.idx.msk [tilespmem:v3+s2+$0x0], $0xffff;
	v14 =	vsel vm4, $0x4, v14;
	v50 =	vadd.s32 v48, v47;
	v6 =	vsel vm3, v6, v7  }
0x88: {  	v54 =	vor.u32 $0x1, v53;
	v14 =	vsel vm5, $0x5, v14;
	vm4 =	vgt.f32 v5, v6  }
0x89: {  	v55 =	vor.u32 $0x7, v53;
	v46 =	vsel vm6, $0x6, v14;
	v9 =	vld.idx.msk [tilespmem:v44+s2+$0x0], $0xffff;
	v5 =	vsel vm4, v5, v6  }
0x8a: {  	v56 =	vor.u32 $0x6, v53;
	v7 =	vsel vm1, $0x7, v46;
	vm1 =	vgt.f32 v4, v5  }
0x8b: {  	v57 =	vor.u32 $0x4, v53;
	v58 =	vor.u32 $0x3, v53;
	v8 =	vld.idx.msk [tilespmem:v45+s2+$0x0], $0xffff;
	v4 =	vsel vm1, v4, v5  }
0x8c: {  	v28 =	vor.u32 $0x9, v53;
	v51 =	vsel vm2, $0x8, v7;
	vm2 =	vgt.f32 v3, v4  }
0x8d: {  	v29 =	vor.u32 $0xA, v53;
	v2 =	vld.idx.msk [tilespmem:v2+s2+$0x0], $0xffff;
	v6 =	vsel vm3, $0x9, v51;
	v3 =	vsel vm2, v3, v4  }
0x8e: {  	v32 =	vor.u32 $0xC, v53;
	v6 =	vsel vm4, $0xA, v6;
	vm3 =	vgt.f32 v9, v3  }
0x8f: {  	v35 =	vor.u32 $0xD, v53;
	v6 =	vsel vm1, $0xB, v6;
	v3 =	vsel vm3, v9, v3  }
0x90: {  	v37 =	vor.u32 $0xE, v53;
	v6 =	vsel vm2, $0xC, v6;
	vm1 =	vgt.f32 v8, v3  }
0x91: {  	vm5 =	vcmask $0x308;
	v6 =	vsel vm3, $0xD, v6;
	v3 =	vsel vm1, v8, v3  }
0x92: {  	vm6 =	vcmask $0x70C;
	v6 =	vsel vm1, $0xE, v6;
	vm1 =	vgt.f32 v2, v3  }
0x93: {  	v7 =	vor.u32 $0x8, v53;
	v4 =	vor.u32 $0xF, v53;
	v6 =	vsel vm1, $0xF, v6  }
0x94: {  	s11 =	sadd.s32 $0x80, s11;
	v2 =	vor.u32 $0x5, v53;
	v3 =	vor.u32 $0x2, v53;
	vm1 =	veq.s32 v6, $0x0  }
0x95: {  	[tilespmem:s11+$0x0] =	vst v6;
	vm2 =	veq.s32 v6, $0x1;
	vm3 =	veq.s32 v6, $0x2;
	v59 =	vmpcnt.ones.xlane vm1  }
0x96: {  	v9 =	vld.idx.msk [tilespmem:v54+s2+$0x0], $0xffff;
	v60 =	vmpcnt.ones.xlane vm2;
	vm1 =	veq.s32 v6, $0x3;
	v61 =	vmpcnt.ones.xlane vm3  }
0x97: {  	v16 =	vld.idx.msk [tilespmem:v53+s2+$0x0], $0xffff;
	vm2 =	veq.s32 v6, $0x7;
	v17 =	vmpcnt.ones.xlane vm1;
	vm1 =	veq.s32 v6, $0x4  }
0x98: {  	v21 =	vmpcnt.ones.xlane vm2;
	v13 =	vnsel vm0, $0x0, v59;
	v14 =	vsel vm5, $0x0, v60  }
0x99: {  	v18 =	vmpcnt.ones.xlane vm1;
	vm1 =	veq.s32 v6, $0x5;
	v3 =	vld.idx.msk [tilespmem:v3+s2+$0x0], $0xffff;
	v15 =	vsel vm6, $0x0, v61  }
0x9a: {  	vm5 =	vcmask $0x1318;
	v19 =	vmpcnt.ones.xlane vm1;
	vm1 =	veq.s32 v6, $0x6  }
0x9b: {  	v12 =	vld.idx.msk [tilespmem:v58+s2+$0x0], $0xffff;
	vm6 =	vcmask $0x1F24;
	v20 =	vmpcnt.ones.xlane vm1;
	vm1 =	veq.s32 v6, $0x8  }
0x9c: {  	v22 =	vmpcnt.ones.xlane vm1;
	vm1 =	veq.s32 v6, $0x9;
	vm2 =	vgt.f32 v9, v16  }
0x9d: {  	v11 =	vld.idx.msk [tilespmem:v57+s2+$0x0], $0xffff;
	v23 =	vmpcnt.ones.xlane vm1;
	vm1 =	veq.s32 v6, $0xA;
	v9 =	vsel vm2, v9, v16  }
0x9e: {  	v62 =	vmpcnt.ones.xlane vm1;
	vm1 =	veq.s32 v6, $0xB;
	vm3 =	vgt.f32 v3, v9  }
0x9f: {  	v2 =	vld.idx.msk [tilespmem:v2+s2+$0x0], $0xffff;
	v3 =	vsel vm3, v3, v9;
	v63 =	vmpcnt.ones.xlane vm1;
	vm1 =	veq.s32 v6, $0xC  }
0xa0: {  	vm4 =	vgt.f32 v12, v3;
	v24 =	vmpcnt.ones.xlane vm1;
	vm1 =	veq.s32 v6, $0xD  }
0xa1: {  	v8 =	vld.idx.msk [tilespmem:v56+s2+$0x0], $0xffff;
	v3 =	vsel vm4, v12, v3;
	v26 =	vmpcnt.ones.xlane vm1;
	vm1 =	veq.s32 v6, $0xE  }
0xa2: {  	v5 =	vadd.s32 v50, v13;
	v27 =	vmpcnt.ones.xlane vm1;
	vm1 =	vgt.f32 v11, v3  }
0xa3: {  	v10 =	vld.idx.msk [tilespmem:v55+s2+$0x0], $0xffff;
	v17 =	vsel vm7, $0x0, v17;
	vm7 =	vcmask $0x1B20;
	v3 =	vsel vm1, v11, v3  }
0xa4: {  	v5 =	vadd.s32 v14, v5;
	v30 =	vsel vm2, $0x1, v1;
	vm2 =	vgt.f32 v2, v3  }
0xa5: {  	v7 =	vld.idx.msk [tilespmem:v7+s2+$0x0], $0xffff;
	v31 =	vsel vm8, $0x0, v18;
	v5 =	vadd.s32 v15, v5;
	v2 =	vsel vm2, v2, v3  }
0xa6: {  	v15 =	vsel vm3, $0x2, v30;
	v3 =	vor.u32 $0xB, v53;
	vm3 =	vgt.f32 v8, v2  }
0xa7: {  	v14 =	vld.idx.msk [tilespmem:v28+s2+$0x0], $0xffff;
	vm8 =	vcmask $0x171C;
	v36 =	vsel vm7, $0x0, v21;
	v2 =	vsel vm3, v8, v2  }
0xa8: {  	v33 =	vsel vm5, $0x0, v19;
	v15 =	vsel vm4, $0x3, v15;
	vm4 =	vgt.f32 v10, v2  }
0xa9: {  	v5 =	vadd.s32 v17, v5;
	v34 =	vsel vm8, $0x0, v20;
	v11 =	vld.idx.msk [tilespmem:v29+s2+$0x0], $0xffff;
	v2 =	vsel vm4, v10, v2  }
0xaa: {  	v5 =	vadd.s32 v31, v5;
	v15 =	vsel vm1, $0x4, v15;
	vm1 =	vgt.f32 v7, v2  }
0xab: {  	v38 =	vsel vm6, $0x0, v22;
	v5 =	vadd.s32 v33, v5;
	v3 =	vld.idx.msk [tilespmem:v3+s2+$0x0], $0xffff;
	v2 =	vsel vm1, v7, v2  }
0xac: {  	v5 =	vadd.s32 v34, v5;
	v15 =	vsel vm2, $0x5, v15;
	vm2 =	vgt.f32 v14, v2  }
0xad: {  	v39 =	vsel vm9, $0x0, v23;
	v5 =	vadd.s32 v36, v5;
	v8 =	vld.idx.msk [tilespmem:v32+s2+$0x0], $0xffff;
	v2 =	vsel vm2, v14, v2  }
0xae: {  	v42 =	vsel vm10, $0x0, v63;
	v15 =	vsel vm3, $0x6, v15;
	vm3 =	vgt.f32 v11, v2  }
0xaf: {  	v5 =	vadd.s32 v38, v5;
	v15 =	vsel vm4, $0x7, v15;
	v10 =	vld.idx.msk [tilespmem:v35+s2+$0x0], $0xffff;
	v2 =	vsel vm3, v11, v2  }
0xb0: {  	v44 =	vsel vm12, $0x0, v24;
	v40 =	vsel vm1, $0x8, v15;
	vm1 =	vgt.f32 v3, v2  }
0xb1: {  	v5 =	vadd.s32 v39, v5;
	v45 =	vsel vm13, $0x0, v26;
	v7 =	vld.idx.msk [tilespmem:v37+s2+$0x0], $0xffff;
	v2 =	vsel vm1, v3, v2  }
0xb2: {  	v46 =	vsel vm14, $0x0, v27;
	v14 =	vsel vm2, $0x9, v40;
	vm2 =	vgt.f32 v8, v2  }
0xb3: {  	v4 =	vld.idx.msk [tilespmem:v4+s2+$0x0], $0xffff;
	v41 =	vsel vm3, $0xA, v14;
	v3 =	vsel vm11, $0x0, v62;
	v2 =	vsel vm2, v8, v2  }
0xb4: {  	v43 =	vsel vm1, $0xB, v41;
	v3 =	vadd.s32 v3, v5;
	vm1 =	vgt.f32 v10, v2  }
0xb5: {  	v3 =	vadd.s32 v42, v3;
	v5 =	vsel vm2, $0xC, v43;
	v2 =	vsel vm1, v10, v2  }
0xb6: {  	v3 =	vadd.s32 v44, v3;
	v5 =	vsel vm1, $0xD, v5;
	vm1 =	vgt.f32 v7, v2  }
0xb7: {  	vm2 =	veq.s32 v6, $0xF;
	v3 =	vadd.s32 v45, v3;
	v2 =	vsel vm1, v7, v2  }
0xb8: {  	v5 =	vsel vm1, $0xE, v5;
	vm1 =	vgt.f32 v4, v2;
	v2 =	vmpcnt.ones.xlane vm2  }
0xb9: {  	v3 =	vadd.s32 v46, v3;
	v5 =	vsel vm1, $0xF, v5  }
0xba: {  	vm1 =	veq.s32 v5, $0x0;
	v2 =	vsel vm15, $0x0, v2;
	vm2 =	veq.s32 v5, $0x1  }
0xbb: {  	v47 =	vmpcnt.ones.xlane vm1;
	vm1 =	veq.s32 v5, $0x2;
	v48 =	vmpcnt.ones.xlane vm2  }
0xbc: {  	vm2 =	veq.s32 v5, $0x3;
	v2 =	vadd.s32 v2, v3;
	v49 =	vmpcnt.ones.xlane vm1  }
0xbd: {  	v3 =	vmpcnt.ones.xlane vm2;
	vm1 =	veq.s32 v5, $0x4;
	vm2 =	vcmask $0x308  }
0xbe: {  	v4 =	vnsel vm0, $0x0, v47;
	v6 =	vsel vm2, $0x0, v48;
	v50 =	vmpcnt.ones.xlane vm1  }
0xbf: {  	vm1 =	vcmask $0x70C;
	vm2 =	vcmask $0xB10;
	v2 =	vadd.s32 v2, v4  }
0xc0: {  	v51 =	vsel vm1, $0x0, v49;
	vm1 =	veq.s32 v5, $0x5;
	v3 =	vsel vm2, $0x0, v3  }
0xc1: {  	vm2 =	vcmask $0xF14;
	v2 =	vadd.s32 v6, v2;
	v52 =	vmpcnt.ones.xlane vm1  }
0xc2: {  	vm1 =	veq.s32 v5, $0x6;
	v53 =	vsel vm2, $0x0, v50;
	v2 =	vadd.s32 v51, v2  }
0xc3: {  	vm2 =	vcmask $0x1318;
	v2 =	vadd.s32 v3, v2;
	v3 =	vmpcnt.ones.xlane vm1  }
0xc4: {  	vm1 =	veq.s32 v5, $0x7;
	v54 =	vsel vm2, $0x0, v52;
	v2 =	vadd.s32 v53, v2  }
0xc5: {  	v55 =	vmpcnt.ones.xlane vm1;
	vm1 =	veq.s32 v5, $0x8;
	v2 =	vadd.s32 v54, v2  }
0xc6: {  	v3 =	vsel vm8, $0x0, v3;
	v56 =	vmpcnt.ones.xlane vm1;
	vm1 =	veq.s32 v5, $0x9  }
0xc7: {  	v2 =	vadd.s32 v3, v2;
	v3 =	vsel vm7, $0x0, v55;
	v57 =	vmpcnt.ones.xlane vm1  }
0xc8: {  	vm1 =	veq.s32 v5, $0xA;
	v2 =	vadd.s32 v3, v2;
	v3 =	vsel vm6, $0x0, v56  }
0xc9: {  	v58 =	vmpcnt.ones.xlane vm1;
	vm1 =	veq.s32 v5, $0xB;
	v2 =	vadd.s32 v3, v2  }
0xca: {  	v3 =	vsel vm9, $0x0, v57;
	v59 =	vmpcnt.ones.xlane vm1;
	vm1 =	veq.s32 v5, $0xC  }
0xcb: {  	v2 =	vadd.s32 v3, v2;
	v3 =	vsel vm11, $0x0, v58;
	v60 =	vmpcnt.ones.xlane vm1  }
0xcc: {  	vm1 =	veq.s32 v5, $0xD;
	v2 =	vadd.s32 v3, v2;
	v3 =	vsel vm10, $0x0, v59  }
0xcd: {  	v61 =	vmpcnt.ones.xlane vm1;
	vm1 =	veq.s32 v5, $0xE;
	v2 =	vadd.s32 v3, v2  }
0xce: {  	v3 =	vsel vm12, $0x0, v60;
	v62 =	vmpcnt.ones.xlane vm1;
	vm1 =	veq.s32 v5, $0xF  }
0xcf: {  	v63 =	vmpcnt.ones.xlane vm1;
	v2 =	vadd.s32 v3, v2;
	v3 =	vsel vm13, $0x0, v61  }
0xd0: {  	v2 =	vadd.s32 v3, v2;
	v3 =	vsel vm14, $0x0, v62  }
0xd1: {  	s11 =	sadd.s32 $0x80, s11;
	v2 =	vadd.s32 v3, v2;
	v3 =	vsel vm15, $0x0, v63  }
0xd2: {  	[tilespmem:s11+$0x0] =	vst v5;
	v2 =	vadd.s32 v3, v2  }
0xd3: {  	[tilespmem:$0x3000] =	vst v2  }
0xd4: {  	[hbm4b:s4+s2] =	stream.linear.scatter [tilespmem:s8], [sflag:$0x1], $0x1000, $0x38;
	[tilespmem:$0x3080] =	vst v63  }
0xd5: {  	s10 =	sadd.s32 $0x1, s10;
	_ =	swait.ge [sflag:s7], $0x1000  }
0xd6: {  	p0 =	sne.s32 s10, s6;
	[sflag:s7] =	ssyncset.done $0x0  }
.Ltmp1:
0xd7: {  	[sflag:s7] =	ssyncadd.s32 $0xFFFFF000;
	(pc) =	sbr.rel @p0 .LBB2_1-.Ltmp1, $4  }
0xd8: {  	[hbm4b:s5+s2] =	stream.linear.scatter [tilespmem:s9], [sflag:$0x1], $0x80, $0x38;
	[tilespmem:$0x3080] =	vst v63  }
0xd9: {  	_ =	swait.ge [sflag:s7], $0x80  }
0xda: {  	[sflag:s7] =	ssyncset.done $0x0  }
0xdb: {  	[sflag:s7] =	ssyncadd.s32 $0xFFFFFF80  }
0xdc: {  	_ =	sfence.sel $0x180000  }
0xdd: {  	[bflag:$0x0] =	sbarrier.arrive $0xFFFF  }
0xde: {  	p0 =	sne.s32 s1, $0x0;
	_ =	strace $0x90000047  }
0xdf: {  	s0 =	sadd.s32 @!p0 $0x100000, s0;
	[bflag:$0x2] =	sbarrier.arrive $0xFFFF  }
0xe0: {  	[sflag:s0] =	ssyncadd.tile.s32 @!p0 $0x1;
	_ =	shalt  }
.Lfunc_end2:
_tile_overlayer_lowered:
.L_overlay_start_2:
0xe1: {  	(tag) =	ssettag $0x2  }
0xe2: {  	s0 =	rddreg [dreg:$0x0];
	s2 =	stileid.u32  }
0xe3: {  	s1 =	rddreg [dreg:$0x1];
	p0 =	sne.s32 s2, $0x0  }
0xe4: {  	s3 =	rddreg [dreg:$0x2];
	[bflag:$0x3] =	sbarrier.arrive $0xFFFF;
	s2 =	simm.s32 @!p0 $0x1C01  }
0xe5: {  	[timem:s3], [sflag:s2] =	dma.local @!p0 [hbm:s0], s1  }
0xe6: {  	s0 =	simm.s32 @!p0 $0x1  }
0xe7: {  	_ =	swait.ge @!p0 [sflag:s0], s1  }
0xe8: {  	s1 =	ssub.s32 @!p0 $0x0, s1;
	[sflag:s0] =	ssyncset.done @!p0 $0x0  }
0xe9: {  	[sflag:s0] =	ssyncadd.s32 @!p0 s1  }
0xea: {  	[bflag:$0x3] =	sbarrier.arrive $0xFFFF  }
0xeb: {  	_ =	shalt  }

// kernel: _run.7.cloned.1.call-start
scs
__scs_entry_jumppad:
0x0: {  	(pc) =	sbr.rel $0x88, $3  }
0x1: {  	(tag) =	ssettag $0x0;
	lr =	simm.s32 $0x1  }
0x2: {  	[smem:$0x3F9F] =	sst lr;
	_ =	strace $0xD0000000  }
0x3: {  	_ = 	snop  }
0x4: {  	_ = 	snop  }
0x5: {  	_ = 	snop  }
0x6: {  	_ = 	snop  }
0x7: {  	_ = 	snop  }
__scs_overlays_trampoline_lowered:
0x8: {  	[smem:$0x3FAE] =	sst s0  }
0x9: {  	[smem:$0x3FAF] =	sst s1  }
0xa: {  	[smem:$0x3FB0] =	sst s2  }
0xb: {  	[smem:$0x3FB1] =	sst s3  }
0xc: {  	[smem:$0x3FB2] =	sst s4  }
0xd: {  	[smem:$0x3FB3] =	sst s5  }
0xe: {  	[smem:$0x3FB4] =	sst s6  }
0xf: {  	[smem:$0x3FB5] =	sst s7  }
0x10: {  	[smem:$0x3FB6] =	sst s8  }
0x11: {  	[smem:$0x3FB7] =	sst s9;
	s0 =	simm.s32 @!p0 $0x0  }
0x12: {  	s1 =	sld [smem:$0x3F9D];
	s0 =	simm.s32 @p0 $0x1  }
0x13: {  	[smem:$0x3FB8] =	sst s0;
	s0 =	simm.s32 @!p1 $0x0  }
0x14: {  	s2 =	sld [smem:$0x3F9C];
	s0 =	simm.s32 @p1 $0x1  }
0x15: {  	[smem:$0x3FB9] =	sst s0;
	s0 =	simm.s32 @!p2 $0x0  }
0x16: {  	s3 =	sld [smem:$0x3FDB];
	s0 =	simm.s32 @p2 $0x1  }
0x17: {  	s4 =	simm.s32 $0x1BF5;
	[smem:$0x3FBB] =	sst s0  }
0x18: {  	s0 =	sld [smem:$0x3F9E];
	_ =	swait.ge [sflag:s4], $0x0  }
0x19: {  	s7 =	sld [smem:$0x3F9F]  }
0x1a: {  	s8 =	sadd.s32 $0xFFFFE003, lr  }
0x1b: {  	s9 =	sadd.s32 $0xFFFFFEF7, lr;
	s5 =	simm.s32 $0xFFFFFFFF;
	p2 =	slt.u32 s8, $0xFFFFF086  }
0x1c: {  	p1 =	slt.u32 s9, $0xF7A;
	s5 =	simm.s32 @!p2 $0x0  }
0x1d: {  	s5 =	simm.s32 @p1 $0x1;
	p0 =	seq.s32 s7, s2  }
0x1e: {  	s7 =	smul.u32 @!p0 $0xF7A, s2;
	p2 =	seq.s32 @!p0 s5, $0x0  }
0x1f: {  	s9 =	smul.u32 $0xF7A, s1;
	s8 =	simm.s32 @!p0 $0x1BF5;
	p2 =	por !p2, p0  }
0x20: {  	[sflag:s8] =	ssyncset.s32 @!p0 $0xFFFFF086;
	s6 =	sadd.s32 @!p0 s3, s7;
	s7 =	simm.s32 @!p0 $0x108  }
0x21: {  	s3 =	sadd.s32 s3, s9;
	s6 =	sadd.s32 @!p0 $0x88, s6;
	s7 =	simm.s32 @p2 $0x1082  }
0x22: {  	[simem:s7], [sflag:s8] =	dma.local @!p0 [hbm:s6], $0xF7A  }
0x23: {  	s9 =	sor.u32 $0xD0000000, s2;
	s6 =	simm.s32 $0x108;
	_ =	swait.ge @!p0 [sflag:s8], $0x0  }
0x24: {  	s3 =	sadd.s32 $0x88, s3;
	s6 =	simm.s32 @!p1 $0x1082;
	[sflag:s4] =	ssyncset.s32 $0xFFFFF086  }
0x25: {  	[simem:s6], [sflag:s4] =	dma.local [hbm:s3], $0xF7A  }
0x26: {  	[smem:$0x3F9F] =	sst s1;
	(tag) =	ssettag s2;
	_ =	strace s9  }
0x27: {  	s1 =	sld [smem:$0x3FAF]  }
0x28: {  	s2 =	sld [smem:$0x3FB0]  }
0x29: {  	s4 =	sld [smem:$0x3FB2]  }
0x2a: {  	p0 =	seq.s32 s5, $0x0;
	s5 =	sld [smem:$0x3FB3]  }
0x2b: {  	s6 =	sld [smem:$0x3FB4]  }
0x2c: {  	s7 =	sld [smem:$0x3FB5]  }
0x2d: {  	s3 =	simm.s32 $0x108;
	s8 =	sld [smem:$0x3FB6]  }
0x2e: {  	s3 =	simm.s32 @!p0 $0x1082;
	s9 =	sld [smem:$0x3FB7]  }
0x2f: {  	lr =	sadd.s32 s0, s3;
	s0 =	sld [smem:$0x3FAE]  }
0x30: {  	s3 =	sld [smem:$0x3FB1]  }
0x31: {  	[smem:$0x3FBA] =	sst s10  }
0x32: {  	s10 =	sld [smem:$0x3FB8];
	_ =	sdelay $0x3  }
0x33: {  	p0 =	seq.s32 s10, $0x1;
	s10 =	sld [smem:$0x3FBA];
	_ =	sdelay $0x3  }
0x34: {  	[smem:$0x3FBA] =	sst s10  }
0x35: {  	s10 =	sld [smem:$0x3FB9];
	_ =	sdelay $0x3  }
0x36: {  	p1 =	seq.s32 s10, $0x1;
	s10 =	sld [smem:$0x3FBA];
	_ =	sdelay $0x3  }
0x37: {  	[smem:$0x3FBA] =	sst s10  }
0x38: {  	s10 =	sld [smem:$0x3FBB]  }
0x39: {  	_ = 	snop;
	(pc) =	sbr.ind lr, $3  }
0x3a: {  	_ = 	snop  }
0x3b: {  	_ = 	snop  }
0x3c: {  	p2 =	seq.s32 s10, $0x1;
	s10 =	sld [smem:$0x3FBA]  }
0x3d: {  	_ =	shalt  }
0x3e: {  	_ =	shalt  }
0x3f: {  	_ =	shalt  }
0x40: {  	_ =	shalt  }
0x41: {  	_ =	shalt  }
0x42: {  	_ =	shalt  }
0x43: {  	_ =	shalt  }
0x44: {  	_ =	shalt  }
0x45: {  	_ =	shalt  }
0x46: {  	_ =	shalt  }
0x47: {  	_ =	shalt  }
0x48: {  	_ =	shalt  }
0x49: {  	_ =	shalt  }
0x4a: {  	_ =	shalt  }
0x4b: {  	_ =	shalt  }
0x4c: {  	_ =	shalt  }
0x4d: {  	_ =	shalt  }
0x4e: {  	_ =	shalt  }
0x4f: {  	_ =	shalt  }
0x50: {  	_ =	shalt  }
0x51: {  	_ =	shalt  }
0x52: {  	_ =	shalt  }
0x53: {  	_ =	shalt  }
0x54: {  	_ =	shalt  }
0x55: {  	_ =	shalt  }
0x56: {  	_ =	shalt  }
0x57: {  	_ =	shalt  }
0x58: {  	_ =	shalt  }
0x59: {  	_ =	shalt  }
0x5a: {  	_ =	shalt  }
0x5b: {  	_ =	shalt  }
0x5c: {  	_ =	shalt  }
0x5d: {  	_ =	shalt  }
0x5e: {  	_ =	shalt  }
0x5f: {  	_ =	shalt  }
0x60: {  	_ =	shalt  }
0x61: {  	_ =	shalt  }
0x62: {  	_ =	shalt  }
0x63: {  	_ =	shalt  }
0x64: {  	_ =	shalt  }
0x65: {  	_ =	shalt  }
0x66: {  	_ =	shalt  }
0x67: {  	_ =	shalt  }
0x68: {  	_ =	shalt  }
0x69: {  	_ =	shalt  }
0x6a: {  	_ =	shalt  }
0x6b: {  	_ =	shalt  }
0x6c: {  	_ =	shalt  }
0x6d: {  	_ =	shalt  }
0x6e: {  	_ =	shalt  }
0x6f: {  	_ =	shalt  }
0x70: {  	_ =	shalt  }
0x71: {  	_ =	shalt  }
0x72: {  	_ =	shalt  }
0x73: {  	_ =	shalt  }
0x74: {  	_ =	shalt  }
0x75: {  	_ =	shalt  }
0x76: {  	_ =	shalt  }
0x77: {  	_ =	shalt  }
0x78: {  	_ =	shalt  }
0x79: {  	_ =	shalt  }
0x7a: {  	_ =	shalt  }
0x7b: {  	_ =	shalt  }
0x7c: {  	_ =	shalt  }
0x7d: {  	_ =	shalt  }
0x7e: {  	_ =	shalt  }
0x7f: {  	_ =	shalt  }
0x80: {  	_ =	shalt  }
0x81: {  	_ =	shalt  }
0x82: {  	_ =	shalt  }
0x83: {  	_ =	shalt  }
0x84: {  	_ =	shalt  }
0x85: {  	_ =	shalt  }
0x86: {  	_ =	shalt  }
0x87: {  	_ =	shalt  }
.Lfunc_end0:
.L_simem_size_0:
called_computation.1_lowered:
.L_overlay_start_0:
0x88: {  	s2 =	sld [smem:$0x3FD9]  }
0x89: {  	s3 =	sld [smem:$0x3FFE];
	_ =	sdelay $0x1  }
0x8a: {  	s1 =	srdreg.scid  }
0x8b: {  	s0 =	sand.u32 $0x1, s1  }
0x8c: {  	s14 =	sshll.u32 s0, $0xA;
	s2 =	sadd.s32 s3, s2  }
0x8d: {  	s2 =	sadd.s32 s2, s14  }
0x8e: {  	[smem:$0x3FC6] =	sst s2  }
0x8f: {  	_ = 	snop  }
0x90: {  	s2 =	sld [smem:$0x3FD0];
	_ =	sdelay $0x2  }
0x91: {  	s4 =	simm.s32 $0xA;
	s5 =	simm.s32 $0x10;
	s15 =	sld [smem:$0x3FC9]  }
0x92: {  	[smem:s5], [sflag:s4] =	dma.local [hbm:s2], $0x1  }
0x93: {  	_ =	swait.eq [sflag:s4], $0x1  }
0x94: {  	[sflag:s4] =	ssyncset.done $0x0  }
0x95: {  	s16 =	sld [smem:$0x10];
	[sflag:s4] =	ssyncadd.s32 $0xFFFFFFFF  }
0x96: {  	s17 =	sld [smem:$0x12];
	(tm) =	ssettm $0x1  }
0x97: {  	s18 =	sld [smem:$0x3FFB];
	_ =	sdelay $0x3  }
0x98: {  	_ =	strace s18  }
0x99: {  	s5 =	sld [smem:$0x3FFC];
	_ =	sdelay $0x3  }
0x9a: {  	_ =	strace s5  }
0x9b: {  	s5 =	sld [smem:$0x3FFD];
	_ =	sdelay $0x3  }
0x9c: {  	_ =	strace s5  }
0x9d: {  	_ =	strace $0x8FFFFFFF  }
0x9e: {  	s19 =	sld [smem:$0x3FDB];
	_ =	sdelay $0x1  }
0x9f: {  	s6 =	simm.s32 $_scs_section_size  }
0xa0: {  	s7 =	simm.s32 $_size__tile_overlayer_lowered;
	s8 =	simm.s32 $_tile_overlayer_lowered  }
0xa1: {  	s22 =	simm.s32 $0x1BFF;
	s21 =	sshll.u32 s8, $0x1;
	s5 =	sadd.s32 s6, s19  }
0xa2: {  	s9 =	simm.s32 $0x0;
	s20 =	sshll.u32 s7, $0x1;
	s7 =	sadd.s32 s21, s5  }
0xa3: {  	[timem:s9], [sflag:s22] =	dma.local [hbm:s7], s20  }
0xa4: {  	_ =	swait.ge [sflag:s22], s20  }
0xa5: {  	s6 =	ssub.s32 $0x0, s20;
	[sflag:s22] =	ssyncset.done $0x0  }
0xa6: {  	[sflag:s22] =	ssyncadd.s32 s6;
	_ =	sdelay $0x1  }
0xa7: {  	s23 =	simm.s32 $0x1B8B  }
0xa8: {  	_ =	swait.ge [sflag:s23], $0x1  }
0xa9: {  	[sflag:s23] =	ssyncset.done $0x0  }
0xaa: {  	s25 =	simm.s32 $0x1B8E;
	s24 =	sld [smem:$0x3FFE];
	[sflag:s23] =	ssyncadd.s32 $0xFFFFFFFF  }
0xab: {  	s26 =	simm.s32 $execute0_lowered;
	[smem:$0x3FD2] =	sst s25  }
0xac: {  	s7 =	sshll.u32 s26, $0x1;
	_ =	strace $0x80000049;
	[dreg:$0x1] =	wrdreg $0xFFFFFFFF  }
0xad: {  	s28 =	simm.s32 $_size_execute0_lowered;
	s5 =	sadd.s32 s5, s7;
	[dreg:$0x0] =	wrdreg $0x0  }
0xae: {  	s7 =	sshll.u32 s28, $0x1;
	[dreg:$0x2] =	wrdreg s5  }
0xaf: {  	[dreg:$0x3] =	wrdreg s7  }
0xb0: {  	[dreg:$0x4] =	wrdreg $0xC0  }
0xb1: {  	_ =	task [dreg:s9], $0x5FFFF  }
0xb2: {  	[dreg:$0x1] =	wrdreg $0xFFFFFFFF  }
0xb3: {  	[dreg:$0x0] =	wrdreg $0x60  }
0xb4: {  	[dreg:$0x2] =	wrdreg s15  }
0xb5: {  	[dreg:$0x3] =	wrdreg s24  }
0xb6: {  	[dreg:$0x4] =	wrdreg s16  }
0xb7: {  	[dreg:$0x5] =	wrdreg s17  }
0xb8: {  	[dreg:$0x6] =	wrdreg $0x9  }
0xb9: {  	_ =	task.clear_ibuf [dreg:s9], $0x7FFFF;
	_ =	strace $0x90000049  }
0xba: {  	s29 =	simm.s32 $0x9;
	_ =	strace $0x8000004B  }
0xbb: {  	_ =	swait.ge [sflag:s29], $0x1  }
0xbc: {  	[sflag:s29] =	ssyncadd.s32 $0xFFFFFFFF  }
0xbd: {  	_ =	strace $0x9000004B  }
0xbe: {  	_ =	sfence  }
0xbf: {  	s30 =	sld [smem:$0x0];
	_ =	sdelay $0x2  }
0xc0: {  	s31 =	sshll.u32 s1, $0xD;
	s1 =	sshrl.u32 s1, $0x2  }
0xc1: {  	s3 =	sand.u32 $0x4000, s31;
	s1 =	sadd.s32 s1, s30  }
0xc2: {  	s0 =	sor.u32 s3, s0;
	s1 =	sshll.u32 s1, $0x11  }
0xc3: {  	s0 =	sor.u32 s1, s0  }
0xc4: {  	s0 =	sadd.s32 $0x8F2B, s0  }
0xc5: {  	[sflag:s0] =	ssyncadd.remote.s32 $0x1  }
0xc6: {  	_ =	sfence.sel $0xFFFF  }
0xc7: {  	[dreg:$0x0] =	wrdreg $0xFFFFFFFF;
	(pc) =	sbr.abs _section_cstart, $3  }
0xc8: {  	[dreg:$0x1] =	wrdreg $0xFFFFFFFF  }
0xc9: {  	_ =	task.clear_ibuf [dreg:s9], $0x2FFFF;
	_ =	strace $0x9FFFFFFF  }
0xca: {  	(tm) =	ssettm $0x7FFFFFFF  }
0xcb: {  	_ =	shalt  }
tec
execute0_lowered:
.L_overlay_start_1:
0x0: {  	(tag) =	ssettag $0x1  }
0x1: {  	s3 =	srdreg.scid;
	s9 =	stileid.u32  }
0x2: {  	s3 =	sand.u32 $0x1, s3;
	s5 =	sshll.u32 s9, $0x1  }
0x3: {  	s5 =	sor.u32 s3, s5  }
0x4: {  	s0 =	rddreg [dreg:$0x0];
	v4 =	vmov s5  }
0x5: {  	s1 =	rddreg [dreg:$0x1];
	s4 =	simm.s32 $0x0;
	v0 =	vimm.s32 $0x0;
	vm0 =	veq.s32 v4, $0x1F  }
0x6: {  	[smem:$0x7FF] =	sst s4;
	v0 =	vsel vm0, $0xFFFFFFFF, v0  }
0x7: {  	s2 =	rddreg [dreg:$0x2];
	_ =	strace $0x8000004A;
	vm0 =	vgt.u32 v4, $0x1D;
	[tilespmem:$0x1FE10] =	vst v0;
	v0 =	vimm.s32 $0x0  }
0x8: {  	v0 =	vsel vm0, $0xFFFFFFFF, v0  }
0x9: {  	vm0 =	vgt.u32 v4, $0x1C;
	[tilespmem:$0x1FE20] =	vst v0;
	v0 =	vimm.s32 $0x0  }
0xa: {  	v0 =	vsel vm0, $0xFFFFFFFF, v0  }
0xb: {  	vm0 =	vgt.u32 v4, $0x1B;
	[tilespmem:$0x1FE30] =	vst v0;
	v0 =	vimm.s32 $0x0  }
0xc: {  	v0 =	vsel vm0, $0xFFFFFFFF, v0  }
0xd: {  	vm0 =	vgt.u32 v4, $0x1A;
	[tilespmem:$0x1FE40] =	vst v0;
	v0 =	vimm.s32 $0x0  }
0xe: {  	v0 =	vsel vm0, $0xFFFFFFFF, v0  }
0xf: {  	vm0 =	vgt.u32 v4, $0x19;
	[tilespmem:$0x1FE50] =	vst v0;
	v0 =	vimm.s32 $0x0  }
0x10: {  	v0 =	vsel vm0, $0xFFFFFFFF, v0  }
0x11: {  	vm0 =	vgt.u32 v4, $0x18;
	[tilespmem:$0x1FE60] =	vst v0;
	v0 =	vimm.s32 $0x0  }
0x12: {  	v0 =	vsel vm0, $0xFFFFFFFF, v0  }
0x13: {  	vm0 =	vgt.u32 v4, $0x17;
	[tilespmem:$0x1FE70] =	vst v0;
	v0 =	vimm.s32 $0x0  }
0x14: {  	v0 =	vsel vm0, $0xFFFFFFFF, v0  }
0x15: {  	vm0 =	vgt.u32 v4, $0x16;
	[tilespmem:$0x1FE80] =	vst v0;
	v0 =	vimm.s32 $0x0  }
0x16: {  	v0 =	vsel vm0, $0xFFFFFFFF, v0  }
0x17: {  	vm0 =	vgt.u32 v4, $0x15;
	[tilespmem:$0x1FE90] =	vst v0;
	v0 =	vimm.s32 $0x0  }
0x18: {  	v0 =	vsel vm0, $0xFFFFFFFF, v0  }
0x19: {  	vm0 =	vgt.u32 v4, $0x14;
	[tilespmem:$0x1FEA0] =	vst v0;
	v0 =	vimm.s32 $0x0  }
0x1a: {  	v0 =	vsel vm0, $0xFFFFFFFF, v0  }
0x1b: {  	vm0 =	vgt.u32 v4, $0x13;
	[tilespmem:$0x1FEB0] =	vst v0;
	v0 =	vimm.s32 $0x0  }
0x1c: {  	v0 =	vsel vm0, $0xFFFFFFFF, v0  }
0x1d: {  	vm0 =	vgt.u32 v4, $0x12;
	[tilespmem:$0x1FEC0] =	vst v0;
	v0 =	vimm.s32 $0x0  }
0x1e: {  	v0 =	vsel vm0, $0xFFFFFFFF, v0  }
0x1f: {  	vm0 =	vgt.u32 v4, $0x11;
	[tilespmem:$0x1FED0] =	vst v0;
	v0 =	vimm.s32 $0x0  }
0x20: {  	v0 =	vsel vm0, $0xFFFFFFFF, v0  }
0x21: {  	vm0 =	vgt.u32 v4, $0x10;
	[tilespmem:$0x1FEE0] =	vst v0;
	v0 =	vimm.s32 $0x0  }
0x22: {  	v0 =	vsel vm0, $0xFFFFFFFF, v0  }
0x23: {  	vm0 =	vgt.u32 v4, $0xF;
	[tilespmem:$0x1FEF0] =	vst v0;
	v0 =	vimm.s32 $0x0  }
0x24: {  	v5 =	vimm.s32 $0x0;
	v0 =	vsel vm0, $0xFFFFFFFF, v0;
	vm0 =	vgt.u32 v4, $0xE  }
0x25: {  	v5 =	vsel vm0, $0xFFFFFFFF, v5  }
0x26: {  	vm0 =	vgt.u32 v4, $0xD;
	[tilespmem:$0x1FF10] =	vst v5;
	v5 =	vimm.s32 $0x0  }
0x27: {  	v5 =	vsel vm0, $0xFFFFFFFF, v5  }
0x28: {  	vm0 =	vgt.u32 v4, $0xC;
	[tilespmem:$0x1FF20] =	vst v5;
	v5 =	vimm.s32 $0x0  }
0x29: {  	v5 =	vsel vm0, $0xFFFFFFFF, v5  }
0x2a: {  	vm0 =	vgt.u32 v4, $0xB;
	[tilespmem:$0x1FF30] =	vst v5;
	v5 =	vimm.s32 $0x0  }
0x2b: {  	v5 =	vsel vm0, $0xFFFFFFFF, v5  }
0x2c: {  	vm0 =	vgt.u32 v4, $0xA;
	[tilespmem:$0x1FF40] =	vst v5;
	v5 =	vimm.s32 $0x0  }
0x2d: {  	v5 =	vsel vm0, $0xFFFFFFFF, v5  }
0x2e: {  	vm0 =	vgt.u32 v4, $0x9;
	[tilespmem:$0x1FF50] =	vst v5;
	v5 =	vimm.s32 $0x0  }
0x2f: {  	s21 =	simm.s32 $0x2100;
	s28 =	simm.s32 $0x1;
	v5 =	vsel vm0, $0xFFFFFFFF, v5  }
0x30: {  	s29 =	simm.s32 $0x4;
	s30 =	simm.s32 $0x2;
	s31 =	simm.s32 $0x5;
	vm0 =	vgt.u32 v4, $0x8;
	[tilespmem:$0x1FF60] =	vst v5;
	v5 =	vimm.s32 $0x0  }
0x31: {  	s17 =	simm.s32 $0xE100;
	s10 =	sadd.s32 $0x100, s2;
	s11 =	sadd.s32 $0x200, s2;
	v5 =	vsel vm0, $0xFFFFFFFF, v5  }
0x32: {  	s12 =	sadd.s32 $0x300, s2;
	s13 =	sadd.s32 $0x400, s2;
	s14 =	sadd.s32 $0x500, s2;
	vm0 =	vgt.u32 v4, $0x7;
	[tilespmem:$0x1FF70] =	vst v5;
	v5 =	vimm.s32 $0x0  }
0x33: {  	s15 =	sadd.s32 $0x600, s2;
	s25 =	sshll.u32 s9, $0x15;
	s16 =	sadd.s32 $0x700, s2;
	v5 =	vsel vm0, $0xFFFFFFFF, v5  }
0x34: {  	s9 =	simm.s32 $0x11900;
	s7 =	ssub.s32 $0x2, s3;
	s3 =	sshll.u32 s3, $0x14;
	vm0 =	vgt.u32 v4, $0x6;
	[tilespmem:$0x1FF80] =	vst v5;
	v5 =	vimm.s32 $0x0  }
0x35: {  	s6 =	sshll.u32 s5, $0x9;
	s8 =	sshll.u32 s5, $0x11;
	s22 =	sshrl.u32 s7, $0x1;
	v5 =	vsel vm0, $0xFFFFFFFF, v5  }
0x36: {  	s26 =	sor.u32 s3, s25;
	p0 =	sne.s32 s5, $0x0;
	s25 =	simm.s32 $0xF900;
	vm0 =	vgt.u32 v4, $0x5;
	[tilespmem:$0x1FF90] =	vst v5;
	v5 =	vimm.s32 $0x0  }
0x37: {  	s5 =	simm.s32 $0x10100;
	s6 =	sadd.s32 s6, s1;
	s1 =	sadd.s32 $0x5200, s1;
	v5 =	vsel vm0, $0xFFFFFFFF, v5  }
0x38: {  	v3 =	vlaneseq.u32;
	s8 =	sadd.s32 s0, s8;
	s3 =	sor.u32 $0x28000, s26;
	[dreg:$0x5] =	wrdreg s1;
	vm0 =	vgt.u32 v4, $0x4;
	[tilespmem:$0x1FFA0] =	vst v5;
	v5 =	vimm.s32 $0x0  }
0x39: {  	vm15 =	vmmov $0xffff;
	vm5 =	vcmask $0x308;
	s1 =	ssub.s32 s7, s22;
	s23 =	sadd.s32 $0x1000, s8;
	[dreg:$0x6] =	wrdreg s8;
	v5 =	vsel vm0, $0xFFFFFFFF, v5  }
0x3a: {  	vm7 =	vcmask $0x70C;
	s24 =	sadd.s32 $0x2000, s8;
	s6 =	sadd.s32 $0x1200, s6;
	[dreg:$0x7] =	wrdreg s23;
	vm0 =	vgt.u32 v4, $0x3;
	[tilespmem:$0x1FFB0] =	vst v5;
	v5 =	vimm.s32 $0x0  }
0x3b: {  	vm8 =	vcmask $0xB10;
	vm9 =	vcmask $0xF14;
	s3 =	sshrl.u32 s3, $0x3;
	s22 =	simm.s32 $0x2900;
	[dreg:$0x8] =	wrdreg s24;
	v5 =	vsel vm0, $0xFFFFFFFF, v5  }
0x3c: {  	vm10 =	vcmask $0x1318;
	s7 =	simm.s32 $0x10900;
	s8 =	simm.s32 $0x11100;
	[dreg:$0x9] =	wrdreg s6;
	vm0 =	vgt.u32 v4, $0x2;
	[tilespmem:$0x1FFC0] =	vst v5;
	v5 =	vimm.s32 $0x0  }
0x3d: {  	vm11 =	vcmask $0x171C;
	vm12 =	vcmask $0x272C;
	s1 =	smax.u32 s1, $0x1;
	s6 =	sor.u32 $0x20000, s26;
	s18 =	sadd.s32 s3, s0;
	v5 =	vsel vm0, $0xFFFFFFFF, v5  }
0x3e: {  	vm13 =	vcmask $0x3338;
	s23 =	simm.s32 $0x3100;
	s3 =	simm.s32 $0x0;
	s24 =	simm.s32 $0xF100;
	vm0 =	vgt.u32 v4, $0x1;
	[tilespmem:$0x1FFD0] =	vst v5;
	v5 =	vimm.s32 $0x0  }
0x3f: {  	[dreg:$0xa] =	wrdreg s1;
	s1 =	sor.u32 $0x18000, s26;
	s6 =	sshrl.u32 s6, $0x3;
	[tilespmem:$0x1FF00] =	vst v0;
	v5 =	vsel vm0, $0xFFFFFFFF, v5;
	vm0 =	veq.s32 v4, $0x0;
	v4 =	vimm.s32 $0x0  }
0x40: {  	v2 =	vshrl.u32 v3, $0x3;
	v1 =	vand.u32 $0x7, v3;
	s26 =	simm.s32 $0x2000;
	s1 =	sshrl.u32 s1, $0x3;
	s19 =	sadd.s32 s6, s0;
	[tilespmem:$0x1FFE0] =	vst v5;
	v4 =	vsel vm0, $0xFFFFFFFF, v4  }
0x41: {  	v3 =	vor.u32 $0x8, v3;
	v2 =	vmul.u32 $0x8, v2;
	s6 =	simm.s32 $0xE900;
	s20 =	sadd.s32 s1, s0;
	s1 =	simm.s32 $0xA100;
	v0 =	vimm.s32 $0x0;
	[tilespmem:$0x1FFF0] =	vst v4  }
.LBB2_1:
0x42: {  	[dreg:$0xb] =	wrdreg s3  }
0x43: {  	s0 =	rddreg [dreg:$0x6]  }
0x44: {  	[tilespmem:s21], [sflag:$0x1] =	stream.linear.gather [hbm4b:s0+s4], $0x8000, $0x38;
	[tilespmem:$0x1A100] =	vst v63  }
0x45: {  	s3 =	rddreg [dreg:$0x7]  }
0x46: {  	[tilespmem:s1], [sflag:$0x2] =	stream.linear.gather [hbm4b:s3+s4], $0x8000, $0x38;
	[tilespmem:$0x1A100] =	vst v63  }
0x47: {  	s1 =	rddreg [dreg:$0x8];
	s3 =	simm.s32 $0x12100  }
0x48: {  	[tilespmem:s3], [sflag:$0x3] =	stream.linear.gather [hbm4b:s1+s4], $0x8000, $0x38;
	[tilespmem:$0x1A100] =	vst v63  }
0x49: {  	s3 =	rddreg [dreg:$0x5];
	s1 =	simm.s32 $0x7  }
0x4a: {  	[tilespmem:s4], [sflag:$0x7] =	stream.linear.gather [hbm4b:s3+s4], $0x1000, $0x38;
	[tilespmem:$0x1A100] =	vst v63  }
0x4b: {  	_ =	swait.ge [sflag:s1], $0x1000  }
0x4c: {  	[sflag:s1] =	ssyncset.done $0x0  }
0x4d: {  	s3 =	simm.s32 $0x1000;
	s0 =	rddreg [dreg:$0x9];
	[sflag:s1] =	ssyncadd.s32 $0xFFFFF000  }
0x4e: {  	[tilespmem:s3], [sflag:$0x7] =	stream.linear.gather [hbm4b:s0+s4], $0x1000, $0x38;
	[tilespmem:$0x1A100] =	vst v63  }
0x4f: {  	_ =	swait.ge [sflag:s1], $0x1000  }
0x50: {  	[sflag:s1] =	ssyncset.done $0x0;
	v17 =	vld [tilespmem:$0x1FFF0]  }
0x51: {  	v28 =	vld [tilespmem:$0x1FFE0];
	[sflag:s1] =	ssyncadd.s32 $0xFFFFF000  }
0x52: {  	v4 =	vld [tilespmem:$0x0]  }
0x53: {  	v5 =	vld [tilespmem:$0x80];
	_ =	sdelay $0x3  }
0x54: {  	vm0 =	vnez.u8 v17  }
0x55: {  	v18 =	vld [tilespmem:$0x1FFD0];
	v10 =	vadd.s32 v4, v5;
	v4 =	vsel vm0, $0x0, v4;
	vm0 =	vnez.u8 v28  }
0x56: {  	v6 =	vld [tilespmem:$0x100];
	v5 =	vnsel vm0, $0x0, v5  }
0x57: {  	v4 =	vadd.s32 v4, v5;
	v5 =	vld [tilespmem:$0x1FFC0]  }
0x58: {  	v7 =	vld [tilespmem:$0x180];
	_ =	sdelay $0x2  }
0x59: {  	vm0 =	vnez.u8 v18  }
0x5a: {  	v33 =	vld [tilespmem:$0x1FFB0];
	v10 =	vadd.s32 v6, v10;
	v6 =	vnsel vm0, $0x0, v6;
	vm0 =	vnez.u8 v5  }
0x5b: {  	v8 =	vld [tilespmem:$0x200];
	v4 =	vadd.s32 v6, v4;
	v5 =	vnsel vm0, $0x0, v7  }
0x5c: {  	v4 =	vadd.s32 v5, v4;
	v5 =	vld [tilespmem:$0x1FFA0]  }
0x5d: {  	v9 =	vld [tilespmem:$0x280];
	_ =	sdelay $0x2  }
0x5e: {  	vm0 =	vnez.u8 v33  }
0x5f: {  	v36 =	vld [tilespmem:$0x1FF90];
	v6 =	vnsel vm0, $0x0, v8;
	vm0 =	vnez.u8 v5  }
0x60: {  	v11 =	vld [tilespmem:$0x300];
	v4 =	vadd.s32 v6, v4;
	v5 =	vnsel vm0, $0x0, v9  }
0x61: {  	v4 =	vadd.s32 v5, v4;
	v5 =	vld [tilespmem:$0x1FF80]  }
0x62: {  	v12 =	vld [tilespmem:$0x380];
	_ =	sdelay $0x2  }
0x63: {  	vm0 =	vnez.u8 v36  }
0x64: {  	v39 =	vld [tilespmem:$0x1FF70];
	v6 =	vnsel vm0, $0x0, v11;
	vm0 =	vnez.u8 v5  }
0x65: {  	v13 =	vld [tilespmem:$0x400];
	v4 =	vadd.s32 v6, v4;
	v5 =	vnsel vm0, $0x0, v12  }
0x66: {  	v4 =	vadd.s32 v5, v4;
	v5 =	vld [tilespmem:$0x1FF60]  }
0x67: {  	v14 =	vld [tilespmem:$0x480];
	_ =	sdelay $0x2  }
0x68: {  	vm0 =	vnez.u8 v39  }
0x69: {  	v42 =	vld [tilespmem:$0x1FF50];
	v6 =	vnsel vm0, $0x0, v13;
	vm0 =	vnez.u8 v5  }
0x6a: {  	v15 =	vld [tilespmem:$0x500];
	v4 =	vadd.s32 v6, v4;
	v5 =	vnsel vm0, $0x0, v14  }
0x6b: {  	v4 =	vadd.s32 v5, v4;
	v5 =	vld [tilespmem:$0x1FF40]  }
0x6c: {  	v16 =	vld [tilespmem:$0x580];
	_ =	sdelay $0x2  }
0x6d: {  	vm0 =	vnez.u8 v42  }
0x6e: {  	v45 =	vld [tilespmem:$0x1FF30];
	v6 =	vnsel vm0, $0x0, v15;
	vm0 =	vnez.u8 v5  }
0x6f: {  	v29 =	vld [tilespmem:$0x600];
	v4 =	vadd.s32 v6, v4;
	v5 =	vnsel vm0, $0x0, v16  }
0x70: {  	v4 =	vadd.s32 v5, v4;
	v5 =	vld [tilespmem:$0x1FF20]  }
0x71: {  	v30 =	vld [tilespmem:$0x680];
	_ =	sdelay $0x2  }
0x72: {  	vm0 =	vnez.u8 v45  }
0x73: {  	v48 =	vld [tilespmem:$0x1FF10];
	v6 =	vnsel vm0, $0x0, v29;
	vm0 =	vnez.u8 v5  }
0x74: {  	v32 =	vld [tilespmem:$0x700];
	v4 =	vadd.s32 v6, v4;
	v5 =	vnsel vm0, $0x0, v30  }
0x75: {  	v4 =	vadd.s32 v5, v4;
	v5 =	vld [tilespmem:$0x1FF00]  }
0x76: {  	v34 =	vld [tilespmem:$0x780];
	_ =	sdelay $0x2  }
0x77: {  	vm0 =	vnez.u8 v48  }
0x78: {  	v51 =	vld [tilespmem:$0x1FEF0];
	v6 =	vnsel vm0, $0x0, v32;
	vm0 =	vnez.u8 v5  }
0x79: {  	v35 =	vld [tilespmem:$0x800];
	v4 =	vadd.s32 v6, v4;
	v5 =	vnsel vm0, $0x0, v34  }
0x7a: {  	v4 =	vadd.s32 v5, v4;
	v5 =	vld [tilespmem:$0x1FEE0]  }
0x7b: {  	v37 =	vld [tilespmem:$0x880];
	_ =	sdelay $0x2  }
0x7c: {  	vm0 =	vnez.u8 v51  }
0x7d: {  	v54 =	vld [tilespmem:$0x1FED0];
	v6 =	vnsel vm0, $0x0, v35;
	vm0 =	vnez.u8 v5  }
0x7e: {  	v38 =	vld [tilespmem:$0x900];
	v4 =	vadd.s32 v6, v4;
	v5 =	vnsel vm0, $0x0, v37  }
0x7f: {  	v4 =	vadd.s32 v5, v4;
	v5 =	vld [tilespmem:$0x1FEC0]  }
0x80: {  	v40 =	vld [tilespmem:$0x980];
	_ =	sdelay $0x2  }
0x81: {  	vm0 =	vnez.u8 v54  }
0x82: {  	v57 =	vld [tilespmem:$0x1FEB0];
	v6 =	vnsel vm0, $0x0, v38;
	vm0 =	vnez.u8 v5  }
0x83: {  	v41 =	vld [tilespmem:$0xA00];
	v4 =	vadd.s32 v6, v4;
	v5 =	vnsel vm0, $0x0, v40  }
0x84: {  	v4 =	vadd.s32 v5, v4;
	v5 =	vld [tilespmem:$0x1FEA0]  }
0x85: {  	v43 =	vld [tilespmem:$0xA80]  }
0x86: {  	v10 =	vadd.s32 v7, v10  }
0x87: {  	v10 =	vadd.s32 v8, v10  }
0x88: {  	v10 =	vadd.s32 v9, v10;
	vm0 =	vnez.u8 v57  }
0x89: {  	v59 =	vld [tilespmem:$0x1FE90];
	v10 =	vadd.s32 v11, v10;
	v6 =	vnsel vm0, $0x0, v41;
	vm0 =	vnez.u8 v5  }
0x8a: {  	v44 =	vld [tilespmem:$0xB00];
	v10 =	vadd.s32 v12, v10;
	v4 =	vadd.s32 v6, v4;
	v5 =	vnsel vm0, $0x0, v43  }
0x8b: {  	v10 =	vadd.s32 v13, v10;
	v4 =	vadd.s32 v5, v4;
	v5 =	vld [tilespmem:$0x1FE80]  }
0x8c: {  	v46 =	vld [tilespmem:$0xB80];
	v31 =	vadd.s32 v14, v10  }
0x8d: {  	v7 =	vadd.s32 v15, v31  }
0x8e: {  	v7 =	vadd.s32 v16, v7  }
0x8f: {  	v7 =	vadd.s32 v29, v7;
	vm0 =	vnez.u8 v59  }
0x90: {  	v60 =	vld [tilespmem:$0x1FE70];
	v7 =	vadd.s32 v30, v7;
	v6 =	vnsel vm0, $0x0, v44;
	vm0 =	vnez.u8 v5  }
0x91: {  	v47 =	vld [tilespmem:$0xC00];
	v7 =	vadd.s32 v32, v7;
	v4 =	vadd.s32 v6, v4;
	v5 =	vnsel vm0, $0x0, v46  }
0x92: {  	v7 =	vadd.s32 v34, v7;
	v4 =	vadd.s32 v5, v4;
	v5 =	vld [tilespmem:$0x1FE60]  }
0x93: {  	v49 =	vld [tilespmem:$0xC80];
	v7 =	vadd.s32 v35, v7  }
0x94: {  	v7 =	vadd.s32 v37, v7  }
0x95: {  	v7 =	vadd.s32 v38, v7  }
0x96: {  	v61 =	vld [tilespmem:$0x1FE50];
	v7 =	vadd.s32 v40, v7;
	vm0 =	vnez.u8 v60  }
0x97: {  	v50 =	vld [tilespmem:$0xD00];
	v7 =	vadd.s32 v41, v7;
	v6 =	vnsel vm0, $0x0, v47;
	vm0 =	vnez.u8 v5  }
0x98: {  	v52 =	vld [tilespmem:$0xD80];
	v7 =	vadd.s32 v43, v7;
	v4 =	vadd.s32 v6, v4;
	v5 =	vnsel vm0, $0x0, v49  }
0x99: {  	v7 =	vadd.s32 v44, v7;
	v4 =	vadd.s32 v5, v4;
	v5 =	vld [tilespmem:$0x1FE40]  }
0x9a: {  	v53 =	vld [tilespmem:$0xE00];
	v7 =	vadd.s32 v46, v7  }
0x9b: {  	v55 =	vld [tilespmem:$0xE80];
	v7 =	vadd.s32 v47, v7  }
0x9c: {  	v56 =	vld [tilespmem:$0xF00];
	v7 =	vadd.s32 v49, v7  }
0x9d: {  	v58 =	vld [tilespmem:$0xF80];
	v7 =	vadd.s32 v50, v7;
	vm0 =	vnez.u8 v61  }
0x9e: {  	v7 =	vadd.s32 v52, v7;
	v6 =	vnsel vm0, $0x0, v50;
	vm0 =	vnez.u8 v5  }
0x9f: {  	v62 =	vld [tilespmem:$0x1FE30];
	v7 =	vadd.s32 v53, v7;
	v4 =	vadd.s32 v6, v4;
	v5 =	vnsel vm0, $0x0, v52  }
0xa0: {  	v7 =	vadd.s32 v55, v7;
	v4 =	vadd.s32 v5, v4;
	v5 =	vld [tilespmem:$0x1FE20]  }
0xa1: {  	v63 =	vld [tilespmem:$0x1FE10];
	v7 =	vadd.s32 v56, v7  }
0xa2: {  	v7 =	vadd.s32 v58, v7  }
0xa3: {  	(xrf0) =	vadd.scan.msk.s32 $0xffff, v7  }
0xa4: {  	vm0 =	vnez.u8 v62  }
0xa5: {  	v6 =	vnsel vm0, $0x0, v53;
	vm0 =	vnez.u8 v5  }
0xa6: {  	v4 =	vadd.s32 v6, v4;
	v5 =	vnsel vm0, $0x0, v55;
	vm0 =	vnez.u8 v63  }
0xa7: {  	v6 =	vnsel vm0, $0x0, v56;
	v4 =	vadd.s32 v5, v4  }
0xa8: {  	v4 =	vadd.s32 v6, v4  }
0xa9: {  	v5, _, _ =	vpop (xrf0);
	v4 =	vsub.s32 v4, v7  }
0xaa: {  	[tilespmem:$0x2080] =	vst v7;
	v4 =	vadd.s32 v5, v4  }
0xab: {  	s0 =	simm.s32 @!p0 $0x0;
	s1 =	simm.s32 @!p0 $0x2080;
	s3 =	rddreg [dreg:$0x3];
	[tilespmem:$0x2000] =	vst v4  }
0xac: {  	[hbm4b:s3+s0] =	stream.linear.scatter @!p0 [tilespmem:s1], [sflag:$0x7], $0x80, $0x38;
	[tilespmem:$0x1A100] =	vst v63  }
0xad: {  	s0 =	simm.s32 @!p0 $0x7  }
0xae: {  	_ =	swait.ge @!p0 [sflag:s0], $0x80  }
0xaf: {  	s1 =	simm.s32 $0x0;
	[sflag:s0] =	ssyncset.done @!p0 $0x0  }
0xb0: {  	s3 =	simm.s32 $0x0;
	[sflag:s0] =	ssyncadd.s32 @!p0 $0xFFFFFF80;
	s0 =	simm.s32 $0x1100  }
.LBB2_2:
0xb1: {  	v4 =	vld [tilespmem:s0+$0xFFFFFF00];
	_ =	sdelay $0x4  }
0xb2: {  	vm0 =	veq.s32 v4, $0x0  }
0xb3: {  	v5 =	vsel vm0, $0x1, v0  }
0xb4: {  	(xrf0) =	vadd.scan.msk.s32 $0xffff, v5  }
0xb5: {  	vm2 =	veq.s32 v4, $0x1  }
0xb6: {  	vm4 =	veq.s32 v4, $0x2;
	v5 =	vsel vm2, $0x1, v0  }
0xb7: {  	(xrf0) =	vadd.scan.msk.s32 $0xffff, v5;
	v5 =	vsel vm4, $0x1, v0  }
0xb8: {  	vm14 =	vmmov $0x1  }
0xb9: {  	vm1 =	veq.s32 v4, $0x3;
	vm3 =	veq.s32 v4, $0x5;
	vm6 =	veq.s32 v4, $0x7  }
0xba: {  	v6 =	vsel vm1, $0x1, v0;
	v40 =	vmpcnt.ones.xlane vm0;
	v8 =	vmpcnt.ones.xlane vm2;
	(xrf0) =	vadd.scan.msk.s32 $0xffff, v5;
	v5, _, _ =	vpop (xrf0)  }
0xbb: {  	v43 =	vsel vm3, $0x1, v0;
	v10 =	vmpcnt.ones.xlane vm4;
	v5 =	vadd.s32 $0xFFFFFFFF, v5  }
0xbc: {  	v47 =	vmpcnt.ones.xlane vm1;
	v5 =	vnsel vm0, $0x0, v5;
	vm0 =	veq.s32 v4, $0x4  }
0xbd: {  	v51 =	vsel vm6, $0x1, v0;
	v55 =	vmpcnt.ones.xlane vm3;
	(xrf0) =	vadd.scan.msk.s32 $0xffff, v6;
	v9 =	vsel vm0, $0x1, v0  }
0xbe: {  	v62 =	vmpcnt.ones.xlane vm6;
	v41 =	vsel vm5, $0x0, v8;
	v46 =	vsel vm7, $0x0, v10;
	(xrf0) =	vadd.scan.msk.s32 $0xffff, v9  }
0xbf: {  	v48 =	vsel vm8, $0x0, v47;
	v57 =	vsel vm10, $0x0, v55;
	vm5 =	veq.s32 v4, $0xA;
	v7, _, _ =	vpop (xrf0)  }
0xc0: {  	vm8 =	vcmask $0x2328;
	vm10 =	vcmask $0x2B30;
	v7 =	vadd.s32 $0xFFFFFFFF, v7  }
0xc1: {  	v6 =	vnsel vm14, $0x0, v40;
	v5 =	vsel vm2, v7, v5;
	vm2 =	veq.s32 v4, $0x6  }
0xc2: {  	v14 =	vsel vm5, $0x1, v0;
	v6 =	vadd.s32 v6, v41;
	v42, _, _ =	vpop (xrf0);
	v45 =	vsel vm2, $0x1, v0;
	(xrf0) =	vadd.scan.msk.s32 $0xffff, v43  }
0xc3: {  	v27 =	vmpcnt.ones.xlane vm5;
	v6 =	vadd.s32 v46, v6;
	v8 =	vadd.s32 $0xFFFFFFFF, v42;
	v44, _, _ =	vpop (xrf0);
	(xrf0) =	vadd.scan.msk.s32 $0xffff, v45  }
0xc4: {  	v50 =	vmpcnt.ones.xlane vm0;
	v6 =	vadd.s32 v48, v6;
	v5 =	vsel vm4, v8, v5;
	v49, _, _ =	vpop (xrf0);
	(xrf0) =	vadd.scan.msk.s32 $0xffff, v51  }
0xc5: {  	v59 =	vmpcnt.ones.xlane vm2;
	vm4 =	veq.s32 v4, $0x9;
	v7 =	vadd.s32 $0xFFFFFFFF, v44  }
0xc6: {  	v53 =	vsel vm9, $0x0, v50;
	v5 =	vsel vm1, v7, v5;
	vm1 =	veq.s32 v4, $0x8  }
0xc7: {  	v63 =	vsel vm4, $0x1, v0;
	vm9 =	vcmask $0x1B20;
	v11 =	vsel vm1, $0x1, v0  }
0xc8: {  	v23 =	vmpcnt.ones.xlane vm4;
	v6 =	vadd.s32 v53, v6;
	v52 =	vadd.s32 $0xFFFFFFFF, v49;
	v54, _, _ =	vpop (xrf0);
	(xrf0) =	vadd.scan.msk.s32 $0xffff, v11  }
0xc9: {  	v61 =	vsel vm11, $0x0, v59;
	v5 =	vsel vm0, v52, v5;
	v56 =	vadd.s32 $0xFFFFFFFF, v54;
	v58, _, _ =	vpop (xrf0)  }
0xca: {  	v13 =	vsel vm9, $0x0, v62;
	v5 =	vsel vm3, v56, v5;
	v60 =	vadd.s32 $0xFFFFFFFF, v58;
	v12, _, _ =	vpop (xrf0)  }
0xcb: {  	vm11 =	vcmask $0x1F24;
	v5 =	vsel vm2, v60, v5;
	(xrf0) =	vadd.scan.msk.s32 $0xffff, v63;
	v7 =	vadd.s32 $0xFFFFFFFF, v12  }
0xcc: {  	v6 =	vadd.s32 v57, v6;
	(xrf0) =	vadd.scan.msk.s32 $0xffff, v14;
	v5 =	vsel vm6, v7, v5;
	vm6 =	veq.s32 v4, $0xB  }
0xcd: {  	v6 =	vadd.s32 v61, v6;
	vm2 =	veq.s32 v4, $0xC;
	v16 =	vsel vm6, $0x1, v0  }
0xce: {  	v17 =	vmpcnt.ones.xlane vm1;
	vm3 =	veq.s32 v4, $0xD;
	v18 =	vsel vm2, $0x1, v0;
	v15, _, _ =	vpop (xrf0);
	(xrf0) =	vadd.scan.msk.s32 $0xffff, v16  }
0xcf: {  	vm0 =	veq.s32 v4, $0xE;
	v19 =	vsel vm3, $0x1, v0;
	v7 =	vadd.s32 $0xFFFFFFFF, v15;
	(xrf0) =	vadd.scan.msk.s32 $0xffff, v18  }
0xd0: {  	v22 =	vsel vm0, $0x1, v0;
	v5 =	vsel vm1, v7, v5;
	vm1 =	veq.s32 v4, $0xF;
	(xrf0) =	vadd.scan.msk.s32 $0xffff, v19  }
0xd1: {  	v6 =	vadd.s32 v13, v6;
	v20 =	vsel vm11, $0x0, v17;
	v24 =	vsel vm1, $0x1, v0;
	v21, _, _ =	vpop (xrf0);
	(xrf0) =	vadd.scan.msk.s32 $0xffff, v22  }
0xd2: {  	vm7 =	vcmask $0x2F34;
	v26 =	vsel vm8, $0x0, v23;
	v6 =	vadd.s32 v20, v6;
	v25, _, _ =	vpop (xrf0);
	(xrf0) =	vadd.scan.msk.s32 $0xffff, v24  }
0xd3: {  	v29 =	vsel vm12, $0x0, v27;
	v6 =	vadd.s32 v26, v6;
	v9 =	vadd.s32 $0xFFFFFFFF, v21  }
0xd4: {  	v43 =	vmpcnt.ones.xlane vm0;
	v5 =	vsel vm4, v9, v5;
	v8 =	vadd.s32 $0xFFFFFFFF, v25;
	v28, _, _ =	vpop (xrf0)  }
0xd5: {  	v6 =	vadd.s32 v29, v6;
	v5 =	vsel vm5, v8, v5;
	v7 =	vadd.s32 $0xFFFFFFFF, v28;
	v31, _, _ =	vpop (xrf0)  }
0xd6: {  	v39 =	vmpcnt.ones.xlane vm3;
	v4 =	vld.idx.msk [tilespmem:v4+s26+$0x0], $0xffff;
	v5 =	vsel vm6, v7, v5;
	v32 =	vadd.s32 $0xFFFFFFFF, v31;
	v33, _, _ =	vpop (xrf0)  }
0xd7: {  	v36 =	vmpcnt.ones.xlane vm2;
	v5 =	vsel vm2, v32, v5;
	v34 =	vadd.s32 $0xFFFFFFFF, v33;
	v35, _, _ =	vpop (xrf0)  }
0xd8: {  	v30 =	vmpcnt.ones.xlane vm6;
	v5 =	vsel vm3, v34, v5;
	v37 =	vadd.s32 $0xFFFFFFFF, v35;
	v38, _, _ =	vpop (xrf0)  }
0xd9: {  	v42 =	vsel vm13, $0x0, v39;
	v5 =	vsel vm0, v37, v5;
	v40 =	vadd.s32 $0xFFFFFFFF, v38  }
0xda: {  	v41 =	vsel vm7, $0x0, v36;
	v9 =	vsel vm10, $0x0, v30;
	v5 =	vsel vm1, v40, v5  }
0xdb: {  	v46 =	vmpcnt.ones.xlane vm1;
	v6 =	vadd.s32 v9, v6;
	v4 =	vadd.s32 v4, v5  }
0xdc: {  	v44 =	vld [tilespmem:$0x2000];
	v6 =	vadd.s32 v41, v6;
	vm0 =	vcmask $0x373C;
	v45 =	vshll.u32 v4, $0x4  }
0xdd: {  	v5 =	vadd.s32 v42, v6;
	v4 =	vand.u32 $0x7, v4;
	v8 =	vand.u32 $0xFFFFFF80, v45  }
0xde: {  	v6 =	vsel vm0, $0x0, v43;
	vm0 =	vmmov $0x7fff;
	v4 =	vor.u32 v4, v8  }
0xdf: {  	v5 =	vadd.s32 v6, v5;
	v47 =	vsel vm0, $0x0, v46;
	v8 =	vperm.xlane v4, v1  }
0xe0: {  	v5 =	vadd.s32 v47, v5  }
0xe1: {  	v5 =	vadd.s32 v44, v5;
	v48 =	vadd.s32 v2, v8  }
0xe2: {  	[tilespmem:$0x2000] =	vst v5  }
0xe3: {  	_ =	swait.ge [sflag:s28], $0x8000  }
0xe4: {  	[sflag:s28] =	ssyncset.done $0x0  }
0xe5: {  	[sflag:s28] =	ssyncadd.s32 $0xFFFF8000  }
0xe6: {  	[hbm4b:s2+s4] =	stream.indirect_vreg.scatter [tilespmem:s21], [sflag:$0x4], $0x80, v48, vm15, $0xb8;
	[tilespmem:$0x1A100] =	vst v63  }
0xe7: {  	_ = 	snop  }
0xe8: {  	[hbm4b:s10+s4] =	stream.indirect_vreg.scatter [tilespmem:s22], [sflag:$0x4], $0x80, v48, vm15, $0xb8;
	[tilespmem:$0x1A100] =	vst v63  }
0xe9: {  	_ = 	snop  }
0xea: {  	[hbm4b:s11+s4] =	stream.indirect_vreg.scatter [tilespmem:s23], [sflag:$0x4], $0x80, v48, vm15, $0xb8;
	[tilespmem:$0x1A100] =	vst v63  }
0xeb: {  	s23 =	simm.s32 $0x3900  }
0xec: {  	[hbm4b:s12+s4] =	stream.indirect_vreg.scatter [tilespmem:s23], [sflag:$0x4], $0x80, v48, vm15, $0xb8;
	[tilespmem:$0x1A100] =	vst v63  }
0xed: {  	s22 =	simm.s32 $0x4100  }
0xee: {  	[hbm4b:s13+s4] =	stream.indirect_vreg.scatter [tilespmem:s22], [sflag:$0x4], $0x80, v48, vm15, $0xb8;
	[tilespmem:$0x1A100] =	vst v63  }
0xef: {  	v4 =	vperm.xlane v4, v3;
	s23 =	simm.s32 $0x4900  }
0xf0: {  	[hbm4b:s14+s4] =	stream.indirect_vreg.scatter [tilespmem:s23], [sflag:$0x4], $0x80, v48, vm15, $0xb8;
	[tilespmem:$0x1A100] =	vst v63  }
0xf1: {  	v4 =	vadd.s32 v2, v4;
	s22 =	simm.s32 $0x5100  }
0xf2: {  	[hbm4b:s15+s4] =	stream.indirect_vreg.scatter [tilespmem:s22], [sflag:$0x4], $0x80, v48, vm15, $0xb8;
	[tilespmem:$0x1A100] =	vst v63  }
0xf3: {  	s23 =	simm.s32 $0x5900  }
0xf4: {  	[hbm4b:s16+s4] =	stream.indirect_vreg.scatter [tilespmem:s23], [sflag:$0x4], $0x80, v48, vm15, $0xb8;
	[tilespmem:$0x1A100] =	vst v63  }
0xf5: {  	s22 =	simm.s32 $0x6100  }
0xf6: {  	[hbm4b:s2+s4] =	stream.indirect_vreg.scatter [tilespmem:s22], [sflag:$0x4], $0x80, v4, vm15, $0xb8;
	[tilespmem:$0x1A100] =	vst v63  }
0xf7: {  	s23 =	simm.s32 $0x6900  }
0xf8: {  	[hbm4b:s10+s4] =	stream.indirect_vreg.scatter [tilespmem:s23], [sflag:$0x4], $0x80, v4, vm15, $0xb8;
	[tilespmem:$0x1A100] =	vst v63  }
0xf9: {  	s22 =	simm.s32 $0x7100  }
0xfa: {  	[hbm4b:s11+s4] =	stream.indirect_vreg.scatter [tilespmem:s22], [sflag:$0x4], $0x80, v4, vm15, $0xb8;
	[tilespmem:$0x1A100] =	vst v63  }
0xfb: {  	s23 =	simm.s32 $0x7900  }
0xfc: {  	[hbm4b:s12+s4] =	stream.indirect_vreg.scatter [tilespmem:s23], [sflag:$0x4], $0x80, v4, vm15, $0xb8;
	[tilespmem:$0x1A100] =	vst v63  }
0xfd: {  	s22 =	simm.s32 $0x8100  }
0xfe: {  	[hbm4b:s13+s4] =	stream.indirect_vreg.scatter [tilespmem:s22], [sflag:$0x4], $0x80, v4, vm15, $0xb8;
	[tilespmem:$0x1A100] =	vst v63  }
0xff: {  	s23 =	simm.s32 $0x8900  }
0x100: {  	[hbm4b:s14+s4] =	stream.indirect_vreg.scatter [tilespmem:s23], [sflag:$0x4], $0x80, v4, vm15, $0xb8;
	[tilespmem:$0x1A100] =	vst v63  }
0x101: {  	s22 =	simm.s32 $0x9100  }
0x102: {  	[hbm4b:s15+s4] =	stream.indirect_vreg.scatter [tilespmem:s22], [sflag:$0x4], $0x80, v4, vm15, $0xb8;
	[tilespmem:$0x1A100] =	vst v63  }
0x103: {  	s23 =	simm.s32 $0x9900  }
0x104: {  	[hbm4b:s16+s4] =	stream.indirect_vreg.scatter [tilespmem:s23], [sflag:$0x4], $0x80, v4, vm15, $0xb8;
	[tilespmem:$0x1A100] =	vst v63  }
0x105: {  	p1 =	seq.s32 s1, $0x1E000;
	_ =	swait.ge [sflag:s29], $0x8000  }
0x106: {  	s21 =	sadd.s32 @!p1 s1, s20;
	[sflag:s29] =	ssyncset.done $0x0  }
0x107: {  	s22 =	simm.s32 @!p1 $0x2100;
	s23 =	simm.s32 @!p1 $0x0;
	[sflag:s29] =	ssyncadd.s32 $0xFFFF8000  }
0x108: {  	[tilespmem:s22], [sflag:$0x1] =	stream.linear.gather @!p1 [hbm4b:s21+s23], $0x8000, $0x38;
	[tilespmem:$0x1A100] =	vst v63  }
0x109: {  	v4 =	vld [tilespmem:s0+$0xFFFFFF80];
	_ =	sdelay $0x4  }
0x10a: {  	vm2 =	veq.s32 v4, $0x0  }
0x10b: {  	vm3 =	veq.s32 v4, $0x1;
	v5 =	vsel vm2, $0x1, v0  }
0x10c: {  	(xrf0) =	vadd.scan.msk.s32 $0xffff, v5;
	v5 =	vsel vm3, $0x1, v0  }
0x10d: {  	vm5 =	veq.s32 v4, $0x2;
	(xrf0) =	vadd.scan.msk.s32 $0xffff, v5  }
0x10e: {  	v5 =	vsel vm5, $0x1, v0  }
0x10f: {  	vm6 =	veq.s32 v4, $0x3;
	vm1 =	veq.s32 v4, $0x4;
	vm4 =	veq.s32 v4, $0x5;
	(xrf0) =	vadd.scan.msk.s32 $0xffff, v5  }
0x110: {  	v50 =	vmpcnt.ones.xlane vm2;
	v52 =	vmpcnt.ones.xlane vm3;
	v53 =	vsel vm1, $0x1, v0  }
0x111: {  	v57 =	vmpcnt.ones.xlane vm5;
	v61 =	vmpcnt.ones.xlane vm6;
	v5 =	vsel vm6, $0x1, v0  }
0x112: {  	v56 =	vsel vm4, $0x1, v0;
	v12 =	vmpcnt.ones.xlane vm1;
	v17 =	vmpcnt.ones.xlane vm4;
	(xrf0) =	vadd.scan.msk.s32 $0xffff, v5;
	v49, _, _ =	vpop (xrf0)  }
0x113: {  	v6 =	vnsel vm14, $0x0, v50;
	vm14 =	veq.s32 v4, $0xE;
	v5 =	vadd.s32 $0xFFFFFFFF, v49;
	v51, _, _ =	vpop (xrf0)  }
0x114: {  	v37 =	vsel vm14, $0x1, v0;
	(xrf0) =	vadd.scan.msk.s32 $0xffff, v53;
	v5 =	vnsel vm2, $0x0, v5;
	v7 =	vadd.s32 $0xFFFFFFFF, v51  }
0x115: {  	vm2 =	vcmask $0x308;
	v55, _, _ =	vpop (xrf0);
	(xrf0) =	vadd.scan.msk.s32 $0xffff, v56;
	v56 =	vmpcnt.ones.xlane vm14;
	v5 =	vsel vm3, v7, v5  }
0x116: {  	v54 =	vsel vm2, $0x0, v52;
	v8 =	vadd.s32 $0xFFFFFFFF, v55;
	vm3 =	veq.s32 v4, $0x6  }
0x117: {  	vm2 =	vcmask $0x70C;
	v6 =	vadd.s32 v6, v54;
	v5 =	vsel vm5, v8, v5  }
0x118: {  	v58, _, _ =	vpop (xrf0);
	v59 =	vsel vm3, $0x1, v0;
	v60 =	vsel vm2, $0x0, v57;
	vm5 =	veq.s32 v4, $0x7  }
0x119: {  	v7 =	vadd.s32 $0xFFFFFFFF, v58;
	vm2 =	vcmask $0xB10;
	(xrf0) =	vadd.scan.msk.s32 $0xffff, v59;
	v13 =	vsel vm5, $0x1, v0  }
0x11a: {  	v63, _, _ =	vpop (xrf0);
	v22 =	vmpcnt.ones.xlane vm3;
	v6 =	vadd.s32 v60, v6;
	v5 =	vsel vm6, v7, v5;
	(xrf0) =	vadd.scan.msk.s32 $0xffff, v13  }
0x11b: {  	v62 =	vsel vm2, $0x0, v61;
	v14 =	vadd.s32 $0xFFFFFFFF, v63;
	vm2 =	veq.s32 v4, $0x8  }
0x11c: {  	vm6 =	vcmask $0xF14;
	v25 =	vmpcnt.ones.xlane vm5;
	v6 =	vadd.s32 v62, v6  }
0x11d: {  	v15 =	vsel vm6, $0x0, v12;
	v18 =	vsel vm2, $0x1, v0;
	v5 =	vsel vm1, v14, v5;
	v16, _, _ =	vpop (xrf0)  }
0x11e: {  	vm1 =	vcmask $0x1318;
	vm6 =	veq.s32 v4, $0xA;
	(xrf0) =	vadd.scan.msk.s32 $0xffff, v18;
	v19 =	vadd.s32 $0xFFFFFFFF, v16  }
0x11f: {  	v32 =	vmpcnt.ones.xlane vm2;
	v5 =	vsel vm4, v19, v5;
	vm4 =	veq.s32 v4, $0x9;
	v21, _, _ =	vpop (xrf0)  }
0x120: {  	v6 =	vadd.s32 v15, v6;
	v26 =	vsel vm4, $0x1, v0;
	v23 =	vadd.s32 $0xFFFFFFFF, v21;
	v27, _, _ =	vpop (xrf0)  }
0x121: {  	v29 =	vsel vm6, $0x1, v0;
	(xrf0) =	vadd.scan.msk.s32 $0xffff, v26;
	v5 =	vsel vm3, v23, v5;
	v7 =	vadd.s32 $0xFFFFFFFF, v27  }
0x122: {  	v20 =	vsel vm1, $0x0, v17;
	(xrf0) =	vadd.scan.msk.s32 $0xffff, v29;
	v5 =	vsel vm5, v7, v5;
	vm5 =	veq.s32 v4, $0xB  }
0x123: {  	vm1 =	vcmask $0x171C;
	vm3 =	veq.s32 v4, $0xC;
	v31 =	vsel vm5, $0x1, v0  }
0x124: {  	v24 =	vsel vm1, $0x0, v22;
	vm1 =	veq.s32 v4, $0xD;
	v30, _, _ =	vpop (xrf0);
	v33 =	vsel vm3, $0x1, v0;
	(xrf0) =	vadd.scan.msk.s32 $0xffff, v31  }
0x125: {  	v28 =	vsel vm9, $0x0, v25;
	v34 =	vsel vm1, $0x1, v0;
	v7 =	vadd.s32 $0xFFFFFFFF, v30;
	(xrf0) =	vadd.scan.msk.s32 $0xffff, v33  }
0x126: {  	v6 =	vadd.s32 v20, v6;
	v5 =	vsel vm2, v7, v5;
	vm2 =	veq.s32 v4, $0xF;
	(xrf0) =	vadd.scan.msk.s32 $0xffff, v34  }
0x127: {  	v42 =	vmpcnt.ones.xlane vm6;
	v6 =	vadd.s32 v24, v6;
	v39 =	vsel vm2, $0x1, v0;
	v36, _, _ =	vpop (xrf0);
	(xrf0) =	vadd.scan.msk.s32 $0xffff, v37  }
0x128: {  	v35 =	vsel vm11, $0x0, v32;
	v6 =	vadd.s32 v28, v6;
	v38 =	vmpcnt.ones.xlane vm4;
	v40, _, _ =	vpop (xrf0);
	(xrf0) =	vadd.scan.msk.s32 $0xffff, v39  }
0x129: {  	v55 =	vmpcnt.ones.xlane vm1;
	v6 =	vadd.s32 v35, v6;
	v9 =	vadd.s32 $0xFFFFFFFF, v36  }
0x12a: {  	v41 =	vsel vm8, $0x0, v38;
	v5 =	vsel vm4, v9, v5;
	v8 =	vadd.s32 $0xFFFFFFFF, v40;
	v43, _, _ =	vpop (xrf0)  }
0x12b: {  	v6 =	vadd.s32 v41, v6;
	v5 =	vsel vm6, v8, v5;
	v44, _, _ =	vpop (xrf0);
	v8 =	vadd.s32 $0xFFFFFFFF, v43  }
0x12c: {  	v50 =	vmpcnt.ones.xlane vm3;
	v4 =	vld.idx.msk [tilespmem:v4+s26+$0x0], $0xffff;
	v5 =	vsel vm5, v8, v5;
	v7 =	vadd.s32 $0xFFFFFFFF, v44;
	v46, _, _ =	vpop (xrf0)  }
0x12d: {  	v45 =	vmpcnt.ones.xlane vm5;
	v5 =	vsel vm3, v7, v5;
	v48 =	vadd.s32 $0xFFFFFFFF, v46;
	v49, _, _ =	vpop (xrf0)  }
0x12e: {  	v54 =	vsel vm7, $0x0, v50;
	v5 =	vsel vm1, v48, v5;
	v51 =	vadd.s32 $0xFFFFFFFF, v49;
	v52, _, _ =	vpop (xrf0)  }
0x12f: {  	v9 =	vsel vm12, $0x0, v42;
	v5 =	vsel vm14, v51, v5;
	v53 =	vadd.s32 $0xFFFFFFFF, v52  }
0x130: {  	v47 =	vsel vm10, $0x0, v45;
	v6 =	vadd.s32 v9, v6;
	v5 =	vsel vm2, v53, v5  }
0x131: {  	v59 =	vmpcnt.ones.xlane vm2;
	v6 =	vadd.s32 v47, v6;
	v4 =	vadd.s32 v4, v5  }
0x132: {  	v57 =	vld [tilespmem:$0x2000];
	v6 =	vadd.s32 v54, v6;
	vm1 =	vcmask $0x373C;
	v58 =	vshll.u32 v4, $0x4  }
0x133: {  	v5 =	vsel vm13, $0x0, v55;
	v4 =	vand.u32 $0x7, v4;
	v9 =	vand.u32 $0xFFFFFF80, v58  }
0x134: {  	v60 =	vsel vm1, $0x0, v56;
	v5 =	vadd.s32 v5, v6;
	v4 =	vor.u32 v4, v9  }
0x135: {  	v61 =	vsel vm0, $0x0, v59;
	v5 =	vadd.s32 v60, v5;
	v62 =	vperm.xlane v4, v1  }
0x136: {  	v5 =	vadd.s32 v61, v5  }
0x137: {  	v5 =	vadd.s32 v57, v5;
	v63 =	vadd.s32 v2, v62  }
0x138: {  	[tilespmem:$0x2000] =	vst v5  }
0x139: {  	_ =	swait.ge [sflag:s30], $0x8000  }
0x13a: {  	[sflag:s30] =	ssyncset.done $0x0  }
0x13b: {  	s22 =	simm.s32 $0xA100;
	[sflag:s30] =	ssyncadd.s32 $0xFFFF8000  }
0x13c: {  	[hbm4b:s2+s4] =	stream.indirect_vreg.scatter [tilespmem:s22], [sflag:$0x5], $0x80, v63, vm15, $0xb8;
	[tilespmem:$0x1A100] =	vst v63  }
0x13d: {  	s22 =	simm.s32 $0xA900  }
0x13e: {  	[hbm4b:s10+s4] =	stream.indirect_vreg.scatter [tilespmem:s22], [sflag:$0x5], $0x80, v63, vm15, $0xb8;
	[tilespmem:$0x1A100] =	vst v63  }
0x13f: {  	s22 =	simm.s32 $0xB100  }
0x140: {  	[hbm4b:s11+s4] =	stream.indirect_vreg.scatter [tilespmem:s22], [sflag:$0x5], $0x80, v63, vm15, $0xb8;
	[tilespmem:$0x1A100] =	vst v63  }
0x141: {  	s22 =	simm.s32 $0xB900  }
0x142: {  	[hbm4b:s12+s4] =	stream.indirect_vreg.scatter [tilespmem:s22], [sflag:$0x5], $0x80, v63, vm15, $0xb8;
	[tilespmem:$0x1A100] =	vst v63  }
0x143: {  	s22 =	simm.s32 $0xC100  }
0x144: {  	[hbm4b:s13+s4] =	stream.indirect_vreg.scatter [tilespmem:s22], [sflag:$0x5], $0x80, v63, vm15, $0xb8;
	[tilespmem:$0x1A100] =	vst v63  }
0x145: {  	v4 =	vperm.xlane v4, v3;
	s22 =	simm.s32 $0xC900  }
0x146: {  	[hbm4b:s14+s4] =	stream.indirect_vreg.scatter [tilespmem:s22], [sflag:$0x5], $0x80, v63, vm15, $0xb8;
	[tilespmem:$0x1A100] =	vst v63  }
0x147: {  	v4 =	vadd.s32 v2, v4;
	s22 =	simm.s32 $0xD100  }
0x148: {  	[hbm4b:s15+s4] =	stream.indirect_vreg.scatter [tilespmem:s22], [sflag:$0x5], $0x80, v63, vm15, $0xb8;
	[tilespmem:$0x1A100] =	vst v63  }
0x149: {  	s22 =	simm.s32 $0xD900  }
0x14a: {  	[hbm4b:s16+s4] =	stream.indirect_vreg.scatter [tilespmem:s22], [sflag:$0x5], $0x80, v63, vm15, $0xb8;
	[tilespmem:$0x1A100] =	vst v63  }
0x14b: {  	_ = 	snop  }
0x14c: {  	[hbm4b:s2+s4] =	stream.indirect_vreg.scatter [tilespmem:s17], [sflag:$0x5], $0x80, v4, vm15, $0xb8;
	[tilespmem:$0x1A100] =	vst v63  }
0x14d: {  	_ = 	snop  }
0x14e: {  	[hbm4b:s10+s4] =	stream.indirect_vreg.scatter [tilespmem:s6], [sflag:$0x5], $0x80, v4, vm15, $0xb8;
	[tilespmem:$0x1A100] =	vst v63  }
0x14f: {  	_ = 	snop  }
0x150: {  	[hbm4b:s11+s4] =	stream.indirect_vreg.scatter [tilespmem:s24], [sflag:$0x5], $0x80, v4, vm15, $0xb8;
	[tilespmem:$0x1A100] =	vst v63  }
0x151: {  	_ = 	snop  }
0x152: {  	[hbm4b:s12+s4] =	stream.indirect_vreg.scatter [tilespmem:s25], [sflag:$0x5], $0x80, v4, vm15, $0xb8;
	[tilespmem:$0x1A100] =	vst v63  }
0x153: {  	_ = 	snop  }
0x154: {  	[hbm4b:s13+s4] =	stream.indirect_vreg.scatter [tilespmem:s5], [sflag:$0x5], $0x80, v4, vm15, $0xb8;
	[tilespmem:$0x1A100] =	vst v63  }
0x155: {  	_ = 	snop  }
0x156: {  	[hbm4b:s14+s4] =	stream.indirect_vreg.scatter [tilespmem:s7], [sflag:$0x5], $0x80, v4, vm15, $0xb8;
	[tilespmem:$0x1A100] =	vst v63  }
0x157: {  	_ = 	snop  }
0x158: {  	[hbm4b:s15+s4] =	stream.indirect_vreg.scatter [tilespmem:s8], [sflag:$0x5], $0x80, v4, vm15, $0xb8;
	[tilespmem:$0x1A100] =	vst v63  }
0x159: {  	_ = 	snop  }
0x15a: {  	[hbm4b:s16+s4] =	stream.indirect_vreg.scatter [tilespmem:s9], [sflag:$0x5], $0x80, v4, vm15, $0xb8;
	[tilespmem:$0x1A100] =	vst v63  }
0x15b: {  	_ =	swait.ge [sflag:s31], $0x8000  }
0x15c: {  	[sflag:s31] =	ssyncset.done $0x0  }
0x15d: {  	s21 =	sadd.s32 @!p1 s1, s19;
	s22 =	simm.s32 @!p1 $0xA100;
	[sflag:s31] =	ssyncadd.s32 $0xFFFF8000  }
0x15e: {  	[tilespmem:s22], [sflag:$0x2] =	stream.linear.gather @!p1 [hbm4b:s21+s23], $0x8000, $0x38;
	[tilespmem:$0x1A100] =	vst v63  }
0x15f: {  	v4 =	vld @!p1 [tilespmem:s0+$0x0];
	_ =	sdelay $0x4  }
0x160: {  	v5 =	vimm.s32 @!p1 $0x0;
	vm0 =	veq.s32 @!p1 v4, $0x0  }
0x161: {  	v6 =	vsel @!p1 vm0, $0x1, v5  }
0x162: {  	(xrf0) =	vadd.scan.msk.s32 @!p1 $0xffff, v6  }
0x163: {  	vm1 =	veq.s32 @!p1 v4, $0x1  }
0x164: {  	v6 =	vsel @!p1 vm1, $0x1, v5  }
0x165: {  	(xrf0) =	vadd.scan.msk.s32 @!p1 $0xffff, v6;
	_ =	sdelay $0x1  }
0x166: {  	vm2 =	veq.s32 @!p1 v4, $0x2  }
0x167: {  	v6 =	vsel @!p1 vm2, $0x1, v5;
	v7, _, _ =	vpop @!p1 (xrf0)  }
0x168: {  	(xrf0) =	vadd.scan.msk.s32 @!p1 $0xffff, v6;
	v6 =	vadd.s32 @!p1 $0xFFFFFFFF, v7;
	v7 =	vmpcnt.ones.xlane @!p1 vm0  }
0x169: {  	vm3 =	veq.s32 @!p1 v4, $0x3;
	v6 =	vnsel @!p1 vm0, $0x0, v6;
	vm0 =	vmmov @!p1 $0x1  }
0x16a: {  	v8 =	vsel @!p1 vm3, $0x1, v5;
	v9, _, _ =	vpop @!p1 (xrf0);
	v7 =	vnsel @!p1 vm0, $0x0, v7;
	vm0 =	veq.s32 @!p1 v4, $0x4  }
0x16b: {  	(xrf0) =	vadd.scan.msk.s32 @!p1 $0xffff, v8;
	v8 =	vadd.s32 @!p1 $0xFFFFFFFF, v9;
	v9 =	vsel @!p1 vm0, $0x1, v5  }
0x16c: {  	v6 =	vsel @!p1 vm1, v8, v6;
	v8 =	vmpcnt.ones.xlane @!p1 vm1  }
0x16d: {  	vm4 =	vcmask @!p1 $0x308  }
0x16e: {  	(xrf0) =	vadd.scan.msk.s32 @!p1 $0xffff, v9;
	v8 =	vsel @!p1 vm4, $0x0, v8;
	v9, _, _ =	vpop @!p1 (xrf0)  }
0x16f: {  	v7 =	vadd.s32 @!p1 v7, v8;
	v8 =	vadd.s32 @!p1 $0xFFFFFFFF, v9  }
0x170: {  	v10 =	vmpcnt.ones.xlane @!p1 vm2;
	vm1 =	veq.s32 @!p1 v4, $0x5  }
0x171: {  	v11 =	vsel @!p1 vm1, $0x1, v5;
	vm4 =	vcmask @!p1 $0x70C  }
0x172: {  	(xrf0) =	vadd.scan.msk.s32 @!p1 $0xffff, v11;
	v9 =	vsel @!p1 vm4, $0x0, v10;
	v6 =	vsel @!p1 vm2, v8, v6;
	v8, _, _ =	vpop @!p1 (xrf0)  }
0x173: {  	v7 =	vadd.s32 @!p1 v9, v7;
	v9 =	vmpcnt.ones.xlane @!p1 vm3;
	v8 =	vadd.s32 @!p1 $0xFFFFFFFF, v8  }
0x174: {  	v6 =	vsel @!p1 vm3, v8, v6;
	vm3 =	vcmask @!p1 $0xB10  }
0x175: {  	vm2 =	veq.s32 @!p1 v4, $0x6;
	v9 =	vsel @!p1 vm3, $0x0, v9  }
0x176: {  	v11 =	vmpcnt.ones.xlane @!p1 vm0;
	v10, _, _ =	vpop @!p1 (xrf0);
	v8 =	vsel @!p1 vm2, $0x1, v5  }
0x177: {  	vm4 =	vcmask @!p1 $0xF14;
	(xrf0) =	vadd.scan.msk.s32 @!p1 $0xffff, v8;
	v8 =	vadd.s32 @!p1 $0xFFFFFFFF, v10  }
0x178: {  	v7 =	vadd.s32 @!p1 v9, v7;
	v6 =	vsel @!p1 vm0, v8, v6;
	v8 =	vsel @!p1 vm4, $0x0, v11;
	v9, _, _ =	vpop @!p1 (xrf0)  }
0x179: {  	v7 =	vadd.s32 @!p1 v8, v7;
	v8 =	vadd.s32 @!p1 $0xFFFFFFFF, v9;
	v9 =	vmpcnt.ones.xlane @!p1 vm1  }
0x17a: {  	vm3 =	veq.s32 @!p1 v4, $0x7;
	vm0 =	vcmask @!p1 $0x1318  }
0x17b: {  	v10 =	vsel @!p1 vm3, $0x1, v5;
	v6 =	vsel @!p1 vm1, v8, v6;
	v8 =	vsel @!p1 vm0, $0x0, v9  }
0x17c: {  	(xrf0) =	vadd.scan.msk.s32 @!p1 $0xffff, v10;
	_ =	sdelay $0x1  }
0x17d: {  	v7 =	vadd.s32 @!p1 v8, v7;
	v8, _, _ =	vpop @!p1 (xrf0)  }
0x17e: {  	v8 =	vadd.s32 @!p1 $0xFFFFFFFF, v8  }
0x17f: {  	vm1 =	veq.s32 @!p1 v4, $0x8;
	v9 =	vmpcnt.ones.xlane @!p1 vm2  }
0x180: {  	v10 =	vsel @!p1 vm1, $0x1, v5;
	vm0 =	vcmask @!p1 $0x171C  }
0x181: {  	v9 =	vsel @!p1 vm0, $0x0, v9;
	(xrf0) =	vadd.scan.msk.s32 @!p1 $0xffff, v10;
	v6 =	vsel @!p1 vm2, v8, v6;
	v8, _, _ =	vpop @!p1 (xrf0)  }
0x182: {  	v7 =	vadd.s32 @!p1 v9, v7;
	v9 =	vmpcnt.ones.xlane @!p1 vm3;
	v8 =	vadd.s32 @!p1 $0xFFFFFFFF, v8  }
0x183: {  	vm4 =	veq.s32 @!p1 v4, $0x9;
	v6 =	vsel @!p1 vm3, v8, v6;
	vm3 =	vcmask @!p1 $0x1B20  }
0x184: {  	v10 =	vsel @!p1 vm4, $0x1, v5;
	v8 =	vsel @!p1 vm3, $0x0, v9  }
0x185: {  	(xrf0) =	vadd.scan.msk.s32 @!p1 $0xffff, v10;
	_ =	sdelay $0x1  }
0x186: {  	vm2 =	veq.s32 @!p1 v4, $0xA;
	v7 =	vadd.s32 @!p1 v8, v7;
	v8, _, _ =	vpop @!p1 (xrf0)  }
0x187: {  	v10 =	vsel @!p1 vm2, $0x1, v5;
	v8 =	vadd.s32 @!p1 $0xFFFFFFFF, v8  }
0x188: {  	(xrf0) =	vadd.scan.msk.s32 @!p1 $0xffff, v10;
	_ =	sdelay $0x1  }
0x189: {  	vm0 =	veq.s32 @!p1 v4, $0xB;
	v6 =	vsel @!p1 vm1, v8, v6;
	v8, _, _ =	vpop @!p1 (xrf0)  }
0x18a: {  	v10 =	vsel @!p1 vm0, $0x1, v5;
	v8 =	vadd.s32 @!p1 $0xFFFFFFFF, v8  }
0x18b: {  	(xrf0) =	vadd.scan.msk.s32 @!p1 $0xffff, v10;
	_ =	sdelay $0x1  }
0x18c: {  	v9 =	vmpcnt.ones.xlane @!p1 vm1;
	vm3 =	veq.s32 @!p1 v4, $0xC;
	v6 =	vsel @!p1 vm4, v8, v6;
	v8, _, _ =	vpop @!p1 (xrf0)  }
0x18d: {  	vm5 =	vcmask @!p1 $0x1F24;
	v10 =	vsel @!p1 vm3, $0x1, v5;
	v8 =	vadd.s32 @!p1 $0xFFFFFFFF, v8  }
0x18e: {  	v9 =	vsel @!p1 vm5, $0x0, v9;
	vm1 =	veq.s32 @!p1 v4, $0xD;
	(xrf0) =	vadd.scan.msk.s32 @!p1 $0xffff, v10  }
0x18f: {  	v7 =	vadd.s32 @!p1 v9, v7;
	v10 =	vsel @!p1 vm1, $0x1, v5  }
0x190: {  	v9 =	vmpcnt.ones.xlane @!p1 vm4;
	vm4 =	veq.s32 @!p1 v4, $0xE;
	(xrf0) =	vadd.scan.msk.s32 @!p1 $0xffff, v10;
	v6 =	vsel @!p1 vm2, v8, v6;
	v8, _, _ =	vpop @!p1 (xrf0)  }
0x191: {  	v10 =	vsel @!p1 vm4, $0x1, v5;
	v8 =	vadd.s32 @!p1 $0xFFFFFFFF, v8  }
0x192: {  	vm5 =	vcmask @!p1 $0x2328;
	(xrf0) =	vadd.scan.msk.s32 @!p1 $0xffff, v10;
	v10 =	vmpcnt.ones.xlane @!p1 vm2;
	vm2 =	veq.s32 @!p1 v4, $0xF  }
0x193: {  	v9 =	vsel @!p1 vm5, $0x0, v9;
	v5 =	vsel @!p1 vm2, $0x1, v5  }
0x194: {  	vm5 =	vcmask @!p1 $0x272C;
	v7 =	vadd.s32 @!p1 v9, v7;
	v6 =	vsel @!p1 vm0, v8, v6;
	v8, _, _ =	vpop @!p1 (xrf0);
	(xrf0) =	vadd.scan.msk.s32 @!p1 $0xffff, v5  }
0x195: {  	v10 =	vsel @!p1 vm5, $0x0, v10;
	v5 =	vmpcnt.ones.xlane @!p1 vm0;
	v8 =	vadd.s32 @!p1 $0xFFFFFFFF, v8  }
0x196: {  	v7 =	vadd.s32 @!p1 v10, v7;
	vm0 =	vcmask @!p1 $0x2B30;
	v9, _, _ =	vpop @!p1 (xrf0);
	v6 =	vsel @!p1 vm3, v8, v6  }
0x197: {  	s21 =	simm.s32 @!p1 $0x2000;
	v8 =	vmpcnt.ones.xlane @!p1 vm3;
	v5 =	vsel @!p1 vm0, $0x0, v5;
	v9 =	vadd.s32 @!p1 $0xFFFFFFFF, v9  }
0x198: {  	v4 =	vld.idx.msk @!p1 [tilespmem:v4+s21+$0x0], $0xffff;
	vm0 =	vcmask @!p1 $0x2F34;
	v5 =	vadd.s32 @!p1 v5, v7;
	v7 =	vmpcnt.ones.xlane @!p1 vm1  }
0x199: {  	v10, _, _ =	vpop @!p1 (xrf0);
	v6 =	vsel @!p1 vm1, v9, v6;
	v8 =	vsel @!p1 vm0, $0x0, v8;
	vm0 =	vcmask @!p1 $0x3338  }
0x19a: {  	v5 =	vadd.s32 @!p1 v8, v5;
	v8 =	vadd.s32 @!p1 $0xFFFFFFFF, v10;
	v7 =	vsel @!p1 vm0, $0x0, v7;
	v9, _, _ =	vpop @!p1 (xrf0)  }
0x19b: {  	v6 =	vsel @!p1 vm4, v8, v6;
	v8 =	vmpcnt.ones.xlane @!p1 vm4;
	v9 =	vadd.s32 @!p1 $0xFFFFFFFF, v9  }
0x19c: {  	vm0 =	vcmask @!p1 $0x373C;
	v5 =	vadd.s32 @!p1 v7, v5;
	v6 =	vsel @!p1 vm2, v9, v6  }
0x19d: {  	v8 =	vsel @!p1 vm0, $0x0, v8;
	vm0 =	vmmov @!p1 $0x7fff;
	v4 =	vadd.s32 @!p1 v4, v6  }
0x19e: {  	v7 =	vld @!p1 [tilespmem:$0x2000];
	v9 =	vlaneseq.u32 @!p1;
	v5 =	vadd.s32 @!p1 v8, v5;
	v8 =	vshll.u32 @!p1 v4, $0x4  }
0x19f: {  	v6 =	vmpcnt.ones.xlane @!p1 vm2;
	v4 =	vand.u32 @!p1 $0x7, v4;
	v8 =	vand.u32 @!p1 $0xFFFFFF80, v8  }
0x1a0: {  	v10 =	vshrl.u32 @!p1 v9, $0x3;
	v4 =	vor.u32 @!p1 v4, v8;
	v8 =	vand.u32 @!p1 $0x7, v9  }
0x1a1: {  	v10 =	vmul.u32 @!p1 $0x8, v10;
	v6 =	vsel @!p1 vm0, $0x0, v6;
	v8 =	vperm.xlane @!p1 v4, v8  }
0x1a2: {  	v5 =	vadd.s32 @!p1 v6, v5  }
0x1a3: {  	v5 =	vadd.s32 @!p1 v7, v5;
	v6 =	vadd.s32 @!p1 v10, v8  }
0x1a4: {  	s21 =	simm.s32 @!p1 $0x3;
	[tilespmem:$0x2000] =	vst @!p1 v5  }
0x1a5: {  	_ =	swait.ge @!p1 [sflag:s21], $0x8000  }
0x1a6: {  	[sflag:s21] =	ssyncset.done @!p1 $0x0  }
0x1a7: {  	vm0 =	vmmov @!p1 $0xffff;
	[sflag:s21] =	ssyncadd.s32 @!p1 $0xFFFF8000;
	s21 =	simm.s32 @!p1 $0x12100  }
0x1a8: {  	[hbm4b:s2+s23] =	stream.indirect_vreg.scatter @!p1 [tilespmem:s21], [sflag:$0x6], $0x80, v6, vm0, $0xb8;
	[tilespmem:$0x1A100] =	vst v63  }
0x1a9: {  	s21 =	simm.s32 @!p1 $0x12900  }
0x1aa: {  	[hbm4b:s10+s23] =	stream.indirect_vreg.scatter @!p1 [tilespmem:s21], [sflag:$0x6], $0x80, v6, vm0, $0xb8;
	[tilespmem:$0x1A100] =	vst v63  }
0x1ab: {  	s21 =	simm.s32 @!p1 $0x13100  }
0x1ac: {  	[hbm4b:s11+s23] =	stream.indirect_vreg.scatter @!p1 [tilespmem:s21], [sflag:$0x6], $0x80, v6, vm0, $0xb8;
	[tilespmem:$0x1A100] =	vst v63  }
0x1ad: {  	s21 =	simm.s32 @!p1 $0x13900  }
0x1ae: {  	[hbm4b:s12+s23] =	stream.indirect_vreg.scatter @!p1 [tilespmem:s21], [sflag:$0x6], $0x80, v6, vm0, $0xb8;
	[tilespmem:$0x1A100] =	vst v63  }
0x1af: {  	s21 =	simm.s32 @!p1 $0x14100  }
0x1b0: {  	v5 =	vor.u32 @!p1 $0x8, v9;
	[hbm4b:s13+s23] =	stream.indirect_vreg.scatter @!p1 [tilespmem:s21], [sflag:$0x6], $0x80, v6, vm0, $0xb8;
	[tilespmem:$0x1A100] =	vst v63  }
0x1b1: {  	v4 =	vperm.xlane @!p1 v4, v5;
	s21 =	simm.s32 @!p1 $0x14900  }
0x1b2: {  	[hbm4b:s14+s23] =	stream.indirect_vreg.scatter @!p1 [tilespmem:s21], [sflag:$0x6], $0x80, v6, vm0, $0xb8;
	[tilespmem:$0x1A100] =	vst v63  }
0x1b3: {  	v4 =	vadd.s32 @!p1 v10, v4;
	s21 =	simm.s32 @!p1 $0x15100  }
0x1b4: {  	[hbm4b:s15+s23] =	stream.indirect_vreg.scatter @!p1 [tilespmem:s21], [sflag:$0x6], $0x80, v6, vm0, $0xb8;
	[tilespmem:$0x1A100] =	vst v63  }
0x1b5: {  	s21 =	simm.s32 @!p1 $0x15900  }
0x1b6: {  	[hbm4b:s16+s23] =	stream.indirect_vreg.scatter @!p1 [tilespmem:s21], [sflag:$0x6], $0x80, v6, vm0, $0xb8;
	[tilespmem:$0x1A100] =	vst v63  }
0x1b7: {  	s21 =	simm.s32 @!p1 $0x16100  }
0x1b8: {  	[hbm4b:s2+s23] =	stream.indirect_vreg.scatter @!p1 [tilespmem:s21], [sflag:$0x6], $0x80, v4, vm0, $0xb8;
	[tilespmem:$0x1A100] =	vst v63  }
0x1b9: {  	s21 =	simm.s32 @!p1 $0x16900  }
0x1ba: {  	[hbm4b:s10+s23] =	stream.indirect_vreg.scatter @!p1 [tilespmem:s21], [sflag:$0x6], $0x80, v4, vm0, $0xb8;
	[tilespmem:$0x1A100] =	vst v63  }
0x1bb: {  	s21 =	simm.s32 @!p1 $0x17100  }
0x1bc: {  	[hbm4b:s11+s23] =	stream.indirect_vreg.scatter @!p1 [tilespmem:s21], [sflag:$0x6], $0x80, v4, vm0, $0xb8;
	[tilespmem:$0x1A100] =	vst v63  }
0x1bd: {  	s21 =	simm.s32 @!p1 $0x17900  }
0x1be: {  	[hbm4b:s12+s23] =	stream.indirect_vreg.scatter @!p1 [tilespmem:s21], [sflag:$0x6], $0x80, v4, vm0, $0xb8;
	[tilespmem:$0x1A100] =	vst v63  }
0x1bf: {  	s21 =	simm.s32 @!p1 $0x18100  }
0x1c0: {  	[hbm4b:s13+s23] =	stream.indirect_vreg.scatter @!p1 [tilespmem:s21], [sflag:$0x6], $0x80, v4, vm0, $0xb8;
	[tilespmem:$0x1A100] =	vst v63  }
0x1c1: {  	s21 =	simm.s32 @!p1 $0x18900  }
0x1c2: {  	[hbm4b:s14+s23] =	stream.indirect_vreg.scatter @!p1 [tilespmem:s21], [sflag:$0x6], $0x80, v4, vm0, $0xb8;
	[tilespmem:$0x1A100] =	vst v63  }
0x1c3: {  	s21 =	simm.s32 @!p1 $0x19100  }
0x1c4: {  	[hbm4b:s15+s23] =	stream.indirect_vreg.scatter @!p1 [tilespmem:s21], [sflag:$0x6], $0x80, v4, vm0, $0xb8;
	[tilespmem:$0x1A100] =	vst v63  }
0x1c5: {  	s21 =	simm.s32 @!p1 $0x19900  }
0x1c6: {  	[hbm4b:s16+s23] =	stream.indirect_vreg.scatter @!p1 [tilespmem:s21], [sflag:$0x6], $0x80, v4, vm0, $0xb8;
	[tilespmem:$0x1A100] =	vst v63  }
0x1c7: {  	p2 =	sgt.u32 @!p1 s3, $0x8;
	s21 =	simm.s32 @!p1 $0x6  }
0x1c8: {  	p2 =	por p2, p1;
	_ =	swait.ge @!p1 [sflag:s21], $0x8000  }
0x1c9: {  	s22 =	simm.s32 @!p2 $0x0;
	s23 =	simm.s32 @!p2 $0x12100;
	[sflag:s21] =	ssyncset.done @!p1 $0x0  }
0x1ca: {  	[sflag:s21] =	ssyncadd.s32 @!p1 $0xFFFF8000;
	s21 =	sadd.s32 @!p2 s1, s18;
	s1 =	sadd.s32 @!p1 $0x3000, s1  }
0x1cb: {  	[tilespmem:s23], [sflag:$0x3] =	stream.linear.gather @!p2 [hbm4b:s21+s22], $0x8000, $0x38;
	[tilespmem:$0x1A100] =	vst v63  }
0x1cc: {  	p2 =	sne.s32 @!p1 s1, $0x21000  }
0x1cd: {  	p2 =	por p1, !p2  }
.Ltmp0:
0x1ce: {  	_ = 	snop;
	(pc) =	sbr.rel @!p2 .LBB2_2-.Ltmp0, $3  }
0x1cf: {  	_ =	sdelay $0x1  }
0x1d0: {  	s3 =	sadd.s32 @!p1 $0x1, s3;
	vm9 =	vcmask $0xF14;
	vm11 =	vcmask $0x171C;
	vm8 =	vcmask $0xB10;
	s0 =	sadd.s32 @!p1 $0x180, s0  }
0x1d1: {  	vm7 =	vcmask $0x70C;
	vm10 =	vcmask $0x1318;
	vm5 =	vcmask $0x308;
	s23 =	simm.s32 $0x3100;
	s22 =	simm.s32 $0x2900;
	s21 =	simm.s32 $0x2100  }
0x1d2: {  	s3 =	rddreg [dreg:$0xb]  }
0x1d3: {  	s0 =	rddreg [dreg:$0xa];
	s3 =	sadd.s32 $0x1, s3  }
0x1d4: {  	p1 =	sne.s32 s3, s0  }
.Ltmp1:
0x1d5: {  	_ = 	snop;
	(pc) =	sbr.rel @p1 .LBB2_1-.Ltmp1, $2  }
0x1d6: {  	_ =	sdelay $0x2  }
0x1d7: {  	s1 =	simm.s32 $0xA100  }
0x1d8: {  	_ =	sfence.sel $0x180000  }
0x1d9: {  	[bflag:$0x0] =	sbarrier.arrive $0xFFFF  }
0x1da: {  	_ =	strace $0x9000004A  }
0x1db: {  	s0 =	stileid.u32;
	[bflag:$0x2] =	sbarrier.arrive $0xFFFF  }
0x1dc: {  	p0 =	sne.s32 s0, $0x0;
	s0 =	rddreg [dreg:$0x4]  }
0x1dd: {  	s0 =	sadd.s32 @!p0 $0x100000, s0  }
0x1de: {  	[sflag:s0] =	ssyncadd.tile.s32 @!p0 $0x1;
	_ =	shalt  }
.Lfunc_end2:
_tile_overlayer_lowered:
.L_overlay_start_2:
0x1df: {  	(tag) =	ssettag $0x2  }
0x1e0: {  	s0 =	rddreg [dreg:$0x0];
	s2 =	stileid.u32  }
0x1e1: {  	s1 =	rddreg [dreg:$0x1];
	p0 =	sne.s32 s2, $0x0  }
0x1e2: {  	s3 =	rddreg [dreg:$0x2];
	[bflag:$0x3] =	sbarrier.arrive $0xFFFF;
	s2 =	simm.s32 @!p0 $0x1C07  }
0x1e3: {  	[timem:s3], [sflag:s2] =	dma.local @!p0 [hbm:s0], s1  }
0x1e4: {  	s0 =	simm.s32 @!p0 $0x7  }
0x1e5: {  	_ =	swait.ge @!p0 [sflag:s0], s1  }
0x1e6: {  	s1 =	ssub.s32 @!p0 $0x0, s1;
	[sflag:s0] =	ssyncset.done @!p0 $0x0  }
0x1e7: {  	[sflag:s0] =	ssyncadd.s32 @!p0 s1  }
0x1e8: {  	[bflag:$0x3] =	sbarrier.arrive $0xFFFF  }
0x1e9: {  	_ =	shalt  }

</sc_bundles>
